<compile_context>
chip_gen: v7x
topology: tpu7x:2x2x1
jax: 0.10.2.dev20260603
libtpu: 0.0.44.dev20260713+nightly
codegen_flags: <defaults>
</compile_context>

<pallas_src>
import functools

import numpy as np

import jax
import jax.numpy as jnp
from jax import lax
from jax.experimental import pallas as pl
from jax.experimental.pallas import tpu as pltpu
from jax.experimental.pallas import tpu_sc as plsc

NC = 2
NS = 16
NW = NC * NS
CHUNK = 64

def _sc_mesh():
    return plsc.VectorSubcoreMesh(core_axis_name="c", subcore_axis_name="s")


def _pad_rows(n):
    return (n // 2048 + 1) * 2048



def _sc_deg_body(dst_hbm, zeros_hbm, out_hbm, dst_v, ones_v, acc, k_chunks,
                 n_pad):
    cid = lax.axis_index("c")
    sid = lax.axis_index("s")
    wid = sid * NC + cid
    rows = n_pad // NS
    base = pl.multiple_of(sid * rows, 128)
    out_base = pl.multiple_of(cid * n_pad + sid * rows, 128)
    pltpu.sync_copy(zeros_hbm.at[pl.ds(base, rows)], acc.at[pl.ds(base, rows)])
    pltpu.sync_copy(dst_hbm.at[wid], dst_v)
    for l in range(CHUNK // 16):
        ones_v[pl.ds(l * 16, 16)] = jnp.ones((16,), jnp.float32)
    plsc.subcore_barrier()

    def body(j, carry):
        pltpu.sync_copy(ones_v, acc.at[dst_v.at[j]], add=True)
        return carry

    lax.fori_loop(0, k_chunks, body, 0)
    plsc.subcore_barrier()
    pltpu.sync_copy(acc.at[pl.ds(base, rows)],
                    out_hbm.at[pl.ds(out_base, rows)])





def _sc_agg_body(y_hbm, src_hbm, dst_hbm, zeros_hbm, out_hbm,
                 sb0, sb1, sb2, sb3, db0, db1, db2, db3,
                 r0, r1, r2, r3, acc,
                 ss0, ss1, ss2, ss3, sd0, sd1, sd2, sd3,
                 g0, g1, g2, g3, c0, c1, c2, c3,
                 k_chunks, n_pad, d):
    sbuf = (sb0, sb1, sb2, sb3)
    dbuf = (db0, db1, db2, db3)
    rows_v = (r0, r1, r2, r3)
    ssem = (ss0, ss1, ss2, ss3)
    dsem = (sd0, sd1, sd2, sd3)
    gsem = (g0, g1, g2, g3)
    csem = (c0, c1, c2, c3)
    cid = lax.axis_index("c")
    sid = lax.axis_index("s")
    wid = sid * NC + cid
    rows = n_pad // NS
    base = pl.multiple_of(sid * rows, 8)
    pltpu.sync_copy(zeros_hbm.at[pl.ds(base, rows)], acc.at[pl.ds(base, rows)])
    plsc.subcore_barrier()

    def fire_sidx(j, q):
        pltpu.async_copy(src_hbm.at[wid, j], sbuf[q], ssem[q])

    def fire_didx(j, q):
        pltpu.async_copy(dst_hbm.at[wid, j], dbuf[q], dsem[q])

    def fire_gather(j, q):
        pltpu.make_async_copy(src_hbm.at[wid, j], sbuf[q], ssem[q]).wait()
        pltpu.async_copy(y_hbm.at[sbuf[q]], rows_v[q], gsem[q])

    def scat_wait(q):
        pltpu.make_async_copy(rows_v[q], acc.at[dbuf[q]], csem[q]).wait()

    for q in range(4):
        fire_sidx(q, q)
    fire_didx(0, 0)
    fire_didx(1, 1)
    fire_gather(0, 0)
    fire_gather(1, 1)

    def body(jj, carry):
        for i in range(4):
            j = jj * 4 + i
            s2 = (i + 2) % 4
            pltpu.make_async_copy(y_hbm.at[sbuf[i]], rows_v[i],
                                  gsem[i]).wait()

            @pl.when(j >= 2)
            def _():
                scat_wait(s2)

            @pl.when(j + 2 < k_chunks)
            def _():
                fire_gather(j + 2, s2)
                fire_didx(j + 2, s2)

            @pl.when(j + 4 < k_chunks)
            def _():
                fire_sidx(j + 4, i)

            pltpu.make_async_copy(dst_hbm.at[wid, j], dbuf[i],
                                  dsem[i]).wait()
            pltpu.async_copy(rows_v[i], acc.at[dbuf[i]], csem[i], add=True)
        return carry

    lax.fori_loop(0, k_chunks // 4, body, 0)
    scat_wait((k_chunks - 2) % 4)
    scat_wait((k_chunks - 1) % 4)
    plsc.subcore_barrier()
    pltpu.sync_copy(acc.at[pl.ds(base, rows)],
                    out_hbm.at[cid, pl.ds(base, rows)])



def _tc_mm_body(x_ref, w_ref, y_ref):
    y_ref[...] = jnp.dot(x_ref[...], w_ref[...],
                         preferred_element_type=jnp.float32)


def _tc_scale_body(xw_ref, d0_ref, d1_ref, y_ref, dinv_ref):
    deg = d0_ref[...] + d1_ref[...] + 1.0
    dinv = lax.rsqrt(deg)
    dinv_ref[...] = dinv
    y_ref[...] = xw_ref[...] * dinv


def _tc_mid_body(s0_ref, s1_ref, y_ref, dinv_ref, b_ref, w_ref, y2_ref):
    dinv = dinv_ref[...]
    h = jnp.maximum(
        dinv * (s0_ref[0] + s1_ref[0] + y_ref[...]) + b_ref[...], 0.0)
    y2_ref[...] = jnp.dot(h, w_ref[...],
                          preferred_element_type=jnp.float32) * dinv


def _tc_out_body(s0_ref, s1_ref, y_ref, dinv_ref, b_ref, o_ref):
    o_ref[...] = jnp.maximum(
        dinv_ref[...] * (s0_ref[0] + s1_ref[0] + y_ref[...])
        + b_ref[...], 0.0)



def kernel(x, edge_index, W0, b0, W1, b1):
    n, d_in = x.shape
    d_hid = W0.shape[1]
    e = edge_index.shape[1]
    n_pad = _pad_rows(n)
    n_pad_a = (n // 128 + 1) * 128
    k_chunks = -(-e // (NW * CHUNK))
    k_chunks = max(4, -(-k_chunks // 4) * 4)
    e_pad = k_chunks * NW * CHUNK
    pad = e_pad - e

    src = edge_index[0].astype(jnp.int32)
    dst = edge_index[1].astype(jnp.int32)
    if pad:
        fill = np.arange(pad, dtype=np.int32)
        src = jnp.concatenate([src, jnp.asarray(fill % n)])
        dst = jnp.concatenate([dst, jnp.asarray(n + fill % (n_pad_a - n))])
    src_slab = src.reshape(NW, k_chunks, CHUNK)
    dst_slab = dst.reshape(NW, k_chunks, CHUNK)
    zeros1 = jnp.asarray(np.zeros((n_pad,), np.float32))
    zeros2 = jnp.asarray(np.zeros((n_pad_a, d_hid), np.float32))

    deg_fn = pl.kernel(
        functools.partial(_sc_deg_body, k_chunks=k_chunks, n_pad=n_pad),
        out_type=jax.ShapeDtypeStruct((NC * n_pad,), jnp.float32),
        mesh=_sc_mesh(),
        scratch_types=[
            pltpu.VMEM((k_chunks, CHUNK), jnp.int32),
            pltpu.VMEM((CHUNK,), jnp.float32),
            pltpu.VMEM_SHARED((n_pad,), jnp.float32),
        ],
    )
    degp = deg_fn(dst_slab, zeros1).reshape(NC * n_pad, 1)

    agg_fn = pl.kernel(
        functools.partial(_sc_agg_body, k_chunks=k_chunks, n_pad=n_pad_a,
                          d=d_hid),
        out_type=jax.ShapeDtypeStruct((NC, n_pad_a, d_hid), jnp.float32),
        mesh=_sc_mesh(),
        scratch_types=[pltpu.VMEM((CHUNK,), jnp.int32)] * 8
        + [pltpu.VMEM((CHUNK, d_hid), jnp.float32)] * 4 + [
            pltpu.VMEM_SHARED((n_pad_a, d_hid), jnp.float32),
        ] + [pltpu.SemaphoreType.DMA] * 16,
    )

    bm = 2048
    grid = (-(-n // bm),)
    row_spec = pl.BlockSpec((bm, d_hid), lambda i: (i, 0))
    col_spec = pl.BlockSpec((bm, 1), lambda i: (i, 0))
    w_spec = pl.BlockSpec((d_in, d_hid), lambda i: (0, 0))
    b_spec = pl.BlockSpec((1, d_hid), lambda i: (0, 0))

    xw1 = pl.pallas_call(
        _tc_mm_body,
        grid=grid,
        in_specs=[pl.BlockSpec((bm, d_in), lambda i: (i, 0)), w_spec],
        out_specs=row_spec,
        out_shape=jax.ShapeDtypeStruct((n, d_hid), jnp.float32),
    )(x, W0)

    off = n_pad // bm
    d0_spec = pl.BlockSpec((bm, 1), lambda i: (i, 0))
    d1_spec = pl.BlockSpec((bm, 1), lambda i: (i + off, 0))
    y1, dinv = pl.pallas_call(
        _tc_scale_body,
        grid=grid,
        in_specs=[row_spec, d0_spec, d1_spec],
        out_specs=[row_spec, col_spec],
        out_shape=[jax.ShapeDtypeStruct((n, d_hid), jnp.float32),
                   jax.ShapeDtypeStruct((n, 1), jnp.float32)],
    )(xw1, degp, degp)

    s_spec0 = pl.BlockSpec((1, bm, d_hid), lambda i: (0, i, 0))
    s_spec1 = pl.BlockSpec((1, bm, d_hid), lambda i: (1, i, 0))

    s1 = agg_fn(y1, src_slab, dst_slab, zeros2)
    y2 = pl.pallas_call(
        _tc_mid_body,
        grid=grid,
        in_specs=[s_spec0, s_spec1, row_spec, col_spec, b_spec, w_spec],
        out_specs=row_spec,
        out_shape=jax.ShapeDtypeStruct((n, d_hid), jnp.float32),
    )(s1, s1, y1, dinv, b0[None, :], W1)

    s2 = agg_fn(y2, src_slab, dst_slab, zeros2)
    out = pl.pallas_call(
        _tc_out_body,
        grid=grid,
        in_specs=[s_spec0, s_spec1, row_spec, col_spec, b_spec],
        out_specs=row_spec,
        out_shape=jax.ShapeDtypeStruct((n, d_hid), jnp.float32),
    )(s2, s2, y2, dinv, b1[None, :])
    return out

# --- scband reference (transcript-rebuilt; emitter-appended) ---
"""Pipeline reference for scband-gcnmodule-27401891348679 (READ-ONLY COPY).

The authoritative reference and input builder live on the scoring server;
editing this copy changes nothing except your own understanding.
"""

import jax, jax.numpy as jnp
import numpy as np

N = 10000
E = 320000
D_IN = 128
D_HID = 128


def gcn_conv(x, edge_index, W, b):
    n = x.shape[0]
    src = edge_index[0]
    dst = edge_index[1]
    # add self loops (PyG GCNConv default add_self_loops=True)
    loop = jnp.arange(n, dtype=src.dtype)
    src = jnp.concatenate([src, loop])
    dst = jnp.concatenate([dst, loop])
    # linear transform first (bias added after propagation, as in PyG)
    xw = x @ W
    # symmetric normalization D^-1/2 A_hat D^-1/2
    deg = jnp.zeros((n,), dtype=xw.dtype).at[dst].add(1.0)
    dinv = jnp.where(deg > 0, deg ** -0.5, 0.0)
    norm = dinv[src] * dinv[dst]
    # gather messages and scatter-add to destination nodes
    msgs = xw[src] * norm[:, None]
    out = jnp.zeros_like(xw).at[dst].add(msgs)
    return out + b


def setup_inputs(seed: int = 0):
    key = jax.random.key(seed)
    k1, k2, k3, k4, k5, k6 = jax.random.split(key, 6)
    x = jax.random.normal(k1, (N, D_IN), dtype=jnp.float32)
    edge_index = jax.random.randint(k2, (2, E), 0, N)
    W0 = jax.random.normal(k3, (D_IN, D_HID), dtype=jnp.float32) * 0.05
    b0 = jnp.zeros((D_HID,), dtype=jnp.float32)
    W1 = jax.random.normal(k4, (D_HID, D_HID), dtype=jnp.float32) * 0.05
    b1 = jnp.zeros((D_HID,), dtype=jnp.float32)
    return {"x": x, "edge_index": edge_index, "W0": W0, "b0": b0, "W1": W1, "b1": b1}


def reference(x, edge_index, W0, b0, W1, b1):
    h = jax.nn.relu(gcn_conv(x, edge_index, W0, b0))
    h = jax.nn.relu(gcn_conv(h, edge_index, W1, b1))
    return h

if __name__ == "__main__":
    import jax
    _d = setup_inputs()
    print(jax.jit(kernel)(*tuple(_d.values())))

</pallas_src>

<mosaic_0001>
#map = affine_map<(d0, d1) -> (0, 0)>
#map1 = affine_map<(d0, d1) -> (0, 0, 0)>
module attributes {stable_mosaic.version = 14 : i64} {
  func.func @_sc_agg_body(%arg0: i32, %arg1: i32, %arg2: memref<10000x128xf32, #tpu.memory_space<hbm>>, %arg3: memref<32x160x64xi32, #tpu.memory_space<hbm>>, %arg4: memref<32x160x64xi32, #tpu.memory_space<hbm>>, %arg5: memref<10112x128xf32, #tpu.memory_space<hbm>>, %arg6: memref<2x10112x128xf32, #tpu.memory_space<hbm>>, %arg7: memref<64xi32, #tpu.memory_space<vmem>>, %arg8: memref<64xi32, #tpu.memory_space<vmem>>, %arg9: memref<64xi32, #tpu.memory_space<vmem>>, %arg10: memref<64xi32, #tpu.memory_space<vmem>>, %arg11: memref<64xi32, #tpu.memory_space<vmem>>, %arg12: memref<64xi32, #tpu.memory_space<vmem>>, %arg13: memref<64xi32, #tpu.memory_space<vmem>>, %arg14: memref<64xi32, #tpu.memory_space<vmem>>, %arg15: memref<64x128xf32, #tpu.memory_space<vmem>>, %arg16: memref<64x128xf32, #tpu.memory_space<vmem>>, %arg17: memref<64x128xf32, #tpu.memory_space<vmem>>, %arg18: memref<64x128xf32, #tpu.memory_space<vmem>>, %arg19: memref<10112x128xf32, #tpu.memory_space<vmem_shared>>, %arg20: memref<!tpu.dma_semaphore, #tpu.memory_space<semaphore_mem>>, %arg21: memref<!tpu.dma_semaphore, #tpu.memory_space<semaphore_mem>>, %arg22: memref<!tpu.dma_semaphore, #tpu.memory_space<semaphore_mem>>, %arg23: memref<!tpu.dma_semaphore, #tpu.memory_space<semaphore_mem>>, %arg24: memref<!tpu.dma_semaphore, #tpu.memory_space<semaphore_mem>>, %arg25: memref<!tpu.dma_semaphore, #tpu.memory_space<semaphore_mem>>, %arg26: memref<!tpu.dma_semaphore, #tpu.memory_space<semaphore_mem>>, %arg27: memref<!tpu.dma_semaphore, #tpu.memory_space<semaphore_mem>>, %arg28: memref<!tpu.dma_semaphore, #tpu.memory_space<semaphore_mem>>, %arg29: memref<!tpu.dma_semaphore, #tpu.memory_space<semaphore_mem>>, %arg30: memref<!tpu.dma_semaphore, #tpu.memory_space<semaphore_mem>>, %arg31: memref<!tpu.dma_semaphore, #tpu.memory_space<semaphore_mem>>, %arg32: memref<!tpu.dma_semaphore, #tpu.memory_space<semaphore_mem>>, %arg33: memref<!tpu.dma_semaphore, #tpu.memory_space<semaphore_mem>>, %arg34: memref<!tpu.dma_semaphore, #tpu.memory_space<semaphore_mem>>, %arg35: memref<!tpu.dma_semaphore, #tpu.memory_space<semaphore_mem>>) attributes {dimension_semantics = [#tpu.dimension_semantics<core_parallel>, #tpu.dimension_semantics<subcore_parallel>], iteration_bounds = array<i64: 2, 16>, scalar_prefetch = 0 : i64, scratch_operands = 29 : i64, tpu.core_type = #tpu.core_type<sc_vector_subcore>, window_params = [{transform_indices = #map}, {transform_indices = #map1}, {transform_indices = #map1}, {transform_indices = #map}, {transform_indices = #map1}]} {
    %mul3A = arith.constant 2 : i32
    %mul3A_0 = arith.muli %arg1, %mul3A : i32
    %add3A = arith.addi %mul3A_0, %arg0 : i32
    %mul3A_1 = arith.constant 632 : i32
    %mul3A_2 = arith.muli %arg1, %mul3A_1 : i32
    %multiple_of3A = tpu.assume_multiple %mul3A_2, 8 : i32
    "tpu.region"() ({
      %run_scoped3A = tpu.sem_alloc : memref<!tpu.dma_semaphore, #tpu.memory_space<semaphore_mem>>
      %dma_start3A_75 = arith.constant 0 : i32
      %dma_start3A_76 = tpu.memref_slice %arg19[%multiple_of3A, %dma_start3A_75] : memref<10112x128xf32, #tpu.memory_space<vmem_shared>> -> memref<632x128xf32, #tpu.memory_space<vmem_shared>>
      %dma_start3A_77 = arith.constant 0 : i32
      %dma_start3A_78 = tpu.memref_slice %arg5[%multiple_of3A, %dma_start3A_77] : memref<10112x128xf32, #tpu.memory_space<hbm>> -> memref<632x128xf32, #tpu.memory_space<hbm>>
      tpu.enqueue_dma source(%dma_start3A_78 : memref<632x128xf32, #tpu.memory_space<hbm>>) target(%dma_start3A_76 : memref<632x128xf32, #tpu.memory_space<vmem_shared>>) target_semaphore(%run_scoped3A : memref<!tpu.dma_semaphore, #tpu.memory_space<semaphore_mem>>)
      %dma_wait3A_79 = arith.constant 0 : i32
      %dma_wait3A_80 = tpu.memref_slice %arg19[%multiple_of3A, %dma_wait3A_79] : memref<10112x128xf32, #tpu.memory_space<vmem_shared>> -> memref<632x128xf32, #tpu.memory_space<vmem_shared>>
      %dma_wait3A_81 = arith.constant 0 : i32
      %dma_wait3A_82 = tpu.memref_slice %arg5[%multiple_of3A, %dma_wait3A_81] : memref<10112x128xf32, #tpu.memory_space<hbm>> -> memref<632x128xf32, #tpu.memory_space<hbm>>
      tpu.wait_dma2 semaphore(%run_scoped3A : memref<!tpu.dma_semaphore, #tpu.memory_space<semaphore_mem>>) src(%dma_wait3A_82 : memref<632x128xf32, #tpu.memory_space<hbm>>) dst(%dma_wait3A_80 : memref<632x128xf32, #tpu.memory_space<vmem_shared>>)
      tpu.yield
    }) : () -> ()
    %barrier3A = arith.constant 0 : index
    tpu.barrier barrier_id(%barrier3A)
    %dma_start3A = arith.constant 0 : i32
    %dma_start3A_3 = arith.constant 0 : i32
    %dma_start3A_4 = tpu.memref_slice %arg3[%add3A, %dma_start3A, %dma_start3A_3] : memref<32x160x64xi32, #tpu.memory_space<hbm>> -> memref<1x1x64xi32, #tpu.memory_space<hbm>>
    %dma_start3A_5 = tpu.memref_squeeze %dma_start3A_4 : memref<1x1x64xi32, #tpu.memory_space<hbm>> -> memref<64xi32, #tpu.memory_space<hbm>>
    %dma_start3A_6 = arith.constant 0 : i32
    %dma_start3A_7 = tpu.memref_slice %arg3[%add3A, %dma_start3A, %dma_start3A_6] : memref<32x160x64xi32, #tpu.memory_space<hbm>> -> memref<1x1x64xi32, #tpu.memory_space<hbm>>
    %dma_start3A_8 = tpu.memref_squeeze %dma_start3A_7 : memref<1x1x64xi32, #tpu.memory_space<hbm>> -> memref<64xi32, #tpu.memory_space<hbm>>
    tpu.enqueue_dma source(%dma_start3A_8 : memref<64xi32, #tpu.memory_space<hbm>>) target(%arg7 : memref<64xi32, #tpu.memory_space<vmem>>) target_semaphore(%arg20 : memref<!tpu.dma_semaphore, #tpu.memory_space<semaphore_mem>>)
    %dma_start3A_9 = arith.constant 1 : i32
    %dma_start3A_10 = arith.constant 0 : i32
    %dma_start3A_11 = tpu.memref_slice %arg3[%add3A, %dma_start3A_9, %dma_start3A_10] : memref<32x160x64xi32, #tpu.memory_space<hbm>> -> memref<1x1x64xi32, #tpu.memory_space<hbm>>
    %dma_start3A_12 = tpu.memref_squeeze %dma_start3A_11 : memref<1x1x64xi32, #tpu.memory_space<hbm>> -> memref<64xi32, #tpu.memory_space<hbm>>
    %dma_start3A_13 = arith.constant 0 : i32
    %dma_start3A_14 = tpu.memref_slice %arg3[%add3A, %dma_start3A_9, %dma_start3A_13] : memref<32x160x64xi32, #tpu.memory_space<hbm>> -> memref<1x1x64xi32, #tpu.memory_space<hbm>>
    %dma_start3A_15 = tpu.memref_squeeze %dma_start3A_14 : memref<1x1x64xi32, #tpu.memory_space<hbm>> -> memref<64xi32, #tpu.memory_space<hbm>>
    tpu.enqueue_dma source(%dma_start3A_15 : memref<64xi32, #tpu.memory_space<hbm>>) target(%arg8 : memref<64xi32, #tpu.memory_space<vmem>>) target_semaphore(%arg21 : memref<!tpu.dma_semaphore, #tpu.memory_space<semaphore_mem>>)
    %dma_start3A_16 = arith.constant 2 : i32
    %dma_start3A_17 = arith.constant 0 : i32
    %dma_start3A_18 = tpu.memref_slice %arg3[%add3A, %dma_start3A_16, %dma_start3A_17] : memref<32x160x64xi32, #tpu.memory_space<hbm>> -> memref<1x1x64xi32, #tpu.memory_space<hbm>>
    %dma_start3A_19 = tpu.memref_squeeze %dma_start3A_18 : memref<1x1x64xi32, #tpu.memory_space<hbm>> -> memref<64xi32, #tpu.memory_space<hbm>>
    %dma_start3A_20 = arith.constant 0 : i32
    %dma_start3A_21 = tpu.memref_slice %arg3[%add3A, %dma_start3A_16, %dma_start3A_20] : memref<32x160x64xi32, #tpu.memory_space<hbm>> -> memref<1x1x64xi32, #tpu.memory_space<hbm>>
    %dma_start3A_22 = tpu.memref_squeeze %dma_start3A_21 : memref<1x1x64xi32, #tpu.memory_space<hbm>> -> memref<64xi32, #tpu.memory_space<hbm>>
    tpu.enqueue_dma source(%dma_start3A_22 : memref<64xi32, #tpu.memory_space<hbm>>) target(%arg9 : memref<64xi32, #tpu.memory_space<vmem>>) target_semaphore(%arg22 : memref<!tpu.dma_semaphore, #tpu.memory_space<semaphore_mem>>)
    %dma_start3A_23 = arith.constant 3 : i32
    %dma_start3A_24 = arith.constant 0 : i32
    %dma_start3A_25 = tpu.memref_slice %arg3[%add3A, %dma_start3A_23, %dma_start3A_24] : memref<32x160x64xi32, #tpu.memory_space<hbm>> -> memref<1x1x64xi32, #tpu.memory_space<hbm>>
    %dma_start3A_26 = tpu.memref_squeeze %dma_start3A_25 : memref<1x1x64xi32, #tpu.memory_space<hbm>> -> memref<64xi32, #tpu.memory_space<hbm>>
    %dma_start3A_27 = arith.constant 0 : i32
    %dma_start3A_28 = tpu.memref_slice %arg3[%add3A, %dma_start3A_23, %dma_start3A_27] : memref<32x160x64xi32, #tpu.memory_space<hbm>> -> memref<1x1x64xi32, #tpu.memory_space<hbm>>
    %dma_start3A_29 = tpu.memref_squeeze %dma_start3A_28 : memref<1x1x64xi32, #tpu.memory_space<hbm>> -> memref<64xi32, #tpu.memory_space<hbm>>
    tpu.enqueue_dma source(%dma_start3A_29 : memref<64xi32, #tpu.memory_space<hbm>>) target(%arg10 : memref<64xi32, #tpu.memory_space<vmem>>) target_semaphore(%arg23 : memref<!tpu.dma_semaphore, #tpu.memory_space<semaphore_mem>>)
    %dma_start3A_30 = arith.constant 0 : i32
    %dma_start3A_31 = arith.constant 0 : i32
    %dma_start3A_32 = tpu.memref_slice %arg4[%add3A, %dma_start3A_30, %dma_start3A_31] : memref<32x160x64xi32, #tpu.memory_space<hbm>> -> memref<1x1x64xi32, #tpu.memory_space<hbm>>
    %dma_start3A_33 = tpu.memref_squeeze %dma_start3A_32 : memref<1x1x64xi32, #tpu.memory_space<hbm>> -> memref<64xi32, #tpu.memory_space<hbm>>
    %dma_start3A_34 = arith.constant 0 : i32
    %dma_start3A_35 = tpu.memref_slice %arg4[%add3A, %dma_start3A_30, %dma_start3A_34] : memref<32x160x64xi32, #tpu.memory_space<hbm>> -> memref<1x1x64xi32, #tpu.memory_space<hbm>>
    %dma_start3A_36 = tpu.memref_squeeze %dma_start3A_35 : memref<1x1x64xi32, #tpu.memory_space<hbm>> -> memref<64xi32, #tpu.memory_space<hbm>>
    tpu.enqueue_dma source(%dma_start3A_36 : memref<64xi32, #tpu.memory_space<hbm>>) target(%arg11 : memref<64xi32, #tpu.memory_space<vmem>>) target_semaphore(%arg24 : memref<!tpu.dma_semaphore, #tpu.memory_space<semaphore_mem>>)
    %dma_start3A_37 = arith.constant 1 : i32
    %dma_start3A_38 = arith.constant 0 : i32
    %dma_start3A_39 = tpu.memref_slice %arg4[%add3A, %dma_start3A_37, %dma_start3A_38] : memref<32x160x64xi32, #tpu.memory_space<hbm>> -> memref<1x1x64xi32, #tpu.memory_space<hbm>>
    %dma_start3A_40 = tpu.memref_squeeze %dma_start3A_39 : memref<1x1x64xi32, #tpu.memory_space<hbm>> -> memref<64xi32, #tpu.memory_space<hbm>>
    %dma_start3A_41 = arith.constant 0 : i32
    %dma_start3A_42 = tpu.memref_slice %arg4[%add3A, %dma_start3A_37, %dma_start3A_41] : memref<32x160x64xi32, #tpu.memory_space<hbm>> -> memref<1x1x64xi32, #tpu.memory_space<hbm>>
    %dma_start3A_43 = tpu.memref_squeeze %dma_start3A_42 : memref<1x1x64xi32, #tpu.memory_space<hbm>> -> memref<64xi32, #tpu.memory_space<hbm>>
    tpu.enqueue_dma source(%dma_start3A_43 : memref<64xi32, #tpu.memory_space<hbm>>) target(%arg12 : memref<64xi32, #tpu.memory_space<vmem>>) target_semaphore(%arg25 : memref<!tpu.dma_semaphore, #tpu.memory_space<semaphore_mem>>)
    %dma_wait3A = arith.constant 0 : i32
    %dma_wait3A_44 = arith.constant 0 : i32
    %dma_wait3A_45 = tpu.memref_slice %arg3[%add3A, %dma_wait3A, %dma_wait3A_44] : memref<32x160x64xi32, #tpu.memory_space<hbm>> -> memref<1x1x64xi32, #tpu.memory_space<hbm>>
    %dma_wait3A_46 = tpu.memref_squeeze %dma_wait3A_45 : memref<1x1x64xi32, #tpu.memory_space<hbm>> -> memref<64xi32, #tpu.memory_space<hbm>>
    %dma_wait3A_47 = arith.constant 0 : i32
    %dma_wait3A_48 = tpu.memref_slice %arg3[%add3A, %dma_wait3A, %dma_wait3A_47] : memref<32x160x64xi32, #tpu.memory_space<hbm>> -> memref<1x1x64xi32, #tpu.memory_space<hbm>>
    %dma_wait3A_49 = tpu.memref_squeeze %dma_wait3A_48 : memref<1x1x64xi32, #tpu.memory_space<hbm>> -> memref<64xi32, #tpu.memory_space<hbm>>
    tpu.wait_dma2 semaphore(%arg20 : memref<!tpu.dma_semaphore, #tpu.memory_space<semaphore_mem>>) src(%dma_wait3A_49 : memref<64xi32, #tpu.memory_space<hbm>>) dst(%arg7 : memref<64xi32, #tpu.memory_space<vmem>>)
    %dma_start3A_50 = arith.constant 0 : i32
    %dma_start3A_51 = arith.constant 0 : i32
    %dma_start3A_52 = tpu.memref_slice %arg2[%dma_start3A_50, %dma_start3A_51] : memref<10000x128xf32, #tpu.memory_space<hbm>> -> memref<10000x128xf32, #tpu.memory_space<hbm>>
    tpu.enqueue_indirect_dma source(%dma_start3A_52 : memref<10000x128xf32, #tpu.memory_space<hbm>>) target(%arg15 : memref<64x128xf32, #tpu.memory_space<vmem>>) offsets(%arg7 : memref<64xi32, #tpu.memory_space<vmem>>) semaphore(%arg28 : memref<!tpu.dma_semaphore, #tpu.memory_space<semaphore_mem>>)
    %dma_wait3A_53 = arith.constant 1 : i32
    %dma_wait3A_54 = arith.constant 0 : i32
    %dma_wait3A_55 = tpu.memref_slice %arg3[%add3A, %dma_wait3A_53, %dma_wait3A_54] : memref<32x160x64xi32, #tpu.memory_space<hbm>> -> memref<1x1x64xi32, #tpu.memory_space<hbm>>
    %dma_wait3A_56 = tpu.memref_squeeze %dma_wait3A_55 : memref<1x1x64xi32, #tpu.memory_space<hbm>> -> memref<64xi32, #tpu.memory_space<hbm>>
    %dma_wait3A_57 = arith.constant 0 : i32
    %dma_wait3A_58 = tpu.memref_slice %arg3[%add3A, %dma_wait3A_53, %dma_wait3A_57] : memref<32x160x64xi32, #tpu.memory_space<hbm>> -> memref<1x1x64xi32, #tpu.memory_space<hbm>>
    %dma_wait3A_59 = tpu.memref_squeeze %dma_wait3A_58 : memref<1x1x64xi32, #tpu.memory_space<hbm>> -> memref<64xi32, #tpu.memory_space<hbm>>
    tpu.wait_dma2 semaphore(%arg21 : memref<!tpu.dma_semaphore, #tpu.memory_space<semaphore_mem>>) src(%dma_wait3A_59 : memref<64xi32, #tpu.memory_space<hbm>>) dst(%arg8 : memref<64xi32, #tpu.memory_space<vmem>>)
    %dma_start3A_60 = arith.constant 0 : i32
    %dma_start3A_61 = arith.constant 0 : i32
    %dma_start3A_62 = tpu.memref_slice %arg2[%dma_start3A_60, %dma_start3A_61] : memref<10000x128xf32, #tpu.memory_space<hbm>> -> memref<10000x128xf32, #tpu.memory_space<hbm>>
    tpu.enqueue_indirect_dma source(%dma_start3A_62 : memref<10000x128xf32, #tpu.memory_space<hbm>>) target(%arg16 : memref<64x128xf32, #tpu.memory_space<vmem>>) offsets(%arg8 : memref<64xi32, #tpu.memory_space<vmem>>) semaphore(%arg29 : memref<!tpu.dma_semaphore, #tpu.memory_space<semaphore_mem>>)
    %scan3A = arith.constant 0 : i32
    %scan3A_63 = arith.constant 0 : i32
    %scan3A_64 = arith.constant 40 : i32
    %scan3A_65 = arith.addi %scan3A_63, %scan3A_64 : i32
    %scan3A_66 = arith.constant 1 : i32
    scf.for %scan3A_75 = %scan3A_63 to %scan3A_65 step %scan3A_66  : i32 {
      %mul3A_76 = arith.constant 4 : i32
      %mul3A_77 = arith.muli %scan3A_75, %mul3A_76 : i32
      %add3A_78 = arith.constant 0 : i32
      %add3A_79 = arith.addi %mul3A_77, %add3A_78 : i32
      %dma_wait3A_80 = arith.constant 0 : i32
      %dma_wait3A_81 = arith.constant 0 : i32
      %dma_wait3A_82 = tpu.memref_slice %arg2[%dma_wait3A_80, %dma_wait3A_81] : memref<10000x128xf32, #tpu.memory_space<hbm>> -> memref<10000x128xf32, #tpu.memory_space<hbm>>
      tpu.wait_indirect_dma semaphore(%arg28 : memref<!tpu.dma_semaphore, #tpu.memory_space<semaphore_mem>>) src(%dma_wait3A_82 : memref<10000x128xf32, #tpu.memory_space<hbm>>) dst(%arg15 : memref<64x128xf32, #tpu.memory_space<vmem>>)
      %ge3A = arith.constant 2 : i32
      %ge3A_83 = arith.cmpi sge, %add3A_79, %ge3A : i32
      %convert_element_type3A = arith.extui %ge3A_83 : i1 to i32
      %cond3A = arith.constant 0 : i32
      %cond3A_84 = arith.cmpi ne, %convert_element_type3A, %cond3A : i32
      scf.if %cond3A_84 {
        %dma_wait3A_212 = arith.constant 0 : i32
        %dma_wait3A_213 = arith.constant 0 : i32
        %dma_wait3A_214 = tpu.memref_slice %arg19[%dma_wait3A_212, %dma_wait3A_213] : memref<10112x128xf32, #tpu.memory_space<vmem_shared>> -> memref<10112x128xf32, #tpu.memory_space<vmem_shared>>
        tpu.wait_indirect_dma semaphore(%arg34 : memref<!tpu.dma_semaphore, #tpu.memory_space<semaphore_mem>>) src(%arg17 : memref<64x128xf32, #tpu.memory_space<vmem>>) dst(%dma_wait3A_214 : memref<10112x128xf32, #tpu.memory_space<vmem_shared>>)
      } else {
      }
      %add3A_85 = arith.constant 2 : i32
      %add3A_86 = arith.addi %add3A_79, %add3A_85 : i32
      %lt3A = arith.constant 160 : i32
      %lt3A_87 = arith.cmpi slt, %add3A_86, %lt3A : i32
      %convert_element_type3A_88 = arith.extui %lt3A_87 : i1 to i32
      %cond3A_89 = arith.constant 0 : i32
      %cond3A_90 = arith.cmpi ne, %convert_element_type3A_88, %cond3A_89 : i32
      scf.if %cond3A_90 {
        %add3A_212 = arith.constant 2 : i32
        %add3A_213 = arith.addi %add3A_79, %add3A_212 : i32
        %dma_wait3A_214 = arith.constant 0 : i32
        %dma_wait3A_215 = tpu.memref_slice %arg3[%add3A, %add3A_213, %dma_wait3A_214] : memref<32x160x64xi32, #tpu.memory_space<hbm>> -> memref<1x1x64xi32, #tpu.memory_space<hbm>>
        %dma_wait3A_216 = tpu.memref_squeeze %dma_wait3A_215 : memref<1x1x64xi32, #tpu.memory_space<hbm>> -> memref<64xi32, #tpu.memory_space<hbm>>
        %dma_wait3A_217 = arith.constant 0 : i32
        %dma_wait3A_218 = tpu.memref_slice %arg3[%add3A, %add3A_213, %dma_wait3A_217] : memref<32x160x64xi32, #tpu.memory_space<hbm>> -> memref<1x1x64xi32, #tpu.memory_space<hbm>>
        %dma_wait3A_219 = tpu.memref_squeeze %dma_wait3A_218 : memref<1x1x64xi32, #tpu.memory_space<hbm>> -> memref<64xi32, #tpu.memory_space<hbm>>
        tpu.wait_dma2 semaphore(%arg22 : memref<!tpu.dma_semaphore, #tpu.memory_space<semaphore_mem>>) src(%dma_wait3A_219 : memref<64xi32, #tpu.memory_space<hbm>>) dst(%arg9 : memref<64xi32, #tpu.memory_space<vmem>>)
        %dma_start3A_220 = arith.constant 0 : i32
        %dma_start3A_221 = arith.constant 0 : i32
        %dma_start3A_222 = tpu.memref_slice %arg2[%dma_start3A_220, %dma_start3A_221] : memref<10000x128xf32, #tpu.memory_space<hbm>> -> memref<10000x128xf32, #tpu.memory_space<hbm>>
        tpu.enqueue_indirect_dma source(%dma_start3A_222 : memref<10000x128xf32, #tpu.memory_space<hbm>>) target(%arg17 : memref<64x128xf32, #tpu.memory_space<vmem>>) offsets(%arg9 : memref<64xi32, #tpu.memory_space<vmem>>) semaphore(%arg30 : memref<!tpu.dma_semaphore, #tpu.memory_space<semaphore_mem>>)
        %add3A_223 = arith.constant 2 : i32
        %add3A_224 = arith.addi %add3A_79, %add3A_223 : i32
        %dma_start3A_225 = arith.constant 0 : i32
        %dma_start3A_226 = tpu.memref_slice %arg4[%add3A, %add3A_224, %dma_start3A_225] : memref<32x160x64xi32, #tpu.memory_space<hbm>> -> memref<1x1x64xi32, #tpu.memory_space<hbm>>
        %dma_start3A_227 = tpu.memref_squeeze %dma_start3A_226 : memref<1x1x64xi32, #tpu.memory_space<hbm>> -> memref<64xi32, #tpu.memory_space<hbm>>
        %dma_start3A_228 = arith.constant 0 : i32
        %dma_start3A_229 = tpu.memref_slice %arg4[%add3A, %add3A_224, %dma_start3A_228] : memref<32x160x64xi32, #tpu.memory_space<hbm>> -> memref<1x1x64xi32, #tpu.memory_space<hbm>>
        %dma_start3A_230 = tpu.memref_squeeze %dma_start3A_229 : memref<1x1x64xi32, #tpu.memory_space<hbm>> -> memref<64xi32, #tpu.memory_space<hbm>>
        tpu.enqueue_dma source(%dma_start3A_230 : memref<64xi32, #tpu.memory_space<hbm>>) target(%arg13 : memref<64xi32, #tpu.memory_space<vmem>>) target_semaphore(%arg26 : memref<!tpu.dma_semaphore, #tpu.memory_space<semaphore_mem>>)
      } else {
      }
      %add3A_91 = arith.constant 4 : i32
      %add3A_92 = arith.addi %add3A_79, %add3A_91 : i32
      %lt3A_93 = arith.constant 160 : i32
      %lt3A_94 = arith.cmpi slt, %add3A_92, %lt3A_93 : i32
      %convert_element_type3A_95 = arith.extui %lt3A_94 : i1 to i32
      %cond3A_96 = arith.constant 0 : i32
      %cond3A_97 = arith.cmpi ne, %convert_element_type3A_95, %cond3A_96 : i32
      scf.if %cond3A_97 {
        %add3A_212 = arith.constant 4 : i32
        %add3A_213 = arith.addi %add3A_79, %add3A_212 : i32
        %dma_start3A_214 = arith.constant 0 : i32
        %dma_start3A_215 = tpu.memref_slice %arg3[%add3A, %add3A_213, %dma_start3A_214] : memref<32x160x64xi32, #tpu.memory_space<hbm>> -> memref<1x1x64xi32, #tpu.memory_space<hbm>>
        %dma_start3A_216 = tpu.memref_squeeze %dma_start3A_215 : memref<1x1x64xi32, #tpu.memory_space<hbm>> -> memref<64xi32, #tpu.memory_space<hbm>>
        %dma_start3A_217 = arith.constant 0 : i32
        %dma_start3A_218 = tpu.memref_slice %arg3[%add3A, %add3A_213, %dma_start3A_217] : memref<32x160x64xi32, #tpu.memory_space<hbm>> -> memref<1x1x64xi32, #tpu.memory_space<hbm>>
        %dma_start3A_219 = tpu.memref_squeeze %dma_start3A_218 : memref<1x1x64xi32, #tpu.memory_space<hbm>> -> memref<64xi32, #tpu.memory_space<hbm>>
        tpu.enqueue_dma source(%dma_start3A_219 : memref<64xi32, #tpu.memory_space<hbm>>) target(%arg7 : memref<64xi32, #tpu.memory_space<vmem>>) target_semaphore(%arg20 : memref<!tpu.dma_semaphore, #tpu.memory_space<semaphore_mem>>)
      } else {
      }
      %dma_wait3A_98 = arith.constant 0 : i32
      %dma_wait3A_99 = tpu.memref_slice %arg4[%add3A, %add3A_79, %dma_wait3A_98] : memref<32x160x64xi32, #tpu.memory_space<hbm>> -> memref<1x1x64xi32, #tpu.memory_space<hbm>>
      %dma_wait3A_100 = tpu.memref_squeeze %dma_wait3A_99 : memref<1x1x64xi32, #tpu.memory_space<hbm>> -> memref<64xi32, #tpu.memory_space<hbm>>
      %dma_wait3A_101 = arith.constant 0 : i32
      %dma_wait3A_102 = tpu.memref_slice %arg4[%add3A, %add3A_79, %dma_wait3A_101] : memref<32x160x64xi32, #tpu.memory_space<hbm>> -> memref<1x1x64xi32, #tpu.memory_space<hbm>>
      %dma_wait3A_103 = tpu.memref_squeeze %dma_wait3A_102 : memref<1x1x64xi32, #tpu.memory_space<hbm>> -> memref<64xi32, #tpu.memory_space<hbm>>
      tpu.wait_dma2 semaphore(%arg24 : memref<!tpu.dma_semaphore, #tpu.memory_space<semaphore_mem>>) src(%dma_wait3A_103 : memref<64xi32, #tpu.memory_space<hbm>>) dst(%arg11 : memref<64xi32, #tpu.memory_space<vmem>>)
      %dma_start3A_104 = arith.constant 0 : i32
      %dma_start3A_105 = arith.constant 0 : i32
      %dma_start3A_106 = tpu.memref_slice %arg19[%dma_start3A_104, %dma_start3A_105] : memref<10112x128xf32, #tpu.memory_space<vmem_shared>> -> memref<10112x128xf32, #tpu.memory_space<vmem_shared>>
      tpu.enqueue_indirect_dma source(%arg15 : memref<64x128xf32, #tpu.memory_space<vmem>>) target(%dma_start3A_106 : memref<10112x128xf32, #tpu.memory_space<vmem_shared>>) offsets(%arg11 : memref<64xi32, #tpu.memory_space<vmem>>) semaphore(%arg32 : memref<!tpu.dma_semaphore, #tpu.memory_space<semaphore_mem>>) {add = true}
      %mul3A_107 = arith.constant 4 : i32
      %mul3A_108 = arith.muli %scan3A_75, %mul3A_107 : i32
      %add3A_109 = arith.constant 1 : i32
      %add3A_110 = arith.addi %mul3A_108, %add3A_109 : i32
      %dma_wait3A_111 = arith.constant 0 : i32
      %dma_wait3A_112 = arith.constant 0 : i32
      %dma_wait3A_113 = tpu.memref_slice %arg2[%dma_wait3A_111, %dma_wait3A_112] : memref<10000x128xf32, #tpu.memory_space<hbm>> -> memref<10000x128xf32, #tpu.memory_space<hbm>>
      tpu.wait_indirect_dma semaphore(%arg29 : memref<!tpu.dma_semaphore, #tpu.memory_space<semaphore_mem>>) src(%dma_wait3A_113 : memref<10000x128xf32, #tpu.memory_space<hbm>>) dst(%arg16 : memref<64x128xf32, #tpu.memory_space<vmem>>)
      %ge3A_114 = arith.constant 2 : i32
      %ge3A_115 = arith.cmpi sge, %add3A_110, %ge3A_114 : i32
      %convert_element_type3A_116 = arith.extui %ge3A_115 : i1 to i32
      %cond3A_117 = arith.constant 0 : i32
      %cond3A_118 = arith.cmpi ne, %convert_element_type3A_116, %cond3A_117 : i32
      scf.if %cond3A_118 {
        %dma_wait3A_212 = arith.constant 0 : i32
        %dma_wait3A_213 = arith.constant 0 : i32
        %dma_wait3A_214 = tpu.memref_slice %arg19[%dma_wait3A_212, %dma_wait3A_213] : memref<10112x128xf32, #tpu.memory_space<vmem_shared>> -> memref<10112x128xf32, #tpu.memory_space<vmem_shared>>
        tpu.wait_indirect_dma semaphore(%arg35 : memref<!tpu.dma_semaphore, #tpu.memory_space<semaphore_mem>>) src(%arg18 : memref<64x128xf32, #tpu.memory_space<vmem>>) dst(%dma_wait3A_214 : memref<10112x128xf32, #tpu.memory_space<vmem_shared>>)
      } else {
      }
      %add3A_119 = arith.constant 2 : i32
      %add3A_120 = arith.addi %add3A_110, %add3A_119 : i32
      %lt3A_121 = arith.constant 160 : i32
      %lt3A_122 = arith.cmpi slt, %add3A_120, %lt3A_121 : i32
      %convert_element_type3A_123 = arith.extui %lt3A_122 : i1 to i32
      %cond3A_124 = arith.constant 0 : i32
      %cond3A_125 = arith.cmpi ne, %convert_element_type3A_123, %cond3A_124 : i32
      scf.if %cond3A_125 {
        %add3A_212 = arith.constant 2 : i32
        %add3A_213 = arith.addi %add3A_110, %add3A_212 : i32
        %dma_wait3A_214 = arith.constant 0 : i32
        %dma_wait3A_215 = tpu.memref_slice %arg3[%add3A, %add3A_213, %dma_wait3A_214] : memref<32x160x64xi32, #tpu.memory_space<hbm>> -> memref<1x1x64xi32, #tpu.memory_space<hbm>>
        %dma_wait3A_216 = tpu.memref_squeeze %dma_wait3A_215 : memref<1x1x64xi32, #tpu.memory_space<hbm>> -> memref<64xi32, #tpu.memory_space<hbm>>
        %dma_wait3A_217 = arith.constant 0 : i32
        %dma_wait3A_218 = tpu.memref_slice %arg3[%add3A, %add3A_213, %dma_wait3A_217] : memref<32x160x64xi32, #tpu.memory_space<hbm>> -> memref<1x1x64xi32, #tpu.memory_space<hbm>>
        %dma_wait3A_219 = tpu.memref_squeeze %dma_wait3A_218 : memref<1x1x64xi32, #tpu.memory_space<hbm>> -> memref<64xi32, #tpu.memory_space<hbm>>
        tpu.wait_dma2 semaphore(%arg23 : memref<!tpu.dma_semaphore, #tpu.memory_space<semaphore_mem>>) src(%dma_wait3A_219 : memref<64xi32, #tpu.memory_space<hbm>>) dst(%arg10 : memref<64xi32, #tpu.memory_space<vmem>>)
        %dma_start3A_220 = arith.constant 0 : i32
        %dma_start3A_221 = arith.constant 0 : i32
        %dma_start3A_222 = tpu.memref_slice %arg2[%dma_start3A_220, %dma_start3A_221] : memref<10000x128xf32, #tpu.memory_space<hbm>> -> memref<10000x128xf32, #tpu.memory_space<hbm>>
        tpu.enqueue_indirect_dma source(%dma_start3A_222 : memref<10000x128xf32, #tpu.memory_space<hbm>>) target(%arg18 : memref<64x128xf32, #tpu.memory_space<vmem>>) offsets(%arg10 : memref<64xi32, #tpu.memory_space<vmem>>) semaphore(%arg31 : memref<!tpu.dma_semaphore, #tpu.memory_space<semaphore_mem>>)
        %add3A_223 = arith.constant 2 : i32
        %add3A_224 = arith.addi %add3A_110, %add3A_223 : i32
        %dma_start3A_225 = arith.constant 0 : i32
        %dma_start3A_226 = tpu.memref_slice %arg4[%add3A, %add3A_224, %dma_start3A_225] : memref<32x160x64xi32, #tpu.memory_space<hbm>> -> memref<1x1x64xi32, #tpu.memory_space<hbm>>
        %dma_start3A_227 = tpu.memref_squeeze %dma_start3A_226 : memref<1x1x64xi32, #tpu.memory_space<hbm>> -> memref<64xi32, #tpu.memory_space<hbm>>
        %dma_start3A_228 = arith.constant 0 : i32
        %dma_start3A_229 = tpu.memref_slice %arg4[%add3A, %add3A_224, %dma_start3A_228] : memref<32x160x64xi32, #tpu.memory_space<hbm>> -> memref<1x1x64xi32, #tpu.memory_space<hbm>>
        %dma_start3A_230 = tpu.memref_squeeze %dma_start3A_229 : memref<1x1x64xi32, #tpu.memory_space<hbm>> -> memref<64xi32, #tpu.memory_space<hbm>>
        tpu.enqueue_dma source(%dma_start3A_230 : memref<64xi32, #tpu.memory_space<hbm>>) target(%arg14 : memref<64xi32, #tpu.memory_space<vmem>>) target_semaphore(%arg27 : memref<!tpu.dma_semaphore, #tpu.memory_space<semaphore_mem>>)
      } else {
      }
      %add3A_126 = arith.constant 4 : i32
      %add3A_127 = arith.addi %add3A_110, %add3A_126 : i32
      %lt3A_128 = arith.constant 160 : i32
      %lt3A_129 = arith.cmpi slt, %add3A_127, %lt3A_128 : i32
      %convert_element_type3A_130 = arith.extui %lt3A_129 : i1 to i32
      %cond3A_131 = arith.constant 0 : i32
      %cond3A_132 = arith.cmpi ne, %convert_element_type3A_130, %cond3A_131 : i32
      scf.if %cond3A_132 {
        %add3A_212 = arith.constant 4 : i32
        %add3A_213 = arith.addi %add3A_110, %add3A_212 : i32
        %dma_start3A_214 = arith.constant 0 : i32
        %dma_start3A_215 = tpu.memref_slice %arg3[%add3A, %add3A_213, %dma_start3A_214] : memref<32x160x64xi32, #tpu.memory_space<hbm>> -> memref<1x1x64xi32, #tpu.memory_space<hbm>>
        %dma_start3A_216 = tpu.memref_squeeze %dma_start3A_215 : memref<1x1x64xi32, #tpu.memory_space<hbm>> -> memref<64xi32, #tpu.memory_space<hbm>>
        %dma_start3A_217 = arith.constant 0 : i32
        %dma_start3A_218 = tpu.memref_slice %arg3[%add3A, %add3A_213, %dma_start3A_217] : memref<32x160x64xi32, #tpu.memory_space<hbm>> -> memref<1x1x64xi32, #tpu.memory_space<hbm>>
        %dma_start3A_219 = tpu.memref_squeeze %dma_start3A_218 : memref<1x1x64xi32, #tpu.memory_space<hbm>> -> memref<64xi32, #tpu.memory_space<hbm>>
        tpu.enqueue_dma source(%dma_start3A_219 : memref<64xi32, #tpu.memory_space<hbm>>) target(%arg8 : memref<64xi32, #tpu.memory_space<vmem>>) target_semaphore(%arg21 : memref<!tpu.dma_semaphore, #tpu.memory_space<semaphore_mem>>)
      } else {
      }
      %dma_wait3A_133 = arith.constant 0 : i32
      %dma_wait3A_134 = tpu.memref_slice %arg4[%add3A, %add3A_110, %dma_wait3A_133] : memref<32x160x64xi32, #tpu.memory_space<hbm>> -> memref<1x1x64xi32, #tpu.memory_space<hbm>>
      %dma_wait3A_135 = tpu.memref_squeeze %dma_wait3A_134 : memref<1x1x64xi32, #tpu.memory_space<hbm>> -> memref<64xi32, #tpu.memory_space<hbm>>
      %dma_wait3A_136 = arith.constant 0 : i32
      %dma_wait3A_137 = tpu.memref_slice %arg4[%add3A, %add3A_110, %dma_wait3A_136] : memref<32x160x64xi32, #tpu.memory_space<hbm>> -> memref<1x1x64xi32, #tpu.memory_space<hbm>>
      %dma_wait3A_138 = tpu.memref_squeeze %dma_wait3A_137 : memref<1x1x64xi32, #tpu.memory_space<hbm>> -> memref<64xi32, #tpu.memory_space<hbm>>
      tpu.wait_dma2 semaphore(%arg25 : memref<!tpu.dma_semaphore, #tpu.memory_space<semaphore_mem>>) src(%dma_wait3A_138 : memref<64xi32, #tpu.memory_space<hbm>>) dst(%arg12 : memref<64xi32, #tpu.memory_space<vmem>>)
      %dma_start3A_139 = arith.constant 0 : i32
      %dma_start3A_140 = arith.constant 0 : i32
      %dma_start3A_141 = tpu.memref_slice %arg19[%dma_start3A_139, %dma_start3A_140] : memref<10112x128xf32, #tpu.memory_space<vmem_shared>> -> memref<10112x128xf32, #tpu.memory_space<vmem_shared>>
      tpu.enqueue_indirect_dma source(%arg16 : memref<64x128xf32, #tpu.memory_space<vmem>>) target(%dma_start3A_141 : memref<10112x128xf32, #tpu.memory_space<vmem_shared>>) offsets(%arg12 : memref<64xi32, #tpu.memory_space<vmem>>) semaphore(%arg33 : memref<!tpu.dma_semaphore, #tpu.memory_space<semaphore_mem>>) {add = true}
      %mul3A_142 = arith.constant 4 : i32
      %mul3A_143 = arith.muli %scan3A_75, %mul3A_142 : i32
      %add3A_144 = arith.constant 2 : i32
      %add3A_145 = arith.addi %mul3A_143, %add3A_144 : i32
      %dma_wait3A_146 = arith.constant 0 : i32
      %dma_wait3A_147 = arith.constant 0 : i32
      %dma_wait3A_148 = tpu.memref_slice %arg2[%dma_wait3A_146, %dma_wait3A_147] : memref<10000x128xf32, #tpu.memory_space<hbm>> -> memref<10000x128xf32, #tpu.memory_space<hbm>>
      tpu.wait_indirect_dma semaphore(%arg30 : memref<!tpu.dma_semaphore, #tpu.memory_space<semaphore_mem>>) src(%dma_wait3A_148 : memref<10000x128xf32, #tpu.memory_space<hbm>>) dst(%arg17 : memref<64x128xf32, #tpu.memory_space<vmem>>)
      %ge3A_149 = arith.constant 2 : i32
      %ge3A_150 = arith.cmpi sge, %add3A_145, %ge3A_149 : i32
      %convert_element_type3A_151 = arith.extui %ge3A_150 : i1 to i32
      %cond3A_152 = arith.constant 0 : i32
      %cond3A_153 = arith.cmpi ne, %convert_element_type3A_151, %cond3A_152 : i32
      scf.if %cond3A_153 {
        %dma_wait3A_212 = arith.constant 0 : i32
        %dma_wait3A_213 = arith.constant 0 : i32
        %dma_wait3A_214 = tpu.memref_slice %arg19[%dma_wait3A_212, %dma_wait3A_213] : memref<10112x128xf32, #tpu.memory_space<vmem_shared>> -> memref<10112x128xf32, #tpu.memory_space<vmem_shared>>
        tpu.wait_indirect_dma semaphore(%arg32 : memref<!tpu.dma_semaphore, #tpu.memory_space<semaphore_mem>>) src(%arg15 : memref<64x128xf32, #tpu.memory_space<vmem>>) dst(%dma_wait3A_214 : memref<10112x128xf32, #tpu.memory_space<vmem_shared>>)
      } else {
      }
      %add3A_154 = arith.constant 2 : i32
      %add3A_155 = arith.addi %add3A_145, %add3A_154 : i32
      %lt3A_156 = arith.constant 160 : i32
      %lt3A_157 = arith.cmpi slt, %add3A_155, %lt3A_156 : i32
      %convert_element_type3A_158 = arith.extui %lt3A_157 : i1 to i32
      %cond3A_159 = arith.constant 0 : i32
      %cond3A_160 = arith.cmpi ne, %convert_element_type3A_158, %cond3A_159 : i32
      scf.if %cond3A_160 {
        %add3A_212 = arith.constant 2 : i32
        %add3A_213 = arith.addi %add3A_145, %add3A_212 : i32
        %dma_wait3A_214 = arith.constant 0 : i32
        %dma_wait3A_215 = tpu.memref_slice %arg3[%add3A, %add3A_213, %dma_wait3A_214] : memref<32x160x64xi32, #tpu.memory_space<hbm>> -> memref<1x1x64xi32, #tpu.memory_space<hbm>>
        %dma_wait3A_216 = tpu.memref_squeeze %dma_wait3A_215 : memref<1x1x64xi32, #tpu.memory_space<hbm>> -> memref<64xi32, #tpu.memory_space<hbm>>
        %dma_wait3A_217 = arith.constant 0 : i32
        %dma_wait3A_218 = tpu.memref_slice %arg3[%add3A, %add3A_213, %dma_wait3A_217] : memref<32x160x64xi32, #tpu.memory_space<hbm>> -> memref<1x1x64xi32, #tpu.memory_space<hbm>>
        %dma_wait3A_219 = tpu.memref_squeeze %dma_wait3A_218 : memref<1x1x64xi32, #tpu.memory_space<hbm>> -> memref<64xi32, #tpu.memory_space<hbm>>
        tpu.wait_dma2 semaphore(%arg20 : memref<!tpu.dma_semaphore, #tpu.memory_space<semaphore_mem>>) src(%dma_wait3A_219 : memref<64xi32, #tpu.memory_space<hbm>>) dst(%arg7 : memref<64xi32, #tpu.memory_space<vmem>>)
        %dma_start3A_220 = arith.constant 0 : i32
        %dma_start3A_221 = arith.constant 0 : i32
        %dma_start3A_222 = tpu.memref_slice %arg2[%dma_start3A_220, %dma_start3A_221] : memref<10000x128xf32, #tpu.memory_space<hbm>> -> memref<10000x128xf32, #tpu.memory_space<hbm>>
        tpu.enqueue_indirect_dma source(%dma_start3A_222 : memref<10000x128xf32, #tpu.memory_space<hbm>>) target(%arg15 : memref<64x128xf32, #tpu.memory_space<vmem>>) offsets(%arg7 : memref<64xi32, #tpu.memory_space<vmem>>) semaphore(%arg28 : memref<!tpu.dma_semaphore, #tpu.memory_space<semaphore_mem>>)
        %add3A_223 = arith.constant 2 : i32
        %add3A_224 = arith.addi %add3A_145, %add3A_223 : i32
        %dma_start3A_225 = arith.constant 0 : i32
        %dma_start3A_226 = tpu.memref_slice %arg4[%add3A, %add3A_224, %dma_start3A_225] : memref<32x160x64xi32, #tpu.memory_space<hbm>> -> memref<1x1x64xi32, #tpu.memory_space<hbm>>
        %dma_start3A_227 = tpu.memref_squeeze %dma_start3A_226 : memref<1x1x64xi32, #tpu.memory_space<hbm>> -> memref<64xi32, #tpu.memory_space<hbm>>
        %dma_start3A_228 = arith.constant 0 : i32
        %dma_start3A_229 = tpu.memref_slice %arg4[%add3A, %add3A_224, %dma_start3A_228] : memref<32x160x64xi32, #tpu.memory_space<hbm>> -> memref<1x1x64xi32, #tpu.memory_space<hbm>>
        %dma_start3A_230 = tpu.memref_squeeze %dma_start3A_229 : memref<1x1x64xi32, #tpu.memory_space<hbm>> -> memref<64xi32, #tpu.memory_space<hbm>>
        tpu.enqueue_dma source(%dma_start3A_230 : memref<64xi32, #tpu.memory_space<hbm>>) target(%arg11 : memref<64xi32, #tpu.memory_space<vmem>>) target_semaphore(%arg24 : memref<!tpu.dma_semaphore, #tpu.memory_space<semaphore_mem>>)
      } else {
      }
      %add3A_161 = arith.constant 4 : i32
      %add3A_162 = arith.addi %add3A_145, %add3A_161 : i32
      %lt3A_163 = arith.constant 160 : i32
      %lt3A_164 = arith.cmpi slt, %add3A_162, %lt3A_163 : i32
      %convert_element_type3A_165 = arith.extui %lt3A_164 : i1 to i32
      %cond3A_166 = arith.constant 0 : i32
      %cond3A_167 = arith.cmpi ne, %convert_element_type3A_165, %cond3A_166 : i32
      scf.if %cond3A_167 {
        %add3A_212 = arith.constant 4 : i32
        %add3A_213 = arith.addi %add3A_145, %add3A_212 : i32
        %dma_start3A_214 = arith.constant 0 : i32
        %dma_start3A_215 = tpu.memref_slice %arg3[%add3A, %add3A_213, %dma_start3A_214] : memref<32x160x64xi32, #tpu.memory_space<hbm>> -> memref<1x1x64xi32, #tpu.memory_space<hbm>>
        %dma_start3A_216 = tpu.memref_squeeze %dma_start3A_215 : memref<1x1x64xi32, #tpu.memory_space<hbm>> -> memref<64xi32, #tpu.memory_space<hbm>>
        %dma_start3A_217 = arith.constant 0 : i32
        %dma_start3A_218 = tpu.memref_slice %arg3[%add3A, %add3A_213, %dma_start3A_217] : memref<32x160x64xi32, #tpu.memory_space<hbm>> -> memref<1x1x64xi32, #tpu.memory_space<hbm>>
        %dma_start3A_219 = tpu.memref_squeeze %dma_start3A_218 : memref<1x1x64xi32, #tpu.memory_space<hbm>> -> memref<64xi32, #tpu.memory_space<hbm>>
        tpu.enqueue_dma source(%dma_start3A_219 : memref<64xi32, #tpu.memory_space<hbm>>) target(%arg9 : memref<64xi32, #tpu.memory_space<vmem>>) target_semaphore(%arg22 : memref<!tpu.dma_semaphore, #tpu.memory_space<semaphore_mem>>)
      } else {
      }
      %dma_wait3A_168 = arith.constant 0 : i32
      %dma_wait3A_169 = tpu.memref_slice %arg4[%add3A, %add3A_145, %dma_wait3A_168] : memref<32x160x64xi32, #tpu.memory_space<hbm>> -> memref<1x1x64xi32, #tpu.memory_space<hbm>>
      %dma_wait3A_170 = tpu.memref_squeeze %dma_wait3A_169 : memref<1x1x64xi32, #tpu.memory_space<hbm>> -> memref<64xi32, #tpu.memory_space<hbm>>
      %dma_wait3A_171 = arith.constant 0 : i32
      %dma_wait3A_172 = tpu.memref_slice %arg4[%add3A, %add3A_145, %dma_wait3A_171] : memref<32x160x64xi32, #tpu.memory_space<hbm>> -> memref<1x1x64xi32, #tpu.memory_space<hbm>>
      %dma_wait3A_173 = tpu.memref_squeeze %dma_wait3A_172 : memref<1x1x64xi32, #tpu.memory_space<hbm>> -> memref<64xi32, #tpu.memory_space<hbm>>
      tpu.wait_dma2 semaphore(%arg26 : memref<!tpu.dma_semaphore, #tpu.memory_space<semaphore_mem>>) src(%dma_wait3A_173 : memref<64xi32, #tpu.memory_space<hbm>>) dst(%arg13 : memref<64xi32, #tpu.memory_space<vmem>>)
      %dma_start3A_174 = arith.constant 0 : i32
      %dma_start3A_175 = arith.constant 0 : i32
      %dma_start3A_176 = tpu.memref_slice %arg19[%dma_start3A_174, %dma_start3A_175] : memref<10112x128xf32, #tpu.memory_space<vmem_shared>> -> memref<10112x128xf32, #tpu.memory_space<vmem_shared>>
      tpu.enqueue_indirect_dma source(%arg17 : memref<64x128xf32, #tpu.memory_space<vmem>>) target(%dma_start3A_176 : memref<10112x128xf32, #tpu.memory_space<vmem_shared>>) offsets(%arg13 : memref<64xi32, #tpu.memory_space<vmem>>) semaphore(%arg34 : memref<!tpu.dma_semaphore, #tpu.memory_space<semaphore_mem>>) {add = true}
      %mul3A_177 = arith.constant 4 : i32
      %mul3A_178 = arith.muli %scan3A_75, %mul3A_177 : i32
      %add3A_179 = arith.constant 3 : i32
      %add3A_180 = arith.addi %mul3A_178, %add3A_179 : i32
      %dma_wait3A_181 = arith.constant 0 : i32
      %dma_wait3A_182 = arith.constant 0 : i32
      %dma_wait3A_183 = tpu.memref_slice %arg2[%dma_wait3A_181, %dma_wait3A_182] : memref<10000x128xf32, #tpu.memory_space<hbm>> -> memref<10000x128xf32, #tpu.memory_space<hbm>>
      tpu.wait_indirect_dma semaphore(%arg31 : memref<!tpu.dma_semaphore, #tpu.memory_space<semaphore_mem>>) src(%dma_wait3A_183 : memref<10000x128xf32, #tpu.memory_space<hbm>>) dst(%arg18 : memref<64x128xf32, #tpu.memory_space<vmem>>)
      %ge3A_184 = arith.constant 2 : i32
      %ge3A_185 = arith.cmpi sge, %add3A_180, %ge3A_184 : i32
      %convert_element_type3A_186 = arith.extui %ge3A_185 : i1 to i32
      %cond3A_187 = arith.constant 0 : i32
      %cond3A_188 = arith.cmpi ne, %convert_element_type3A_186, %cond3A_187 : i32
      scf.if %cond3A_188 {
        %dma_wait3A_212 = arith.constant 0 : i32
        %dma_wait3A_213 = arith.constant 0 : i32
        %dma_wait3A_214 = tpu.memref_slice %arg19[%dma_wait3A_212, %dma_wait3A_213] : memref<10112x128xf32, #tpu.memory_space<vmem_shared>> -> memref<10112x128xf32, #tpu.memory_space<vmem_shared>>
        tpu.wait_indirect_dma semaphore(%arg33 : memref<!tpu.dma_semaphore, #tpu.memory_space<semaphore_mem>>) src(%arg16 : memref<64x128xf32, #tpu.memory_space<vmem>>) dst(%dma_wait3A_214 : memref<10112x128xf32, #tpu.memory_space<vmem_shared>>)
      } else {
      }
      %add3A_189 = arith.constant 2 : i32
      %add3A_190 = arith.addi %add3A_180, %add3A_189 : i32
      %lt3A_191 = arith.constant 160 : i32
      %lt3A_192 = arith.cmpi slt, %add3A_190, %lt3A_191 : i32
      %convert_element_type3A_193 = arith.extui %lt3A_192 : i1 to i32
      %cond3A_194 = arith.constant 0 : i32
      %cond3A_195 = arith.cmpi ne, %convert_element_type3A_193, %cond3A_194 : i32
      scf.if %cond3A_195 {
        %add3A_212 = arith.constant 2 : i32
        %add3A_213 = arith.addi %add3A_180, %add3A_212 : i32
        %dma_wait3A_214 = arith.constant 0 : i32
        %dma_wait3A_215 = tpu.memref_slice %arg3[%add3A, %add3A_213, %dma_wait3A_214] : memref<32x160x64xi32, #tpu.memory_space<hbm>> -> memref<1x1x64xi32, #tpu.memory_space<hbm>>
        %dma_wait3A_216 = tpu.memref_squeeze %dma_wait3A_215 : memref<1x1x64xi32, #tpu.memory_space<hbm>> -> memref<64xi32, #tpu.memory_space<hbm>>
        %dma_wait3A_217 = arith.constant 0 : i32
        %dma_wait3A_218 = tpu.memref_slice %arg3[%add3A, %add3A_213, %dma_wait3A_217] : memref<32x160x64xi32, #tpu.memory_space<hbm>> -> memref<1x1x64xi32, #tpu.memory_space<hbm>>
        %dma_wait3A_219 = tpu.memref_squeeze %dma_wait3A_218 : memref<1x1x64xi32, #tpu.memory_space<hbm>> -> memref<64xi32, #tpu.memory_space<hbm>>
        tpu.wait_dma2 semaphore(%arg21 : memref<!tpu.dma_semaphore, #tpu.memory_space<semaphore_mem>>) src(%dma_wait3A_219 : memref<64xi32, #tpu.memory_space<hbm>>) dst(%arg8 : memref<64xi32, #tpu.memory_space<vmem>>)
        %dma_start3A_220 = arith.constant 0 : i32
        %dma_start3A_221 = arith.constant 0 : i32
        %dma_start3A_222 = tpu.memref_slice %arg2[%dma_start3A_220, %dma_start3A_221] : memref<10000x128xf32, #tpu.memory_space<hbm>> -> memref<10000x128xf32, #tpu.memory_space<hbm>>
        tpu.enqueue_indirect_dma source(%dma_start3A_222 : memref<10000x128xf32, #tpu.memory_space<hbm>>) target(%arg16 : memref<64x128xf32, #tpu.memory_space<vmem>>) offsets(%arg8 : memref<64xi32, #tpu.memory_space<vmem>>) semaphore(%arg29 : memref<!tpu.dma_semaphore, #tpu.memory_space<semaphore_mem>>)
        %add3A_223 = arith.constant 2 : i32
        %add3A_224 = arith.addi %add3A_180, %add3A_223 : i32
        %dma_start3A_225 = arith.constant 0 : i32
        %dma_start3A_226 = tpu.memref_slice %arg4[%add3A, %add3A_224, %dma_start3A_225] : memref<32x160x64xi32, #tpu.memory_space<hbm>> -> memref<1x1x64xi32, #tpu.memory_space<hbm>>
        %dma_start3A_227 = tpu.memref_squeeze %dma_start3A_226 : memref<1x1x64xi32, #tpu.memory_space<hbm>> -> memref<64xi32, #tpu.memory_space<hbm>>
        %dma_start3A_228 = arith.constant 0 : i32
        %dma_start3A_229 = tpu.memref_slice %arg4[%add3A, %add3A_224, %dma_start3A_228] : memref<32x160x64xi32, #tpu.memory_space<hbm>> -> memref<1x1x64xi32, #tpu.memory_space<hbm>>
        %dma_start3A_230 = tpu.memref_squeeze %dma_start3A_229 : memref<1x1x64xi32, #tpu.memory_space<hbm>> -> memref<64xi32, #tpu.memory_space<hbm>>
        tpu.enqueue_dma source(%dma_start3A_230 : memref<64xi32, #tpu.memory_space<hbm>>) target(%arg12 : memref<64xi32, #tpu.memory_space<vmem>>) target_semaphore(%arg25 : memref<!tpu.dma_semaphore, #tpu.memory_space<semaphore_mem>>)
      } else {
      }
      %add3A_196 = arith.constant 4 : i32
      %add3A_197 = arith.addi %add3A_180, %add3A_196 : i32
      %lt3A_198 = arith.constant 160 : i32
      %lt3A_199 = arith.cmpi slt, %add3A_197, %lt3A_198 : i32
      %convert_element_type3A_200 = arith.extui %lt3A_199 : i1 to i32
      %cond3A_201 = arith.constant 0 : i32
      %cond3A_202 = arith.cmpi ne, %convert_element_type3A_200, %cond3A_201 : i32
      scf.if %cond3A_202 {
        %add3A_212 = arith.constant 4 : i32
        %add3A_213 = arith.addi %add3A_180, %add3A_212 : i32
        %dma_start3A_214 = arith.constant 0 : i32
        %dma_start3A_215 = tpu.memref_slice %arg3[%add3A, %add3A_213, %dma_start3A_214] : memref<32x160x64xi32, #tpu.memory_space<hbm>> -> memref<1x1x64xi32, #tpu.memory_space<hbm>>
        %dma_start3A_216 = tpu.memref_squeeze %dma_start3A_215 : memref<1x1x64xi32, #tpu.memory_space<hbm>> -> memref<64xi32, #tpu.memory_space<hbm>>
        %dma_start3A_217 = arith.constant 0 : i32
        %dma_start3A_218 = tpu.memref_slice %arg3[%add3A, %add3A_213, %dma_start3A_217] : memref<32x160x64xi32, #tpu.memory_space<hbm>> -> memref<1x1x64xi32, #tpu.memory_space<hbm>>
        %dma_start3A_219 = tpu.memref_squeeze %dma_start3A_218 : memref<1x1x64xi32, #tpu.memory_space<hbm>> -> memref<64xi32, #tpu.memory_space<hbm>>
        tpu.enqueue_dma source(%dma_start3A_219 : memref<64xi32, #tpu.memory_space<hbm>>) target(%arg10 : memref<64xi32, #tpu.memory_space<vmem>>) target_semaphore(%arg23 : memref<!tpu.dma_semaphore, #tpu.memory_space<semaphore_mem>>)
      } else {
      }
      %dma_wait3A_203 = arith.constant 0 : i32
      %dma_wait3A_204 = tpu.memref_slice %arg4[%add3A, %add3A_180, %dma_wait3A_203] : memref<32x160x64xi32, #tpu.memory_space<hbm>> -> memref<1x1x64xi32, #tpu.memory_space<hbm>>
      %dma_wait3A_205 = tpu.memref_squeeze %dma_wait3A_204 : memref<1x1x64xi32, #tpu.memory_space<hbm>> -> memref<64xi32, #tpu.memory_space<hbm>>
      %dma_wait3A_206 = arith.constant 0 : i32
      %dma_wait3A_207 = tpu.memref_slice %arg4[%add3A, %add3A_180, %dma_wait3A_206] : memref<32x160x64xi32, #tpu.memory_space<hbm>> -> memref<1x1x64xi32, #tpu.memory_space<hbm>>
      %dma_wait3A_208 = tpu.memref_squeeze %dma_wait3A_207 : memref<1x1x64xi32, #tpu.memory_space<hbm>> -> memref<64xi32, #tpu.memory_space<hbm>>
      tpu.wait_dma2 semaphore(%arg27 : memref<!tpu.dma_semaphore, #tpu.memory_space<semaphore_mem>>) src(%dma_wait3A_208 : memref<64xi32, #tpu.memory_space<hbm>>) dst(%arg14 : memref<64xi32, #tpu.memory_space<vmem>>)
      %dma_start3A_209 = arith.constant 0 : i32
      %dma_start3A_210 = arith.constant 0 : i32
      %dma_start3A_211 = tpu.memref_slice %arg19[%dma_start3A_209, %dma_start3A_210] : memref<10112x128xf32, #tpu.memory_space<vmem_shared>> -> memref<10112x128xf32, #tpu.memory_space<vmem_shared>>
      tpu.enqueue_indirect_dma source(%arg18 : memref<64x128xf32, #tpu.memory_space<vmem>>) target(%dma_start3A_211 : memref<10112x128xf32, #tpu.memory_space<vmem_shared>>) offsets(%arg14 : memref<64xi32, #tpu.memory_space<vmem>>) semaphore(%arg35 : memref<!tpu.dma_semaphore, #tpu.memory_space<semaphore_mem>>) {add = true}
    }
    %scan3A_67 = arith.constant 40 : i32
    %dma_wait3A_68 = arith.constant 0 : i32
    %dma_wait3A_69 = arith.constant 0 : i32
    %dma_wait3A_70 = tpu.memref_slice %arg19[%dma_wait3A_68, %dma_wait3A_69] : memref<10112x128xf32, #tpu.memory_space<vmem_shared>> -> memref<10112x128xf32, #tpu.memory_space<vmem_shared>>
    tpu.wait_indirect_dma semaphore(%arg34 : memref<!tpu.dma_semaphore, #tpu.memory_space<semaphore_mem>>) src(%arg17 : memref<64x128xf32, #tpu.memory_space<vmem>>) dst(%dma_wait3A_70 : memref<10112x128xf32, #tpu.memory_space<vmem_shared>>)
    %dma_wait3A_71 = arith.constant 0 : i32
    %dma_wait3A_72 = arith.constant 0 : i32
    %dma_wait3A_73 = tpu.memref_slice %arg19[%dma_wait3A_71, %dma_wait3A_72] : memref<10112x128xf32, #tpu.memory_space<vmem_shared>> -> memref<10112x128xf32, #tpu.memory_space<vmem_shared>>
    tpu.wait_indirect_dma semaphore(%arg35 : memref<!tpu.dma_semaphore, #tpu.memory_space<semaphore_mem>>) src(%arg18 : memref<64x128xf32, #tpu.memory_space<vmem>>) dst(%dma_wait3A_73 : memref<10112x128xf32, #tpu.memory_space<vmem_shared>>)
    %barrier3A_74 = arith.constant 0 : index
    tpu.barrier barrier_id(%barrier3A_74)
    "tpu.region"() ({
      %run_scoped3A = tpu.sem_alloc : memref<!tpu.dma_semaphore, #tpu.memory_space<semaphore_mem>>
      %dma_start3A_75 = arith.constant 0 : i32
      %dma_start3A_76 = tpu.memref_slice %arg6[%arg0, %multiple_of3A, %dma_start3A_75] : memref<2x10112x128xf32, #tpu.memory_space<hbm>> -> memref<1x632x128xf32, #tpu.memory_space<hbm>>
      %dma_start3A_77 = tpu.memref_squeeze %dma_start3A_76 : memref<1x632x128xf32, #tpu.memory_space<hbm>> -> memref<632x128xf32, #tpu.memory_space<hbm>>
      %dma_start3A_78 = arith.constant 0 : i32
      %dma_start3A_79 = tpu.memref_slice %arg19[%multiple_of3A, %dma_start3A_78] : memref<10112x128xf32, #tpu.memory_space<vmem_shared>> -> memref<632x128xf32, #tpu.memory_space<vmem_shared>>
      tpu.enqueue_dma source(%dma_start3A_79 : memref<632x128xf32, #tpu.memory_space<vmem_shared>>) target(%dma_start3A_77 : memref<632x128xf32, #tpu.memory_space<hbm>>) target_semaphore(%run_scoped3A : memref<!tpu.dma_semaphore, #tpu.memory_space<semaphore_mem>>)
      %dma_wait3A_80 = arith.constant 0 : i32
      %dma_wait3A_81 = tpu.memref_slice %arg6[%arg0, %multiple_of3A, %dma_wait3A_80] : memref<2x10112x128xf32, #tpu.memory_space<hbm>> -> memref<1x632x128xf32, #tpu.memory_space<hbm>>
      %dma_wait3A_82 = tpu.memref_squeeze %dma_wait3A_81 : memref<1x632x128xf32, #tpu.memory_space<hbm>> -> memref<632x128xf32, #tpu.memory_space<hbm>>
      %dma_wait3A_83 = arith.constant 0 : i32
      %dma_wait3A_84 = tpu.memref_slice %arg19[%multiple_of3A, %dma_wait3A_83] : memref<10112x128xf32, #tpu.memory_space<vmem_shared>> -> memref<632x128xf32, #tpu.memory_space<vmem_shared>>
      tpu.wait_dma2 semaphore(%run_scoped3A : memref<!tpu.dma_semaphore, #tpu.memory_space<semaphore_mem>>) src(%dma_wait3A_84 : memref<632x128xf32, #tpu.memory_space<vmem_shared>>) dst(%dma_wait3A_82 : memref<632x128xf32, #tpu.memory_space<hbm>>)
      tpu.yield
    }) : () -> ()
    return
  }
}

#map = affine_map<(d0, d1) -> (0, 0, 0)>
#map1 = affine_map<(d0, d1) -> (0)>
module attributes {stable_mosaic.version = 14 : i64} {
  func.func @_sc_deg_body(%arg0: i32, %arg1: i32, %arg2: memref<32x160x64xi32, #tpu.memory_space<hbm>>, %arg3: memref<10240xf32, #tpu.memory_space<hbm>>, %arg4: memref<20480xf32, #tpu.memory_space<hbm>>, %arg5: memref<160x64xi32, #tpu.memory_space<vmem>>, %arg6: memref<64xf32, #tpu.memory_space<vmem>>, %arg7: memref<10240xf32, #tpu.memory_space<vmem_shared>>) attributes {dimension_semantics = [#tpu.dimension_semantics<core_parallel>, #tpu.dimension_semantics<subcore_parallel>], iteration_bounds = array<i64: 2, 16>, scalar_prefetch = 0 : i64, scratch_operands = 3 : i64, tpu.core_type = #tpu.core_type<sc_vector_subcore>, window_params = [{transform_indices = #map}, {transform_indices = #map1}, {transform_indices = #map1}]} {
    %mul3A = arith.constant 2 : i32
    %mul3A_0 = arith.muli %arg1, %mul3A : i32
    %add3A = arith.addi %mul3A_0, %arg0 : i32
    %mul3A_1 = arith.constant 640 : i32
    %mul3A_2 = arith.muli %arg1, %mul3A_1 : i32
    %multiple_of3A = tpu.assume_multiple %mul3A_2, 128 : i32
    %mul3A_3 = arith.constant 10240 : i32
    %mul3A_4 = arith.muli %arg0, %mul3A_3 : i32
    %mul3A_5 = arith.constant 640 : i32
    %mul3A_6 = arith.muli %arg1, %mul3A_5 : i32
    %add3A_7 = arith.addi %mul3A_4, %mul3A_6 : i32
    %multiple_of3A_8 = tpu.assume_multiple %add3A_7, 128 : i32
    "tpu.region"() ({
      %run_scoped3A = tpu.sem_alloc : memref<!tpu.dma_semaphore, #tpu.memory_space<semaphore_mem>>
      %dma_start3A = tpu.memref_slice %arg7[%multiple_of3A] : memref<10240xf32, #tpu.memory_space<vmem_shared>> -> memref<640xf32, #tpu.memory_space<vmem_shared>>
      %dma_start3A_37 = tpu.memref_slice %arg3[%multiple_of3A] : memref<10240xf32, #tpu.memory_space<hbm>> -> memref<640xf32, #tpu.memory_space<hbm>>
      tpu.enqueue_dma source(%dma_start3A_37 : memref<640xf32, #tpu.memory_space<hbm>>) target(%dma_start3A : memref<640xf32, #tpu.memory_space<vmem_shared>>) target_semaphore(%run_scoped3A : memref<!tpu.dma_semaphore, #tpu.memory_space<semaphore_mem>>)
      %dma_wait3A = tpu.memref_slice %arg7[%multiple_of3A] : memref<10240xf32, #tpu.memory_space<vmem_shared>> -> memref<640xf32, #tpu.memory_space<vmem_shared>>
      %dma_wait3A_38 = tpu.memref_slice %arg3[%multiple_of3A] : memref<10240xf32, #tpu.memory_space<hbm>> -> memref<640xf32, #tpu.memory_space<hbm>>
      tpu.wait_dma2 semaphore(%run_scoped3A : memref<!tpu.dma_semaphore, #tpu.memory_space<semaphore_mem>>) src(%dma_wait3A_38 : memref<640xf32, #tpu.memory_space<hbm>>) dst(%dma_wait3A : memref<640xf32, #tpu.memory_space<vmem_shared>>)
      tpu.yield
    }) : () -> ()
    "tpu.region"() ({
      %run_scoped3A = tpu.sem_alloc : memref<!tpu.dma_semaphore, #tpu.memory_space<semaphore_mem>>
      %dma_start3A = arith.constant 0 : i32
      %dma_start3A_37 = arith.constant 0 : i32
      %dma_start3A_38 = tpu.memref_slice %arg2[%add3A, %dma_start3A, %dma_start3A_37] : memref<32x160x64xi32, #tpu.memory_space<hbm>> -> memref<1x160x64xi32, #tpu.memory_space<hbm>>
      %dma_start3A_39 = tpu.memref_squeeze %dma_start3A_38 : memref<1x160x64xi32, #tpu.memory_space<hbm>> -> memref<160x64xi32, #tpu.memory_space<hbm>>
      %dma_start3A_40 = arith.constant 0 : i32
      %dma_start3A_41 = arith.constant 0 : i32
      %dma_start3A_42 = tpu.memref_slice %arg2[%add3A, %dma_start3A_40, %dma_start3A_41] : memref<32x160x64xi32, #tpu.memory_space<hbm>> -> memref<1x160x64xi32, #tpu.memory_space<hbm>>
      %dma_start3A_43 = tpu.memref_squeeze %dma_start3A_42 : memref<1x160x64xi32, #tpu.memory_space<hbm>> -> memref<160x64xi32, #tpu.memory_space<hbm>>
      tpu.enqueue_dma source(%dma_start3A_43 : memref<160x64xi32, #tpu.memory_space<hbm>>) target(%arg5 : memref<160x64xi32, #tpu.memory_space<vmem>>) target_semaphore(%run_scoped3A : memref<!tpu.dma_semaphore, #tpu.memory_space<semaphore_mem>>)
      %dma_wait3A = arith.constant 0 : i32
      %dma_wait3A_44 = arith.constant 0 : i32
      %dma_wait3A_45 = tpu.memref_slice %arg2[%add3A, %dma_wait3A, %dma_wait3A_44] : memref<32x160x64xi32, #tpu.memory_space<hbm>> -> memref<1x160x64xi32, #tpu.memory_space<hbm>>
      %dma_wait3A_46 = tpu.memref_squeeze %dma_wait3A_45 : memref<1x160x64xi32, #tpu.memory_space<hbm>> -> memref<160x64xi32, #tpu.memory_space<hbm>>
      %dma_wait3A_47 = arith.constant 0 : i32
      %dma_wait3A_48 = arith.constant 0 : i32
      %dma_wait3A_49 = tpu.memref_slice %arg2[%add3A, %dma_wait3A_47, %dma_wait3A_48] : memref<32x160x64xi32, #tpu.memory_space<hbm>> -> memref<1x160x64xi32, #tpu.memory_space<hbm>>
      %dma_wait3A_50 = tpu.memref_squeeze %dma_wait3A_49 : memref<1x160x64xi32, #tpu.memory_space<hbm>> -> memref<160x64xi32, #tpu.memory_space<hbm>>
      tpu.wait_dma2 semaphore(%run_scoped3A : memref<!tpu.dma_semaphore, #tpu.memory_space<semaphore_mem>>) src(%dma_wait3A_50 : memref<160x64xi32, #tpu.memory_space<hbm>>) dst(%arg5 : memref<160x64xi32, #tpu.memory_space<vmem>>)
      tpu.yield
    }) : () -> ()
    %broadcast_in_dim3A = arith.constant 1.000000e+00 : f32
    %broadcast_in_dim3A_9 = vector.broadcast %broadcast_in_dim3A : f32 to vector<16xf32>
    %swap3A = arith.constant 0 : index
    %swap3A_10 = tpu.vector_load %arg6[%swap3A] {strides = array<i32>} : memref<64xf32, #tpu.memory_space<vmem>>, vector<16xf32>,
    %swap3A_11 = vector.shape_cast %swap3A_10 : vector<16xf32> to vector<16xf32>
    %swap3A_12 = vector.shape_cast %broadcast_in_dim3A_9 : vector<16xf32> to vector<16xf32>
    tpu.vector_store %arg6[%swap3A], %swap3A_12 {strides = array<i32>} : memref<64xf32, #tpu.memory_space<vmem>>, vector<16xf32>,
    %broadcast_in_dim3A_13 = arith.constant 1.000000e+00 : f32
    %broadcast_in_dim3A_14 = vector.broadcast %broadcast_in_dim3A_13 : f32 to vector<16xf32>
    %swap3A_15 = arith.constant 16 : index
    %swap3A_16 = tpu.vector_load %arg6[%swap3A_15] {strides = array<i32>} : memref<64xf32, #tpu.memory_space<vmem>>, vector<16xf32>,
    %swap3A_17 = vector.shape_cast %swap3A_16 : vector<16xf32> to vector<16xf32>
    %swap3A_18 = vector.shape_cast %broadcast_in_dim3A_14 : vector<16xf32> to vector<16xf32>
    tpu.vector_store %arg6[%swap3A_15], %swap3A_18 {strides = array<i32>} : memref<64xf32, #tpu.memory_space<vmem>>, vector<16xf32>,
    %broadcast_in_dim3A_19 = arith.constant 1.000000e+00 : f32
    %broadcast_in_dim3A_20 = vector.broadcast %broadcast_in_dim3A_19 : f32 to vector<16xf32>
    %swap3A_21 = arith.constant 32 : index
    %swap3A_22 = tpu.vector_load %arg6[%swap3A_21] {strides = array<i32>} : memref<64xf32, #tpu.memory_space<vmem>>, vector<16xf32>,
    %swap3A_23 = vector.shape_cast %swap3A_22 : vector<16xf32> to vector<16xf32>
    %swap3A_24 = vector.shape_cast %broadcast_in_dim3A_20 : vector<16xf32> to vector<16xf32>
    tpu.vector_store %arg6[%swap3A_21], %swap3A_24 {strides = array<i32>} : memref<64xf32, #tpu.memory_space<vmem>>, vector<16xf32>,
    %broadcast_in_dim3A_25 = arith.constant 1.000000e+00 : f32
    %broadcast_in_dim3A_26 = vector.broadcast %broadcast_in_dim3A_25 : f32 to vector<16xf32>
    %swap3A_27 = arith.constant 48 : index
    %swap3A_28 = tpu.vector_load %arg6[%swap3A_27] {strides = array<i32>} : memref<64xf32, #tpu.memory_space<vmem>>, vector<16xf32>,
    %swap3A_29 = vector.shape_cast %swap3A_28 : vector<16xf32> to vector<16xf32>
    %swap3A_30 = vector.shape_cast %broadcast_in_dim3A_26 : vector<16xf32> to vector<16xf32>
    tpu.vector_store %arg6[%swap3A_27], %swap3A_30 {strides = array<i32>} : memref<64xf32, #tpu.memory_space<vmem>>, vector<16xf32>,
    %barrier3A = arith.constant 0 : index
    tpu.barrier barrier_id(%barrier3A)
    %scan3A = arith.constant 0 : i32
    %scan3A_31 = arith.constant 0 : i32
    %scan3A_32 = arith.constant 160 : i32
    %scan3A_33 = arith.addi %scan3A_31, %scan3A_32 : i32
    %scan3A_34 = arith.constant 1 : i32
    scf.for %scan3A_37 = %scan3A_31 to %scan3A_33 step %scan3A_34  : i32 {
      "tpu.region"() ({
        %run_scoped3A = tpu.sem_alloc : memref<!tpu.dma_semaphore, #tpu.memory_space<semaphore_mem>>
        %dma_start3A = arith.constant 0 : i32
        %dma_start3A_38 = tpu.memref_slice %arg5[%scan3A_37, %dma_start3A] : memref<160x64xi32, #tpu.memory_space<vmem>> -> memref<1x64xi32, #tpu.memory_space<vmem>>
        %dma_start3A_39 = tpu.memref_squeeze %dma_start3A_38 : memref<1x64xi32, #tpu.memory_space<vmem>> -> memref<64xi32, #tpu.memory_space<vmem>>
        %dma_start3A_40 = arith.constant 0 : i32
        %dma_start3A_41 = tpu.memref_slice %arg7[%dma_start3A_40] : memref<10240xf32, #tpu.memory_space<vmem_shared>> -> memref<10240xf32, #tpu.memory_space<vmem_shared>>
        tpu.enqueue_indirect_dma source(%arg6 : memref<64xf32, #tpu.memory_space<vmem>>) target(%dma_start3A_41 : memref<10240xf32, #tpu.memory_space<vmem_shared>>) offsets(%dma_start3A_39 : memref<64xi32, #tpu.memory_space<vmem>>) semaphore(%run_scoped3A : memref<!tpu.dma_semaphore, #tpu.memory_space<semaphore_mem>>) {add = true}
        %dma_wait3A = arith.constant 0 : i32
        %dma_wait3A_42 = tpu.memref_slice %arg5[%scan3A_37, %dma_wait3A] : memref<160x64xi32, #tpu.memory_space<vmem>> -> memref<1x64xi32, #tpu.memory_space<vmem>>
        %dma_wait3A_43 = tpu.memref_squeeze %dma_wait3A_42 : memref<1x64xi32, #tpu.memory_space<vmem>> -> memref<64xi32, #tpu.memory_space<vmem>>
        %dma_wait3A_44 = arith.constant 0 : i32
        %dma_wait3A_45 = tpu.memref_slice %arg7[%dma_wait3A_44] : memref<10240xf32, #tpu.memory_space<vmem_shared>> -> memref<10240xf32, #tpu.memory_space<vmem_shared>>
        tpu.wait_indirect_dma semaphore(%run_scoped3A : memref<!tpu.dma_semaphore, #tpu.memory_space<semaphore_mem>>) src(%arg6 : memref<64xf32, #tpu.memory_space<vmem>>) dst(%dma_wait3A_45 : memref<10240xf32, #tpu.memory_space<vmem_shared>>)
        tpu.yield
      }) : () -> ()
    }
    %scan3A_35 = arith.constant 160 : i32
    %barrier3A_36 = arith.constant 0 : index
    tpu.barrier barrier_id(%barrier3A_36)
    "tpu.region"() ({
      %run_scoped3A = tpu.sem_alloc : memref<!tpu.dma_semaphore, #tpu.memory_space<semaphore_mem>>
      %dma_start3A = tpu.memref_slice %arg4[%multiple_of3A_8] : memref<20480xf32, #tpu.memory_space<hbm>> -> memref<640xf32, #tpu.memory_space<hbm>>
      %dma_start3A_37 = tpu.memref_slice %arg7[%multiple_of3A] : memref<10240xf32, #tpu.memory_space<vmem_shared>> -> memref<640xf32, #tpu.memory_space<vmem_shared>>
      tpu.enqueue_dma source(%dma_start3A_37 : memref<640xf32, #tpu.memory_space<vmem_shared>>) target(%dma_start3A : memref<640xf32, #tpu.memory_space<hbm>>) target_semaphore(%run_scoped3A : memref<!tpu.dma_semaphore, #tpu.memory_space<semaphore_mem>>)
      %dma_wait3A = tpu.memref_slice %arg4[%multiple_of3A_8] : memref<20480xf32, #tpu.memory_space<hbm>> -> memref<640xf32, #tpu.memory_space<hbm>>
      %dma_wait3A_38 = tpu.memref_slice %arg7[%multiple_of3A] : memref<10240xf32, #tpu.memory_space<vmem_shared>> -> memref<640xf32, #tpu.memory_space<vmem_shared>>
      tpu.wait_dma2 semaphore(%run_scoped3A : memref<!tpu.dma_semaphore, #tpu.memory_space<semaphore_mem>>) src(%dma_wait3A_38 : memref<640xf32, #tpu.memory_space<vmem_shared>>) dst(%dma_wait3A : memref<640xf32, #tpu.memory_space<hbm>>)
      tpu.yield
    }) : () -> ()
    return
  }
}

#map = affine_map<(d0, d1) -> (0, 0)>
#map1 = affine_map<(d0, d1) -> (0, 0, 0)>
module attributes {stable_mosaic.version = 14 : i64} {
  func.func @_sc_agg_body(%arg0: i32, %arg1: i32, %arg2: memref<10000x128xf32, #tpu.memory_space<hbm>>, %arg3: memref<32x160x64xi32, #tpu.memory_space<hbm>>, %arg4: memref<32x160x64xi32, #tpu.memory_space<hbm>>, %arg5: memref<10112x128xf32, #tpu.memory_space<hbm>>, %arg6: memref<2x10112x128xf32, #tpu.memory_space<hbm>>, %arg7: memref<64xi32, #tpu.memory_space<vmem>>, %arg8: memref<64xi32, #tpu.memory_space<vmem>>, %arg9: memref<64xi32, #tpu.memory_space<vmem>>, %arg10: memref<64xi32, #tpu.memory_space<vmem>>, %arg11: memref<64xi32, #tpu.memory_space<vmem>>, %arg12: memref<64xi32, #tpu.memory_space<vmem>>, %arg13: memref<64xi32, #tpu.memory_space<vmem>>, %arg14: memref<64xi32, #tpu.memory_space<vmem>>, %arg15: memref<64x128xf32, #tpu.memory_space<vmem>>, %arg16: memref<64x128xf32, #tpu.memory_space<vmem>>, %arg17: memref<64x128xf32, #tpu.memory_space<vmem>>, %arg18: memref<64x128xf32, #tpu.memory_space<vmem>>, %arg19: memref<10112x128xf32, #tpu.memory_space<vmem_shared>>, %arg20: memref<!tpu.dma_semaphore, #tpu.memory_space<semaphore_mem>>, %arg21: memref<!tpu.dma_semaphore, #tpu.memory_space<semaphore_mem>>, %arg22: memref<!tpu.dma_semaphore, #tpu.memory_space<semaphore_mem>>, %arg23: memref<!tpu.dma_semaphore, #tpu.memory_space<semaphore_mem>>, %arg24: memref<!tpu.dma_semaphore, #tpu.memory_space<semaphore_mem>>, %arg25: memref<!tpu.dma_semaphore, #tpu.memory_space<semaphore_mem>>, %arg26: memref<!tpu.dma_semaphore, #tpu.memory_space<semaphore_mem>>, %arg27: memref<!tpu.dma_semaphore, #tpu.memory_space<semaphore_mem>>, %arg28: memref<!tpu.dma_semaphore, #tpu.memory_space<semaphore_mem>>, %arg29: memref<!tpu.dma_semaphore, #tpu.memory_space<semaphore_mem>>, %arg30: memref<!tpu.dma_semaphore, #tpu.memory_space<semaphore_mem>>, %arg31: memref<!tpu.dma_semaphore, #tpu.memory_space<semaphore_mem>>, %arg32: memref<!tpu.dma_semaphore, #tpu.memory_space<semaphore_mem>>, %arg33: memref<!tpu.dma_semaphore, #tpu.memory_space<semaphore_mem>>, %arg34: memref<!tpu.dma_semaphore, #tpu.memory_space<semaphore_mem>>, %arg35: memref<!tpu.dma_semaphore, #tpu.memory_space<semaphore_mem>>) attributes {dimension_semantics = [#tpu.dimension_semantics<core_parallel>, #tpu.dimension_semantics<subcore_parallel>], iteration_bounds = array<i64: 2, 16>, scalar_prefetch = 0 : i64, scratch_operands = 29 : i64, tpu.core_type = #tpu.core_type<sc_vector_subcore>, window_params = [{transform_indices = #map}, {transform_indices = #map1}, {transform_indices = #map1}, {transform_indices = #map}, {transform_indices = #map1}]} {
    %mul3A = arith.constant 2 : i32
    %mul3A_0 = arith.muli %arg1, %mul3A : i32
    %add3A = arith.addi %mul3A_0, %arg0 : i32
    %mul3A_1 = arith.constant 632 : i32
    %mul3A_2 = arith.muli %arg1, %mul3A_1 : i32
    %multiple_of3A = tpu.assume_multiple %mul3A_2, 8 : i32
    "tpu.region"() ({
      %run_scoped3A = tpu.sem_alloc : memref<!tpu.dma_semaphore, #tpu.memory_space<semaphore_mem>>
      %dma_start3A_75 = arith.constant 0 : i32
      %dma_start3A_76 = tpu.memref_slice %arg19[%multiple_of3A, %dma_start3A_75] : memref<10112x128xf32, #tpu.memory_space<vmem_shared>> -> memref<632x128xf32, #tpu.memory_space<vmem_shared>>
      %dma_start3A_77 = arith.constant 0 : i32
      %dma_start3A_78 = tpu.memref_slice %arg5[%multiple_of3A, %dma_start3A_77] : memref<10112x128xf32, #tpu.memory_space<hbm>> -> memref<632x128xf32, #tpu.memory_space<hbm>>
      tpu.enqueue_dma source(%dma_start3A_78 : memref<632x128xf32, #tpu.memory_space<hbm>>) target(%dma_start3A_76 : memref<632x128xf32, #tpu.memory_space<vmem_shared>>) target_semaphore(%run_scoped3A : memref<!tpu.dma_semaphore, #tpu.memory_space<semaphore_mem>>)
      %dma_wait3A_79 = arith.constant 0 : i32
      %dma_wait3A_80 = tpu.memref_slice %arg19[%multiple_of3A, %dma_wait3A_79] : memref<10112x128xf32, #tpu.memory_space<vmem_shared>> -> memref<632x128xf32, #tpu.memory_space<vmem_shared>>
      %dma_wait3A_81 = arith.constant 0 : i32
      %dma_wait3A_82 = tpu.memref_slice %arg5[%multiple_of3A, %dma_wait3A_81] : memref<10112x128xf32, #tpu.memory_space<hbm>> -> memref<632x128xf32, #tpu.memory_space<hbm>>
      tpu.wait_dma2 semaphore(%run_scoped3A : memref<!tpu.dma_semaphore, #tpu.memory_space<semaphore_mem>>) src(%dma_wait3A_82 : memref<632x128xf32, #tpu.memory_space<hbm>>) dst(%dma_wait3A_80 : memref<632x128xf32, #tpu.memory_space<vmem_shared>>)
      tpu.yield
    }) : () -> ()
    %barrier3A = arith.constant 0 : index
    tpu.barrier barrier_id(%barrier3A)
    %dma_start3A = arith.constant 0 : i32
    %dma_start3A_3 = arith.constant 0 : i32
    %dma_start3A_4 = tpu.memref_slice %arg3[%add3A, %dma_start3A, %dma_start3A_3] : memref<32x160x64xi32, #tpu.memory_space<hbm>> -> memref<1x1x64xi32, #tpu.memory_space<hbm>>
    %dma_start3A_5 = tpu.memref_squeeze %dma_start3A_4 : memref<1x1x64xi32, #tpu.memory_space<hbm>> -> memref<64xi32, #tpu.memory_space<hbm>>
    %dma_start3A_6 = arith.constant 0 : i32
    %dma_start3A_7 = tpu.memref_slice %arg3[%add3A, %dma_start3A, %dma_start3A_6] : memref<32x160x64xi32, #tpu.memory_space<hbm>> -> memref<1x1x64xi32, #tpu.memory_space<hbm>>
    %dma_start3A_8 = tpu.memref_squeeze %dma_start3A_7 : memref<1x1x64xi32, #tpu.memory_space<hbm>> -> memref<64xi32, #tpu.memory_space<hbm>>
    tpu.enqueue_dma source(%dma_start3A_8 : memref<64xi32, #tpu.memory_space<hbm>>) target(%arg7 : memref<64xi32, #tpu.memory_space<vmem>>) target_semaphore(%arg20 : memref<!tpu.dma_semaphore, #tpu.memory_space<semaphore_mem>>)
    %dma_start3A_9 = arith.constant 1 : i32
    %dma_start3A_10 = arith.constant 0 : i32
    %dma_start3A_11 = tpu.memref_slice %arg3[%add3A, %dma_start3A_9, %dma_start3A_10] : memref<32x160x64xi32, #tpu.memory_space<hbm>> -> memref<1x1x64xi32, #tpu.memory_space<hbm>>
    %dma_start3A_12 = tpu.memref_squeeze %dma_start3A_11 : memref<1x1x64xi32, #tpu.memory_space<hbm>> -> memref<64xi32, #tpu.memory_space<hbm>>
    %dma_start3A_13 = arith.constant 0 : i32
    %dma_start3A_14 = tpu.memref_slice %arg3[%add3A, %dma_start3A_9, %dma_start3A_13] : memref<32x160x64xi32, #tpu.memory_space<hbm>> -> memref<1x1x64xi32, #tpu.memory_space<hbm>>
    %dma_start3A_15 = tpu.memref_squeeze %dma_start3A_14 : memref<1x1x64xi32, #tpu.memory_space<hbm>> -> memref<64xi32, #tpu.memory_space<hbm>>
    tpu.enqueue_dma source(%dma_start3A_15 : memref<64xi32, #tpu.memory_space<hbm>>) target(%arg8 : memref<64xi32, #tpu.memory_space<vmem>>) target_semaphore(%arg21 : memref<!tpu.dma_semaphore, #tpu.memory_space<semaphore_mem>>)
    %dma_start3A_16 = arith.constant 2 : i32
    %dma_start3A_17 = arith.constant 0 : i32
    %dma_start3A_18 = tpu.memref_slice %arg3[%add3A, %dma_start3A_16, %dma_start3A_17] : memref<32x160x64xi32, #tpu.memory_space<hbm>> -> memref<1x1x64xi32, #tpu.memory_space<hbm>>
    %dma_start3A_19 = tpu.memref_squeeze %dma_start3A_18 : memref<1x1x64xi32, #tpu.memory_space<hbm>> -> memref<64xi32, #tpu.memory_space<hbm>>
    %dma_start3A_20 = arith.constant 0 : i32
    %dma_start3A_21 = tpu.memref_slice %arg3[%add3A, %dma_start3A_16, %dma_start3A_20] : memref<32x160x64xi32, #tpu.memory_space<hbm>> -> memref<1x1x64xi32, #tpu.memory_space<hbm>>
    %dma_start3A_22 = tpu.memref_squeeze %dma_start3A_21 : memref<1x1x64xi32, #tpu.memory_space<hbm>> -> memref<64xi32, #tpu.memory_space<hbm>>
    tpu.enqueue_dma source(%dma_start3A_22 : memref<64xi32, #tpu.memory_space<hbm>>) target(%arg9 : memref<64xi32, #tpu.memory_space<vmem>>) target_semaphore(%arg22 : memref<!tpu.dma_semaphore, #tpu.memory_space<semaphore_mem>>)
    %dma_start3A_23 = arith.constant 3 : i32
    %dma_start3A_24 = arith.constant 0 : i32
    %dma_start3A_25 = tpu.memref_slice %arg3[%add3A, %dma_start3A_23, %dma_start3A_24] : memref<32x160x64xi32, #tpu.memory_space<hbm>> -> memref<1x1x64xi32, #tpu.memory_space<hbm>>
    %dma_start3A_26 = tpu.memref_squeeze %dma_start3A_25 : memref<1x1x64xi32, #tpu.memory_space<hbm>> -> memref<64xi32, #tpu.memory_space<hbm>>
    %dma_start3A_27 = arith.constant 0 : i32
    %dma_start3A_28 = tpu.memref_slice %arg3[%add3A, %dma_start3A_23, %dma_start3A_27] : memref<32x160x64xi32, #tpu.memory_space<hbm>> -> memref<1x1x64xi32, #tpu.memory_space<hbm>>
    %dma_start3A_29 = tpu.memref_squeeze %dma_start3A_28 : memref<1x1x64xi32, #tpu.memory_space<hbm>> -> memref<64xi32, #tpu.memory_space<hbm>>
    tpu.enqueue_dma source(%dma_start3A_29 : memref<64xi32, #tpu.memory_space<hbm>>) target(%arg10 : memref<64xi32, #tpu.memory_space<vmem>>) target_semaphore(%arg23 : memref<!tpu.dma_semaphore, #tpu.memory_space<semaphore_mem>>)
    %dma_start3A_30 = arith.constant 0 : i32
    %dma_start3A_31 = arith.constant 0 : i32
    %dma_start3A_32 = tpu.memref_slice %arg4[%add3A, %dma_start3A_30, %dma_start3A_31] : memref<32x160x64xi32, #tpu.memory_space<hbm>> -> memref<1x1x64xi32, #tpu.memory_space<hbm>>
    %dma_start3A_33 = tpu.memref_squeeze %dma_start3A_32 : memref<1x1x64xi32, #tpu.memory_space<hbm>> -> memref<64xi32, #tpu.memory_space<hbm>>
    %dma_start3A_34 = arith.constant 0 : i32
    %dma_start3A_35 = tpu.memref_slice %arg4[%add3A, %dma_start3A_30, %dma_start3A_34] : memref<32x160x64xi32, #tpu.memory_space<hbm>> -> memref<1x1x64xi32, #tpu.memory_space<hbm>>
    %dma_start3A_36 = tpu.memref_squeeze %dma_start3A_35 : memref<1x1x64xi32, #tpu.memory_space<hbm>> -> memref<64xi32, #tpu.memory_space<hbm>>
    tpu.enqueue_dma source(%dma_start3A_36 : memref<64xi32, #tpu.memory_space<hbm>>) target(%arg11 : memref<64xi32, #tpu.memory_space<vmem>>) target_semaphore(%arg24 : memref<!tpu.dma_semaphore, #tpu.memory_space<semaphore_mem>>)
    %dma_start3A_37 = arith.constant 1 : i32
    %dma_start3A_38 = arith.constant 0 : i32
    %dma_start3A_39 = tpu.memref_slice %arg4[%add3A, %dma_start3A_37, %dma_start3A_38] : memref<32x160x64xi32, #tpu.memory_space<hbm>> -> memref<1x1x64xi32, #tpu.memory_space<hbm>>
    %dma_start3A_40 = tpu.memref_squeeze %dma_start3A_39 : memref<1x1x64xi32, #tpu.memory_space<hbm>> -> memref<64xi32, #tpu.memory_space<hbm>>
    %dma_start3A_41 = arith.constant 0 : i32
    %dma_start3A_42 = tpu.memref_slice %arg4[%add3A, %dma_start3A_37, %dma_start3A_41] : memref<32x160x64xi32, #tpu.memory_space<hbm>> -> memref<1x1x64xi32, #tpu.memory_space<hbm>>
    %dma_start3A_43 = tpu.memref_squeeze %dma_start3A_42 : memref<1x1x64xi32, #tpu.memory_space<hbm>> -> memref<64xi32, #tpu.memory_space<hbm>>
    tpu.enqueue_dma source(%dma_start3A_43 : memref<64xi32, #tpu.memory_space<hbm>>) target(%arg12 : memref<64xi32, #tpu.memory_space<vmem>>) target_semaphore(%arg25 : memref<!tpu.dma_semaphore, #tpu.memory_space<semaphore_mem>>)
    %dma_wait3A = arith.constant 0 : i32
    %dma_wait3A_44 = arith.constant 0 : i32
    %dma_wait3A_45 = tpu.memref_slice %arg3[%add3A, %dma_wait3A, %dma_wait3A_44] : memref<32x160x64xi32, #tpu.memory_space<hbm>> -> memref<1x1x64xi32, #tpu.memory_space<hbm>>
    %dma_wait3A_46 = tpu.memref_squeeze %dma_wait3A_45 : memref<1x1x64xi32, #tpu.memory_space<hbm>> -> memref<64xi32, #tpu.memory_space<hbm>>
    %dma_wait3A_47 = arith.constant 0 : i32
    %dma_wait3A_48 = tpu.memref_slice %arg3[%add3A, %dma_wait3A, %dma_wait3A_47] : memref<32x160x64xi32, #tpu.memory_space<hbm>> -> memref<1x1x64xi32, #tpu.memory_space<hbm>>
    %dma_wait3A_49 = tpu.memref_squeeze %dma_wait3A_48 : memref<1x1x64xi32, #tpu.memory_space<hbm>> -> memref<64xi32, #tpu.memory_space<hbm>>
    tpu.wait_dma2 semaphore(%arg20 : memref<!tpu.dma_semaphore, #tpu.memory_space<semaphore_mem>>) src(%dma_wait3A_49 : memref<64xi32, #tpu.memory_space<hbm>>) dst(%arg7 : memref<64xi32, #tpu.memory_space<vmem>>)
    %dma_start3A_50 = arith.constant 0 : i32
    %dma_start3A_51 = arith.constant 0 : i32
    %dma_start3A_52 = tpu.memref_slice %arg2[%dma_start3A_50, %dma_start3A_51] : memref<10000x128xf32, #tpu.memory_space<hbm>> -> memref<10000x128xf32, #tpu.memory_space<hbm>>
    tpu.enqueue_indirect_dma source(%dma_start3A_52 : memref<10000x128xf32, #tpu.memory_space<hbm>>) target(%arg15 : memref<64x128xf32, #tpu.memory_space<vmem>>) offsets(%arg7 : memref<64xi32, #tpu.memory_space<vmem>>) semaphore(%arg28 : memref<!tpu.dma_semaphore, #tpu.memory_space<semaphore_mem>>)
    %dma_wait3A_53 = arith.constant 1 : i32
    %dma_wait3A_54 = arith.constant 0 : i32
    %dma_wait3A_55 = tpu.memref_slice %arg3[%add3A, %dma_wait3A_53, %dma_wait3A_54] : memref<32x160x64xi32, #tpu.memory_space<hbm>> -> memref<1x1x64xi32, #tpu.memory_space<hbm>>
    %dma_wait3A_56 = tpu.memref_squeeze %dma_wait3A_55 : memref<1x1x64xi32, #tpu.memory_space<hbm>> -> memref<64xi32, #tpu.memory_space<hbm>>
    %dma_wait3A_57 = arith.constant 0 : i32
    %dma_wait3A_58 = tpu.memref_slice %arg3[%add3A, %dma_wait3A_53, %dma_wait3A_57] : memref<32x160x64xi32, #tpu.memory_space<hbm>> -> memref<1x1x64xi32, #tpu.memory_space<hbm>>
    %dma_wait3A_59 = tpu.memref_squeeze %dma_wait3A_58 : memref<1x1x64xi32, #tpu.memory_space<hbm>> -> memref<64xi32, #tpu.memory_space<hbm>>
    tpu.wait_dma2 semaphore(%arg21 : memref<!tpu.dma_semaphore, #tpu.memory_space<semaphore_mem>>) src(%dma_wait3A_59 : memref<64xi32, #tpu.memory_space<hbm>>) dst(%arg8 : memref<64xi32, #tpu.memory_space<vmem>>)
    %dma_start3A_60 = arith.constant 0 : i32
    %dma_start3A_61 = arith.constant 0 : i32
    %dma_start3A_62 = tpu.memref_slice %arg2[%dma_start3A_60, %dma_start3A_61] : memref<10000x128xf32, #tpu.memory_space<hbm>> -> memref<10000x128xf32, #tpu.memory_space<hbm>>
    tpu.enqueue_indirect_dma source(%dma_start3A_62 : memref<10000x128xf32, #tpu.memory_space<hbm>>) target(%arg16 : memref<64x128xf32, #tpu.memory_space<vmem>>) offsets(%arg8 : memref<64xi32, #tpu.memory_space<vmem>>) semaphore(%arg29 : memref<!tpu.dma_semaphore, #tpu.memory_space<semaphore_mem>>)
    %scan3A = arith.constant 0 : i32
    %scan3A_63 = arith.constant 0 : i32
    %scan3A_64 = arith.constant 40 : i32
    %scan3A_65 = arith.addi %scan3A_63, %scan3A_64 : i32
    %scan3A_66 = arith.constant 1 : i32
    scf.for %scan3A_75 = %scan3A_63 to %scan3A_65 step %scan3A_66  : i32 {
      %mul3A_76 = arith.constant 4 : i32
      %mul3A_77 = arith.muli %scan3A_75, %mul3A_76 : i32
      %add3A_78 = arith.constant 0 : i32
      %add3A_79 = arith.addi %mul3A_77, %add3A_78 : i32
      %dma_wait3A_80 = arith.constant 0 : i32
      %dma_wait3A_81 = arith.constant 0 : i32
      %dma_wait3A_82 = tpu.memref_slice %arg2[%dma_wait3A_80, %dma_wait3A_81] : memref<10000x128xf32, #tpu.memory_space<hbm>> -> memref<10000x128xf32, #tpu.memory_space<hbm>>
      tpu.wait_indirect_dma semaphore(%arg28 : memref<!tpu.dma_semaphore, #tpu.memory_space<semaphore_mem>>) src(%dma_wait3A_82 : memref<10000x128xf32, #tpu.memory_space<hbm>>) dst(%arg15 : memref<64x128xf32, #tpu.memory_space<vmem>>)
      %ge3A = arith.constant 2 : i32
      %ge3A_83 = arith.cmpi sge, %add3A_79, %ge3A : i32
      %convert_element_type3A = arith.extui %ge3A_83 : i1 to i32
      %cond3A = arith.constant 0 : i32
      %cond3A_84 = arith.cmpi ne, %convert_element_type3A, %cond3A : i32
      scf.if %cond3A_84 {
        %dma_wait3A_212 = arith.constant 0 : i32
        %dma_wait3A_213 = arith.constant 0 : i32
        %dma_wait3A_214 = tpu.memref_slice %arg19[%dma_wait3A_212, %dma_wait3A_213] : memref<10112x128xf32, #tpu.memory_space<vmem_shared>> -> memref<10112x128xf32, #tpu.memory_space<vmem_shared>>
        tpu.wait_indirect_dma semaphore(%arg34 : memref<!tpu.dma_semaphore, #tpu.memory_space<semaphore_mem>>) src(%arg17 : memref<64x128xf32, #tpu.memory_space<vmem>>) dst(%dma_wait3A_214 : memref<10112x128xf32, #tpu.memory_space<vmem_shared>>)
      } else {
      }
      %add3A_85 = arith.constant 2 : i32
      %add3A_86 = arith.addi %add3A_79, %add3A_85 : i32
      %lt3A = arith.constant 160 : i32
      %lt3A_87 = arith.cmpi slt, %add3A_86, %lt3A : i32
      %convert_element_type3A_88 = arith.extui %lt3A_87 : i1 to i32
      %cond3A_89 = arith.constant 0 : i32
      %cond3A_90 = arith.cmpi ne, %convert_element_type3A_88, %cond3A_89 : i32
      scf.if %cond3A_90 {
        %add3A_212 = arith.constant 2 : i32
        %add3A_213 = arith.addi %add3A_79, %add3A_212 : i32
        %dma_wait3A_214 = arith.constant 0 : i32
        %dma_wait3A_215 = tpu.memref_slice %arg3[%add3A, %add3A_213, %dma_wait3A_214] : memref<32x160x64xi32, #tpu.memory_space<hbm>> -> memref<1x1x64xi32, #tpu.memory_space<hbm>>
        %dma_wait3A_216 = tpu.memref_squeeze %dma_wait3A_215 : memref<1x1x64xi32, #tpu.memory_space<hbm>> -> memref<64xi32, #tpu.memory_space<hbm>>
        %dma_wait3A_217 = arith.constant 0 : i32
        %dma_wait3A_218 = tpu.memref_slice %arg3[%add3A, %add3A_213, %dma_wait3A_217] : memref<32x160x64xi32, #tpu.memory_space<hbm>> -> memref<1x1x64xi32, #tpu.memory_space<hbm>>
        %dma_wait3A_219 = tpu.memref_squeeze %dma_wait3A_218 : memref<1x1x64xi32, #tpu.memory_space<hbm>> -> memref<64xi32, #tpu.memory_space<hbm>>
        tpu.wait_dma2 semaphore(%arg22 : memref<!tpu.dma_semaphore, #tpu.memory_space<semaphore_mem>>) src(%dma_wait3A_219 : memref<64xi32, #tpu.memory_space<hbm>>) dst(%arg9 : memref<64xi32, #tpu.memory_space<vmem>>)
        %dma_start3A_220 = arith.constant 0 : i32
        %dma_start3A_221 = arith.constant 0 : i32
        %dma_start3A_222 = tpu.memref_slice %arg2[%dma_start3A_220, %dma_start3A_221] : memref<10000x128xf32, #tpu.memory_space<hbm>> -> memref<10000x128xf32, #tpu.memory_space<hbm>>
        tpu.enqueue_indirect_dma source(%dma_start3A_222 : memref<10000x128xf32, #tpu.memory_space<hbm>>) target(%arg17 : memref<64x128xf32, #tpu.memory_space<vmem>>) offsets(%arg9 : memref<64xi32, #tpu.memory_space<vmem>>) semaphore(%arg30 : memref<!tpu.dma_semaphore, #tpu.memory_space<semaphore_mem>>)
        %add3A_223 = arith.constant 2 : i32
        %add3A_224 = arith.addi %add3A_79, %add3A_223 : i32
        %dma_start3A_225 = arith.constant 0 : i32
        %dma_start3A_226 = tpu.memref_slice %arg4[%add3A, %add3A_224, %dma_start3A_225] : memref<32x160x64xi32, #tpu.memory_space<hbm>> -> memref<1x1x64xi32, #tpu.memory_space<hbm>>
        %dma_start3A_227 = tpu.memref_squeeze %dma_start3A_226 : memref<1x1x64xi32, #tpu.memory_space<hbm>> -> memref<64xi32, #tpu.memory_space<hbm>>
        %dma_start3A_228 = arith.constant 0 : i32
        %dma_start3A_229 = tpu.memref_slice %arg4[%add3A, %add3A_224, %dma_start3A_228] : memref<32x160x64xi32, #tpu.memory_space<hbm>> -> memref<1x1x64xi32, #tpu.memory_space<hbm>>
        %dma_start3A_230 = tpu.memref_squeeze %dma_start3A_229 : memref<1x1x64xi32, #tpu.memory_space<hbm>> -> memref<64xi32, #tpu.memory_space<hbm>>
        tpu.enqueue_dma source(%dma_start3A_230 : memref<64xi32, #tpu.memory_space<hbm>>) target(%arg13 : memref<64xi32, #tpu.memory_space<vmem>>) target_semaphore(%arg26 : memref<!tpu.dma_semaphore, #tpu.memory_space<semaphore_mem>>)
      } else {
      }
      %add3A_91 = arith.constant 4 : i32
      %add3A_92 = arith.addi %add3A_79, %add3A_91 : i32
      %lt3A_93 = arith.constant 160 : i32
      %lt3A_94 = arith.cmpi slt, %add3A_92, %lt3A_93 : i32
      %convert_element_type3A_95 = arith.extui %lt3A_94 : i1 to i32
      %cond3A_96 = arith.constant 0 : i32
      %cond3A_97 = arith.cmpi ne, %convert_element_type3A_95, %cond3A_96 : i32
      scf.if %cond3A_97 {
        %add3A_212 = arith.constant 4 : i32
        %add3A_213 = arith.addi %add3A_79, %add3A_212 : i32
        %dma_start3A_214 = arith.constant 0 : i32
        %dma_start3A_215 = tpu.memref_slice %arg3[%add3A, %add3A_213, %dma_start3A_214] : memref<32x160x64xi32, #tpu.memory_space<hbm>> -> memref<1x1x64xi32, #tpu.memory_space<hbm>>
        %dma_start3A_216 = tpu.memref_squeeze %dma_start3A_215 : memref<1x1x64xi32, #tpu.memory_space<hbm>> -> memref<64xi32, #tpu.memory_space<hbm>>
        %dma_start3A_217 = arith.constant 0 : i32
        %dma_start3A_218 = tpu.memref_slice %arg3[%add3A, %add3A_213, %dma_start3A_217] : memref<32x160x64xi32, #tpu.memory_space<hbm>> -> memref<1x1x64xi32, #tpu.memory_space<hbm>>
        %dma_start3A_219 = tpu.memref_squeeze %dma_start3A_218 : memref<1x1x64xi32, #tpu.memory_space<hbm>> -> memref<64xi32, #tpu.memory_space<hbm>>
        tpu.enqueue_dma source(%dma_start3A_219 : memref<64xi32, #tpu.memory_space<hbm>>) target(%arg7 : memref<64xi32, #tpu.memory_space<vmem>>) target_semaphore(%arg20 : memref<!tpu.dma_semaphore, #tpu.memory_space<semaphore_mem>>)
      } else {
      }
      %dma_wait3A_98 = arith.constant 0 : i32
      %dma_wait3A_99 = tpu.memref_slice %arg4[%add3A, %add3A_79, %dma_wait3A_98] : memref<32x160x64xi32, #tpu.memory_space<hbm>> -> memref<1x1x64xi32, #tpu.memory_space<hbm>>
      %dma_wait3A_100 = tpu.memref_squeeze %dma_wait3A_99 : memref<1x1x64xi32, #tpu.memory_space<hbm>> -> memref<64xi32, #tpu.memory_space<hbm>>
      %dma_wait3A_101 = arith.constant 0 : i32
      %dma_wait3A_102 = tpu.memref_slice %arg4[%add3A, %add3A_79, %dma_wait3A_101] : memref<32x160x64xi32, #tpu.memory_space<hbm>> -> memref<1x1x64xi32, #tpu.memory_space<hbm>>
      %dma_wait3A_103 = tpu.memref_squeeze %dma_wait3A_102 : memref<1x1x64xi32, #tpu.memory_space<hbm>> -> memref<64xi32, #tpu.memory_space<hbm>>
      tpu.wait_dma2 semaphore(%arg24 : memref<!tpu.dma_semaphore, #tpu.memory_space<semaphore_mem>>) src(%dma_wait3A_103 : memref<64xi32, #tpu.memory_space<hbm>>) dst(%arg11 : memref<64xi32, #tpu.memory_space<vmem>>)
      %dma_start3A_104 = arith.constant 0 : i32
      %dma_start3A_105 = arith.constant 0 : i32
      %dma_start3A_106 = tpu.memref_slice %arg19[%dma_start3A_104, %dma_start3A_105] : memref<10112x128xf32, #tpu.memory_space<vmem_shared>> -> memref<10112x128xf32, #tpu.memory_space<vmem_shared>>
      tpu.enqueue_indirect_dma source(%arg15 : memref<64x128xf32, #tpu.memory_space<vmem>>) target(%dma_start3A_106 : memref<10112x128xf32, #tpu.memory_space<vmem_shared>>) offsets(%arg11 : memref<64xi32, #tpu.memory_space<vmem>>) semaphore(%arg32 : memref<!tpu.dma_semaphore, #tpu.memory_space<semaphore_mem>>) {add = true}
      %mul3A_107 = arith.constant 4 : i32
      %mul3A_108 = arith.muli %scan3A_75, %mul3A_107 : i32
      %add3A_109 = arith.constant 1 : i32
      %add3A_110 = arith.addi %mul3A_108, %add3A_109 : i32
      %dma_wait3A_111 = arith.constant 0 : i32
      %dma_wait3A_112 = arith.constant 0 : i32
      %dma_wait3A_113 = tpu.memref_slice %arg2[%dma_wait3A_111, %dma_wait3A_112] : memref<10000x128xf32, #tpu.memory_space<hbm>> -> memref<10000x128xf32, #tpu.memory_space<hbm>>
      tpu.wait_indirect_dma semaphore(%arg29 : memref<!tpu.dma_semaphore, #tpu.memory_space<semaphore_mem>>) src(%dma_wait3A_113 : memref<10000x128xf32, #tpu.memory_space<hbm>>) dst(%arg16 : memref<64x128xf32, #tpu.memory_space<vmem>>)
      %ge3A_114 = arith.constant 2 : i32
      %ge3A_115 = arith.cmpi sge, %add3A_110, %ge3A_114 : i32
      %convert_element_type3A_116 = arith.extui %ge3A_115 : i1 to i32
      %cond3A_117 = arith.constant 0 : i32
      %cond3A_118 = arith.cmpi ne, %convert_element_type3A_116, %cond3A_117 : i32
      scf.if %cond3A_118 {
        %dma_wait3A_212 = arith.constant 0 : i32
        %dma_wait3A_213 = arith.constant 0 : i32
        %dma_wait3A_214 = tpu.memref_slice %arg19[%dma_wait3A_212, %dma_wait3A_213] : memref<10112x128xf32, #tpu.memory_space<vmem_shared>> -> memref<10112x128xf32, #tpu.memory_space<vmem_shared>>
        tpu.wait_indirect_dma semaphore(%arg35 : memref<!tpu.dma_semaphore, #tpu.memory_space<semaphore_mem>>) src(%arg18 : memref<64x128xf32, #tpu.memory_space<vmem>>) dst(%dma_wait3A_214 : memref<10112x128xf32, #tpu.memory_space<vmem_shared>>)
      } else {
      }
      %add3A_119 = arith.constant 2 : i32
      %add3A_120 = arith.addi %add3A_110, %add3A_119 : i32
      %lt3A_121 = arith.constant 160 : i32
      %lt3A_122 = arith.cmpi slt, %add3A_120, %lt3A_121 : i32
      %convert_element_type3A_123 = arith.extui %lt3A_122 : i1 to i32
      %cond3A_124 = arith.constant 0 : i32
      %cond3A_125 = arith.cmpi ne, %convert_element_type3A_123, %cond3A_124 : i32
      scf.if %cond3A_125 {
        %add3A_212 = arith.constant 2 : i32
        %add3A_213 = arith.addi %add3A_110, %add3A_212 : i32
        %dma_wait3A_214 = arith.constant 0 : i32
        %dma_wait3A_215 = tpu.memref_slice %arg3[%add3A, %add3A_213, %dma_wait3A_214] : memref<32x160x64xi32, #tpu.memory_space<hbm>> -> memref<1x1x64xi32, #tpu.memory_space<hbm>>
        %dma_wait3A_216 = tpu.memref_squeeze %dma_wait3A_215 : memref<1x1x64xi32, #tpu.memory_space<hbm>> -> memref<64xi32, #tpu.memory_space<hbm>>
        %dma_wait3A_217 = arith.constant 0 : i32
        %dma_wait3A_218 = tpu.memref_slice %arg3[%add3A, %add3A_213, %dma_wait3A_217] : memref<32x160x64xi32, #tpu.memory_space<hbm>> -> memref<1x1x64xi32, #tpu.memory_space<hbm>>
        %dma_wait3A_219 = tpu.memref_squeeze %dma_wait3A_218 : memref<1x1x64xi32, #tpu.memory_space<hbm>> -> memref<64xi32, #tpu.memory_space<hbm>>
        tpu.wait_dma2 semaphore(%arg23 : memref<!tpu.dma_semaphore, #tpu.memory_space<semaphore_mem>>) src(%dma_wait3A_219 : memref<64xi32, #tpu.memory_space<hbm>>) dst(%arg10 : memref<64xi32, #tpu.memory_space<vmem>>)
        %dma_start3A_220 = arith.constant 0 : i32
        %dma_start3A_221 = arith.constant 0 : i32
        %dma_start3A_222 = tpu.memref_slice %arg2[%dma_start3A_220, %dma_start3A_221] : memref<10000x128xf32, #tpu.memory_space<hbm>> -> memref<10000x128xf32, #tpu.memory_space<hbm>>
        tpu.enqueue_indirect_dma source(%dma_start3A_222 : memref<10000x128xf32, #tpu.memory_space<hbm>>) target(%arg18 : memref<64x128xf32, #tpu.memory_space<vmem>>) offsets(%arg10 : memref<64xi32, #tpu.memory_space<vmem>>) semaphore(%arg31 : memref<!tpu.dma_semaphore, #tpu.memory_space<semaphore_mem>>)
        %add3A_223 = arith.constant 2 : i32
        %add3A_224 = arith.addi %add3A_110, %add3A_223 : i32
        %dma_start3A_225 = arith.constant 0 : i32
        %dma_start3A_226 = tpu.memref_slice %arg4[%add3A, %add3A_224, %dma_start3A_225] : memref<32x160x64xi32, #tpu.memory_space<hbm>> -> memref<1x1x64xi32, #tpu.memory_space<hbm>>
        %dma_start3A_227 = tpu.memref_squeeze %dma_start3A_226 : memref<1x1x64xi32, #tpu.memory_space<hbm>> -> memref<64xi32, #tpu.memory_space<hbm>>
        %dma_start3A_228 = arith.constant 0 : i32
        %dma_start3A_229 = tpu.memref_slice %arg4[%add3A, %add3A_224, %dma_start3A_228] : memref<32x160x64xi32, #tpu.memory_space<hbm>> -> memref<1x1x64xi32, #tpu.memory_space<hbm>>
        %dma_start3A_230 = tpu.memref_squeeze %dma_start3A_229 : memref<1x1x64xi32, #tpu.memory_space<hbm>> -> memref<64xi32, #tpu.memory_space<hbm>>
        tpu.enqueue_dma source(%dma_start3A_230 : memref<64xi32, #tpu.memory_space<hbm>>) target(%arg14 : memref<64xi32, #tpu.memory_space<vmem>>) target_semaphore(%arg27 : memref<!tpu.dma_semaphore, #tpu.memory_space<semaphore_mem>>)
      } else {
      }
      %add3A_126 = arith.constant 4 : i32
      %add3A_127 = arith.addi %add3A_110, %add3A_126 : i32
      %lt3A_128 = arith.constant 160 : i32
      %lt3A_129 = arith.cmpi slt, %add3A_127, %lt3A_128 : i32
      %convert_element_type3A_130 = arith.extui %lt3A_129 : i1 to i32
      %cond3A_131 = arith.constant 0 : i32
      %cond3A_132 = arith.cmpi ne, %convert_element_type3A_130, %cond3A_131 : i32
      scf.if %cond3A_132 {
        %add3A_212 = arith.constant 4 : i32
        %add3A_213 = arith.addi %add3A_110, %add3A_212 : i32
        %dma_start3A_214 = arith.constant 0 : i32
        %dma_start3A_215 = tpu.memref_slice %arg3[%add3A, %add3A_213, %dma_start3A_214] : memref<32x160x64xi32, #tpu.memory_space<hbm>> -> memref<1x1x64xi32, #tpu.memory_space<hbm>>
        %dma_start3A_216 = tpu.memref_squeeze %dma_start3A_215 : memref<1x1x64xi32, #tpu.memory_space<hbm>> -> memref<64xi32, #tpu.memory_space<hbm>>
        %dma_start3A_217 = arith.constant 0 : i32
        %dma_start3A_218 = tpu.memref_slice %arg3[%add3A, %add3A_213, %dma_start3A_217] : memref<32x160x64xi32, #tpu.memory_space<hbm>> -> memref<1x1x64xi32, #tpu.memory_space<hbm>>
        %dma_start3A_219 = tpu.memref_squeeze %dma_start3A_218 : memref<1x1x64xi32, #tpu.memory_space<hbm>> -> memref<64xi32, #tpu.memory_space<hbm>>
        tpu.enqueue_dma source(%dma_start3A_219 : memref<64xi32, #tpu.memory_space<hbm>>) target(%arg8 : memref<64xi32, #tpu.memory_space<vmem>>) target_semaphore(%arg21 : memref<!tpu.dma_semaphore, #tpu.memory_space<semaphore_mem>>)
      } else {
      }
      %dma_wait3A_133 = arith.constant 0 : i32
      %dma_wait3A_134 = tpu.memref_slice %arg4[%add3A, %add3A_110, %dma_wait3A_133] : memref<32x160x64xi32, #tpu.memory_space<hbm>> -> memref<1x1x64xi32, #tpu.memory_space<hbm>>
      %dma_wait3A_135 = tpu.memref_squeeze %dma_wait3A_134 : memref<1x1x64xi32, #tpu.memory_space<hbm>> -> memref<64xi32, #tpu.memory_space<hbm>>
      %dma_wait3A_136 = arith.constant 0 : i32
      %dma_wait3A_137 = tpu.memref_slice %arg4[%add3A, %add3A_110, %dma_wait3A_136] : memref<32x160x64xi32, #tpu.memory_space<hbm>> -> memref<1x1x64xi32, #tpu.memory_space<hbm>>
      %dma_wait3A_138 = tpu.memref_squeeze %dma_wait3A_137 : memref<1x1x64xi32, #tpu.memory_space<hbm>> -> memref<64xi32, #tpu.memory_space<hbm>>
      tpu.wait_dma2 semaphore(%arg25 : memref<!tpu.dma_semaphore, #tpu.memory_space<semaphore_mem>>) src(%dma_wait3A_138 : memref<64xi32, #tpu.memory_space<hbm>>) dst(%arg12 : memref<64xi32, #tpu.memory_space<vmem>>)
      %dma_start3A_139 = arith.constant 0 : i32
      %dma_start3A_140 = arith.constant 0 : i32
      %dma_start3A_141 = tpu.memref_slice %arg19[%dma_start3A_139, %dma_start3A_140] : memref<10112x128xf32, #tpu.memory_space<vmem_shared>> -> memref<10112x128xf32, #tpu.memory_space<vmem_shared>>
      tpu.enqueue_indirect_dma source(%arg16 : memref<64x128xf32, #tpu.memory_space<vmem>>) target(%dma_start3A_141 : memref<10112x128xf32, #tpu.memory_space<vmem_shared>>) offsets(%arg12 : memref<64xi32, #tpu.memory_space<vmem>>) semaphore(%arg33 : memref<!tpu.dma_semaphore, #tpu.memory_space<semaphore_mem>>) {add = true}
      %mul3A_142 = arith.constant 4 : i32
      %mul3A_143 = arith.muli %scan3A_75, %mul3A_142 : i32
      %add3A_144 = arith.constant 2 : i32
      %add3A_145 = arith.addi %mul3A_143, %add3A_144 : i32
      %dma_wait3A_146 = arith.constant 0 : i32
      %dma_wait3A_147 = arith.constant 0 : i32
      %dma_wait3A_148 = tpu.memref_slice %arg2[%dma_wait3A_146, %dma_wait3A_147] : memref<10000x128xf32, #tpu.memory_space<hbm>> -> memref<10000x128xf32, #tpu.memory_space<hbm>>
      tpu.wait_indirect_dma semaphore(%arg30 : memref<!tpu.dma_semaphore, #tpu.memory_space<semaphore_mem>>) src(%dma_wait3A_148 : memref<10000x128xf32, #tpu.memory_space<hbm>>) dst(%arg17 : memref<64x128xf32, #tpu.memory_space<vmem>>)
      %ge3A_149 = arith.constant 2 : i32
      %ge3A_150 = arith.cmpi sge, %add3A_145, %ge3A_149 : i32
      %convert_element_type3A_151 = arith.extui %ge3A_150 : i1 to i32
      %cond3A_152 = arith.constant 0 : i32
      %cond3A_153 = arith.cmpi ne, %convert_element_type3A_151, %cond3A_152 : i32
      scf.if %cond3A_153 {
        %dma_wait3A_212 = arith.constant 0 : i32
        %dma_wait3A_213 = arith.constant 0 : i32
        %dma_wait3A_214 = tpu.memref_slice %arg19[%dma_wait3A_212, %dma_wait3A_213] : memref<10112x128xf32, #tpu.memory_space<vmem_shared>> -> memref<10112x128xf32, #tpu.memory_space<vmem_shared>>
        tpu.wait_indirect_dma semaphore(%arg32 : memref<!tpu.dma_semaphore, #tpu.memory_space<semaphore_mem>>) src(%arg15 : memref<64x128xf32, #tpu.memory_space<vmem>>) dst(%dma_wait3A_214 : memref<10112x128xf32, #tpu.memory_space<vmem_shared>>)
      } else {
      }
      %add3A_154 = arith.constant 2 : i32
      %add3A_155 = arith.addi %add3A_145, %add3A_154 : i32
      %lt3A_156 = arith.constant 160 : i32
      %lt3A_157 = arith.cmpi slt, %add3A_155, %lt3A_156 : i32
      %convert_element_type3A_158 = arith.extui %lt3A_157 : i1 to i32
      %cond3A_159 = arith.constant 0 : i32
      %cond3A_160 = arith.cmpi ne, %convert_element_type3A_158, %cond3A_159 : i32
      scf.if %cond3A_160 {
        %add3A_212 = arith.constant 2 : i32
        %add3A_213 = arith.addi %add3A_145, %add3A_212 : i32
        %dma_wait3A_214 = arith.constant 0 : i32
        %dma_wait3A_215 = tpu.memref_slice %arg3[%add3A, %add3A_213, %dma_wait3A_214] : memref<32x160x64xi32, #tpu.memory_space<hbm>> -> memref<1x1x64xi32, #tpu.memory_space<hbm>>
        %dma_wait3A_216 = tpu.memref_squeeze %dma_wait3A_215 : memref<1x1x64xi32, #tpu.memory_space<hbm>> -> memref<64xi32, #tpu.memory_space<hbm>>
        %dma_wait3A_217 = arith.constant 0 : i32
        %dma_wait3A_218 = tpu.memref_slice %arg3[%add3A, %add3A_213, %dma_wait3A_217] : memref<32x160x64xi32, #tpu.memory_space<hbm>> -> memref<1x1x64xi32, #tpu.memory_space<hbm>>
        %dma_wait3A_219 = tpu.memref_squeeze %dma_wait3A_218 : memref<1x1x64xi32, #tpu.memory_space<hbm>> -> memref<64xi32, #tpu.memory_space<hbm>>
        tpu.wait_dma2 semaphore(%arg20 : memref<!tpu.dma_semaphore, #tpu.memory_space<semaphore_mem>>) src(%dma_wait3A_219 : memref<64xi32, #tpu.memory_space<hbm>>) dst(%arg7 : memref<64xi32, #tpu.memory_space<vmem>>)
        %dma_start3A_220 = arith.constant 0 : i32
        %dma_start3A_221 = arith.constant 0 : i32
        %dma_start3A_222 = tpu.memref_slice %arg2[%dma_start3A_220, %dma_start3A_221] : memref<10000x128xf32, #tpu.memory_space<hbm>> -> memref<10000x128xf32, #tpu.memory_space<hbm>>
        tpu.enqueue_indirect_dma source(%dma_start3A_222 : memref<10000x128xf32, #tpu.memory_space<hbm>>) target(%arg15 : memref<64x128xf32, #tpu.memory_space<vmem>>) offsets(%arg7 : memref<64xi32, #tpu.memory_space<vmem>>) semaphore(%arg28 : memref<!tpu.dma_semaphore, #tpu.memory_space<semaphore_mem>>)
        %add3A_223 = arith.constant 2 : i32
        %add3A_224 = arith.addi %add3A_145, %add3A_223 : i32
        %dma_start3A_225 = arith.constant 0 : i32
        %dma_start3A_226 = tpu.memref_slice %arg4[%add3A, %add3A_224, %dma_start3A_225] : memref<32x160x64xi32, #tpu.memory_space<hbm>> -> memref<1x1x64xi32, #tpu.memory_space<hbm>>
        %dma_start3A_227 = tpu.memref_squeeze %dma_start3A_226 : memref<1x1x64xi32, #tpu.memory_space<hbm>> -> memref<64xi32, #tpu.memory_space<hbm>>
        %dma_start3A_228 = arith.constant 0 : i32
        %dma_start3A_229 = tpu.memref_slice %arg4[%add3A, %add3A_224, %dma_start3A_228] : memref<32x160x64xi32, #tpu.memory_space<hbm>> -> memref<1x1x64xi32, #tpu.memory_space<hbm>>
        %dma_start3A_230 = tpu.memref_squeeze %dma_start3A_229 : memref<1x1x64xi32, #tpu.memory_space<hbm>> -> memref<64xi32, #tpu.memory_space<hbm>>
        tpu.enqueue_dma source(%dma_start3A_230 : memref<64xi32, #tpu.memory_space<hbm>>) target(%arg11 : memref<64xi32, #tpu.memory_space<vmem>>) target_semaphore(%arg24 : memref<!tpu.dma_semaphore, #tpu.memory_space<semaphore_mem>>)
      } else {
      }
      %add3A_161 = arith.constant 4 : i32
      %add3A_162 = arith.addi %add3A_145, %add3A_161 : i32
      %lt3A_163 = arith.constant 160 : i32
      %lt3A_164 = arith.cmpi slt, %add3A_162, %lt3A_163 : i32
      %convert_element_type3A_165 = arith.extui %lt3A_164 : i1 to i32
      %cond3A_166 = arith.constant 0 : i32
      %cond3A_167 = arith.cmpi ne, %convert_element_type3A_165, %cond3A_166 : i32
      scf.if %cond3A_167 {
        %add3A_212 = arith.constant 4 : i32
        %add3A_213 = arith.addi %add3A_145, %add3A_212 : i32
        %dma_start3A_214 = arith.constant 0 : i32
        %dma_start3A_215 = tpu.memref_slice %arg3[%add3A, %add3A_213, %dma_start3A_214] : memref<32x160x64xi32, #tpu.memory_space<hbm>> -> memref<1x1x64xi32, #tpu.memory_space<hbm>>
        %dma_start3A_216 = tpu.memref_squeeze %dma_start3A_215 : memref<1x1x64xi32, #tpu.memory_space<hbm>> -> memref<64xi32, #tpu.memory_space<hbm>>
        %dma_start3A_217 = arith.constant 0 : i32
        %dma_start3A_218 = tpu.memref_slice %arg3[%add3A, %add3A_213, %dma_start3A_217] : memref<32x160x64xi32, #tpu.memory_space<hbm>> -> memref<1x1x64xi32, #tpu.memory_space<hbm>>
        %dma_start3A_219 = tpu.memref_squeeze %dma_start3A_218 : memref<1x1x64xi32, #tpu.memory_space<hbm>> -> memref<64xi32, #tpu.memory_space<hbm>>
        tpu.enqueue_dma source(%dma_start3A_219 : memref<64xi32, #tpu.memory_space<hbm>>) target(%arg9 : memref<64xi32, #tpu.memory_space<vmem>>) target_semaphore(%arg22 : memref<!tpu.dma_semaphore, #tpu.memory_space<semaphore_mem>>)
      } else {
      }
      %dma_wait3A_168 = arith.constant 0 : i32
      %dma_wait3A_169 = tpu.memref_slice %arg4[%add3A, %add3A_145, %dma_wait3A_168] : memref<32x160x64xi32, #tpu.memory_space<hbm>> -> memref<1x1x64xi32, #tpu.memory_space<hbm>>
      %dma_wait3A_170 = tpu.memref_squeeze %dma_wait3A_169 : memref<1x1x64xi32, #tpu.memory_space<hbm>> -> memref<64xi32, #tpu.memory_space<hbm>>
      %dma_wait3A_171 = arith.constant 0 : i32
      %dma_wait3A_172 = tpu.memref_slice %arg4[%add3A, %add3A_145, %dma_wait3A_171] : memref<32x160x64xi32, #tpu.memory_space<hbm>> -> memref<1x1x64xi32, #tpu.memory_space<hbm>>
      %dma_wait3A_173 = tpu.memref_squeeze %dma_wait3A_172 : memref<1x1x64xi32, #tpu.memory_space<hbm>> -> memref<64xi32, #tpu.memory_space<hbm>>
      tpu.wait_dma2 semaphore(%arg26 : memref<!tpu.dma_semaphore, #tpu.memory_space<semaphore_mem>>) src(%dma_wait3A_173 : memref<64xi32, #tpu.memory_space<hbm>>) dst(%arg13 : memref<64xi32, #tpu.memory_space<vmem>>)
      %dma_start3A_174 = arith.constant 0 : i32
      %dma_start3A_175 = arith.constant 0 : i32
      %dma_start3A_176 = tpu.memref_slice %arg19[%dma_start3A_174, %dma_start3A_175] : memref<10112x128xf32, #tpu.memory_space<vmem_shared>> -> memref<10112x128xf32, #tpu.memory_space<vmem_shared>>
      tpu.enqueue_indirect_dma source(%arg17 : memref<64x128xf32, #tpu.memory_space<vmem>>) target(%dma_start3A_176 : memref<10112x128xf32, #tpu.memory_space<vmem_shared>>) offsets(%arg13 : memref<64xi32, #tpu.memory_space<vmem>>) semaphore(%arg34 : memref<!tpu.dma_semaphore, #tpu.memory_space<semaphore_mem>>) {add = true}
      %mul3A_177 = arith.constant 4 : i32
      %mul3A_178 = arith.muli %scan3A_75, %mul3A_177 : i32
      %add3A_179 = arith.constant 3 : i32
      %add3A_180 = arith.addi %mul3A_178, %add3A_179 : i32
      %dma_wait3A_181 = arith.constant 0 : i32
      %dma_wait3A_182 = arith.constant 0 : i32
      %dma_wait3A_183 = tpu.memref_slice %arg2[%dma_wait3A_181, %dma_wait3A_182] : memref<10000x128xf32, #tpu.memory_space<hbm>> -> memref<10000x128xf32, #tpu.memory_space<hbm>>
      tpu.wait_indirect_dma semaphore(%arg31 : memref<!tpu.dma_semaphore, #tpu.memory_space<semaphore_mem>>) src(%dma_wait3A_183 : memref<10000x128xf32, #tpu.memory_space<hbm>>) dst(%arg18 : memref<64x128xf32, #tpu.memory_space<vmem>>)
      %ge3A_184 = arith.constant 2 : i32
      %ge3A_185 = arith.cmpi sge, %add3A_180, %ge3A_184 : i32
      %convert_element_type3A_186 = arith.extui %ge3A_185 : i1 to i32
      %cond3A_187 = arith.constant 0 : i32
      %cond3A_188 = arith.cmpi ne, %convert_element_type3A_186, %cond3A_187 : i32
      scf.if %cond3A_188 {
        %dma_wait3A_212 = arith.constant 0 : i32
        %dma_wait3A_213 = arith.constant 0 : i32
        %dma_wait3A_214 = tpu.memref_slice %arg19[%dma_wait3A_212, %dma_wait3A_213] : memref<10112x128xf32, #tpu.memory_space<vmem_shared>> -> memref<10112x128xf32, #tpu.memory_space<vmem_shared>>
        tpu.wait_indirect_dma semaphore(%arg33 : memref<!tpu.dma_semaphore, #tpu.memory_space<semaphore_mem>>) src(%arg16 : memref<64x128xf32, #tpu.memory_space<vmem>>) dst(%dma_wait3A_214 : memref<10112x128xf32, #tpu.memory_space<vmem_shared>>)
      } else {
      }
      %add3A_189 = arith.constant 2 : i32
      %add3A_190 = arith.addi %add3A_180, %add3A_189 : i32
      %lt3A_191 = arith.constant 160 : i32
      %lt3A_192 = arith.cmpi slt, %add3A_190, %lt3A_191 : i32
      %convert_element_type3A_193 = arith.extui %lt3A_192 : i1 to i32
      %cond3A_194 = arith.constant 0 : i32
      %cond3A_195 = arith.cmpi ne, %convert_element_type3A_193, %cond3A_194 : i32
      scf.if %cond3A_195 {
        %add3A_212 = arith.constant 2 : i32
        %add3A_213 = arith.addi %add3A_180, %add3A_212 : i32
        %dma_wait3A_214 = arith.constant 0 : i32
        %dma_wait3A_215 = tpu.memref_slice %arg3[%add3A, %add3A_213, %dma_wait3A_214] : memref<32x160x64xi32, #tpu.memory_space<hbm>> -> memref<1x1x64xi32, #tpu.memory_space<hbm>>
        %dma_wait3A_216 = tpu.memref_squeeze %dma_wait3A_215 : memref<1x1x64xi32, #tpu.memory_space<hbm>> -> memref<64xi32, #tpu.memory_space<hbm>>
        %dma_wait3A_217 = arith.constant 0 : i32
        %dma_wait3A_218 = tpu.memref_slice %arg3[%add3A, %add3A_213, %dma_wait3A_217] : memref<32x160x64xi32, #tpu.memory_space<hbm>> -> memref<1x1x64xi32, #tpu.memory_space<hbm>>
        %dma_wait3A_219 = tpu.memref_squeeze %dma_wait3A_218 : memref<1x1x64xi32, #tpu.memory_space<hbm>> -> memref<64xi32, #tpu.memory_space<hbm>>
        tpu.wait_dma2 semaphore(%arg21 : memref<!tpu.dma_semaphore, #tpu.memory_space<semaphore_mem>>) src(%dma_wait3A_219 : memref<64xi32, #tpu.memory_space<hbm>>) dst(%arg8 : memref<64xi32, #tpu.memory_space<vmem>>)
        %dma_start3A_220 = arith.constant 0 : i32
        %dma_start3A_221 = arith.constant 0 : i32
        %dma_start3A_222 = tpu.memref_slice %arg2[%dma_start3A_220, %dma_start3A_221] : memref<10000x128xf32, #tpu.memory_space<hbm>> -> memref<10000x128xf32, #tpu.memory_space<hbm>>
        tpu.enqueue_indirect_dma source(%dma_start3A_222 : memref<10000x128xf32, #tpu.memory_space<hbm>>) target(%arg16 : memref<64x128xf32, #tpu.memory_space<vmem>>) offsets(%arg8 : memref<64xi32, #tpu.memory_space<vmem>>) semaphore(%arg29 : memref<!tpu.dma_semaphore, #tpu.memory_space<semaphore_mem>>)
        %add3A_223 = arith.constant 2 : i32
        %add3A_224 = arith.addi %add3A_180, %add3A_223 : i32
        %dma_start3A_225 = arith.constant 0 : i32
        %dma_start3A_226 = tpu.memref_slice %arg4[%add3A, %add3A_224, %dma_start3A_225] : memref<32x160x64xi32, #tpu.memory_space<hbm>> -> memref<1x1x64xi32, #tpu.memory_space<hbm>>
        %dma_start3A_227 = tpu.memref_squeeze %dma_start3A_226 : memref<1x1x64xi32, #tpu.memory_space<hbm>> -> memref<64xi32, #tpu.memory_space<hbm>>
        %dma_start3A_228 = arith.constant 0 : i32
        %dma_start3A_229 = tpu.memref_slice %arg4[%add3A, %add3A_224, %dma_start3A_228] : memref<32x160x64xi32, #tpu.memory_space<hbm>> -> memref<1x1x64xi32, #tpu.memory_space<hbm>>
        %dma_start3A_230 = tpu.memref_squeeze %dma_start3A_229 : memref<1x1x64xi32, #tpu.memory_space<hbm>> -> memref<64xi32, #tpu.memory_space<hbm>>
        tpu.enqueue_dma source(%dma_start3A_230 : memref<64xi32, #tpu.memory_space<hbm>>) target(%arg12 : memref<64xi32, #tpu.memory_space<vmem>>) target_semaphore(%arg25 : memref<!tpu.dma_semaphore, #tpu.memory_space<semaphore_mem>>)
      } else {
      }
      %add3A_196 = arith.constant 4 : i32
      %add3A_197 = arith.addi %add3A_180, %add3A_196 : i32
      %lt3A_198 = arith.constant 160 : i32
      %lt3A_199 = arith.cmpi slt, %add3A_197, %lt3A_198 : i32
      %convert_element_type3A_200 = arith.extui %lt3A_199 : i1 to i32
      %cond3A_201 = arith.constant 0 : i32
      %cond3A_202 = arith.cmpi ne, %convert_element_type3A_200, %cond3A_201 : i32
      scf.if %cond3A_202 {
        %add3A_212 = arith.constant 4 : i32
        %add3A_213 = arith.addi %add3A_180, %add3A_212 : i32
        %dma_start3A_214 = arith.constant 0 : i32
        %dma_start3A_215 = tpu.memref_slice %arg3[%add3A, %add3A_213, %dma_start3A_214] : memref<32x160x64xi32, #tpu.memory_space<hbm>> -> memref<1x1x64xi32, #tpu.memory_space<hbm>>
        %dma_start3A_216 = tpu.memref_squeeze %dma_start3A_215 : memref<1x1x64xi32, #tpu.memory_space<hbm>> -> memref<64xi32, #tpu.memory_space<hbm>>
        %dma_start3A_217 = arith.constant 0 : i32
        %dma_start3A_218 = tpu.memref_slice %arg3[%add3A, %add3A_213, %dma_start3A_217] : memref<32x160x64xi32, #tpu.memory_space<hbm>> -> memref<1x1x64xi32, #tpu.memory_space<hbm>>
        %dma_start3A_219 = tpu.memref_squeeze %dma_start3A_218 : memref<1x1x64xi32, #tpu.memory_space<hbm>> -> memref<64xi32, #tpu.memory_space<hbm>>
        tpu.enqueue_dma source(%dma_start3A_219 : memref<64xi32, #tpu.memory_space<hbm>>) target(%arg10 : memref<64xi32, #tpu.memory_space<vmem>>) target_semaphore(%arg23 : memref<!tpu.dma_semaphore, #tpu.memory_space<semaphore_mem>>)
      } else {
      }
      %dma_wait3A_203 = arith.constant 0 : i32
      %dma_wait3A_204 = tpu.memref_slice %arg4[%add3A, %add3A_180, %dma_wait3A_203] : memref<32x160x64xi32, #tpu.memory_space<hbm>> -> memref<1x1x64xi32, #tpu.memory_space<hbm>>
      %dma_wait3A_205 = tpu.memref_squeeze %dma_wait3A_204 : memref<1x1x64xi32, #tpu.memory_space<hbm>> -> memref<64xi32, #tpu.memory_space<hbm>>
      %dma_wait3A_206 = arith.constant 0 : i32
      %dma_wait3A_207 = tpu.memref_slice %arg4[%add3A, %add3A_180, %dma_wait3A_206] : memref<32x160x64xi32, #tpu.memory_space<hbm>> -> memref<1x1x64xi32, #tpu.memory_space<hbm>>
      %dma_wait3A_208 = tpu.memref_squeeze %dma_wait3A_207 : memref<1x1x64xi32, #tpu.memory_space<hbm>> -> memref<64xi32, #tpu.memory_space<hbm>>
      tpu.wait_dma2 semaphore(%arg27 : memref<!tpu.dma_semaphore, #tpu.memory_space<semaphore_mem>>) src(%dma_wait3A_208 : memref<64xi32, #tpu.memory_space<hbm>>) dst(%arg14 : memref<64xi32, #tpu.memory_space<vmem>>)
      %dma_start3A_209 = arith.constant 0 : i32
      %dma_start3A_210 = arith.constant 0 : i32
      %dma_start3A_211 = tpu.memref_slice %arg19[%dma_start3A_209, %dma_start3A_210] : memref<10112x128xf32, #tpu.memory_space<vmem_shared>> -> memref<10112x128xf32, #tpu.memory_space<vmem_shared>>
      tpu.enqueue_indirect_dma source(%arg18 : memref<64x128xf32, #tpu.memory_space<vmem>>) target(%dma_start3A_211 : memref<10112x128xf32, #tpu.memory_space<vmem_shared>>) offsets(%arg14 : memref<64xi32, #tpu.memory_space<vmem>>) semaphore(%arg35 : memref<!tpu.dma_semaphore, #tpu.memory_space<semaphore_mem>>) {add = true}
    }
    %scan3A_67 = arith.constant 40 : i32
    %dma_wait3A_68 = arith.constant 0 : i32
    %dma_wait3A_69 = arith.constant 0 : i32
    %dma_wait3A_70 = tpu.memref_slice %arg19[%dma_wait3A_68, %dma_wait3A_69] : memref<10112x128xf32, #tpu.memory_space<vmem_shared>> -> memref<10112x128xf32, #tpu.memory_space<vmem_shared>>
    tpu.wait_indirect_dma semaphore(%arg34 : memref<!tpu.dma_semaphore, #tpu.memory_space<semaphore_mem>>) src(%arg17 : memref<64x128xf32, #tpu.memory_space<vmem>>) dst(%dma_wait3A_70 : memref<10112x128xf32, #tpu.memory_space<vmem_shared>>)
    %dma_wait3A_71 = arith.constant 0 : i32
    %dma_wait3A_72 = arith.constant 0 : i32
    %dma_wait3A_73 = tpu.memref_slice %arg19[%dma_wait3A_71, %dma_wait3A_72] : memref<10112x128xf32, #tpu.memory_space<vmem_shared>> -> memref<10112x128xf32, #tpu.memory_space<vmem_shared>>
    tpu.wait_indirect_dma semaphore(%arg35 : memref<!tpu.dma_semaphore, #tpu.memory_space<semaphore_mem>>) src(%arg18 : memref<64x128xf32, #tpu.memory_space<vmem>>) dst(%dma_wait3A_73 : memref<10112x128xf32, #tpu.memory_space<vmem_shared>>)
    %barrier3A_74 = arith.constant 0 : index
    tpu.barrier barrier_id(%barrier3A_74)
    "tpu.region"() ({
      %run_scoped3A = tpu.sem_alloc : memref<!tpu.dma_semaphore, #tpu.memory_space<semaphore_mem>>
      %dma_start3A_75 = arith.constant 0 : i32
      %dma_start3A_76 = tpu.memref_slice %arg6[%arg0, %multiple_of3A, %dma_start3A_75] : memref<2x10112x128xf32, #tpu.memory_space<hbm>> -> memref<1x632x128xf32, #tpu.memory_space<hbm>>
      %dma_start3A_77 = tpu.memref_squeeze %dma_start3A_76 : memref<1x632x128xf32, #tpu.memory_space<hbm>> -> memref<632x128xf32, #tpu.memory_space<hbm>>
      %dma_start3A_78 = arith.constant 0 : i32
      %dma_start3A_79 = tpu.memref_slice %arg19[%multiple_of3A, %dma_start3A_78] : memref<10112x128xf32, #tpu.memory_space<vmem_shared>> -> memref<632x128xf32, #tpu.memory_space<vmem_shared>>
      tpu.enqueue_dma source(%dma_start3A_79 : memref<632x128xf32, #tpu.memory_space<vmem_shared>>) target(%dma_start3A_77 : memref<632x128xf32, #tpu.memory_space<hbm>>) target_semaphore(%run_scoped3A : memref<!tpu.dma_semaphore, #tpu.memory_space<semaphore_mem>>)
      %dma_wait3A_80 = arith.constant 0 : i32
      %dma_wait3A_81 = tpu.memref_slice %arg6[%arg0, %multiple_of3A, %dma_wait3A_80] : memref<2x10112x128xf32, #tpu.memory_space<hbm>> -> memref<1x632x128xf32, #tpu.memory_space<hbm>>
      %dma_wait3A_82 = tpu.memref_squeeze %dma_wait3A_81 : memref<1x632x128xf32, #tpu.memory_space<hbm>> -> memref<632x128xf32, #tpu.memory_space<hbm>>
      %dma_wait3A_83 = arith.constant 0 : i32
      %dma_wait3A_84 = tpu.memref_slice %arg19[%multiple_of3A, %dma_wait3A_83] : memref<10112x128xf32, #tpu.memory_space<vmem_shared>> -> memref<632x128xf32, #tpu.memory_space<vmem_shared>>
      tpu.wait_dma2 semaphore(%run_scoped3A : memref<!tpu.dma_semaphore, #tpu.memory_space<semaphore_mem>>) src(%dma_wait3A_84 : memref<632x128xf32, #tpu.memory_space<vmem_shared>>) dst(%dma_wait3A_82 : memref<632x128xf32, #tpu.memory_space<hbm>>)
      tpu.yield
    }) : () -> ()
    return
  }
}

module attributes {stable_mosaic.version = 14 : i64} {
  func.func @_tc_mm_body(%arg0: i32, %arg1: memref<2048x128xf32, #tpu.memory_space<vmem>>, %arg2: memref<128x128xf32, #tpu.memory_space<vmem>>, %arg3: memref<2048x128xf32, #tpu.memory_space<vmem>>) attributes {dimension_semantics = [#tpu.dimension_semantics<arbitrary>], iteration_bounds = array<i64: 5>, scalar_prefetch = 0 : i64, scratch_operands = 0 : i64, tpu.core_type = #tpu.core_type<tc>, window_params = [{transform_indices = @transform_0, window_bounds = array<i64: 2048, 128>}, {pipeline_mode = #tpu.pipeline_mode<synchronous>, transform_indices = @transform_1, window_bounds = array<i64: 128, 128>}, {transform_indices = @transform_2, window_bounds = array<i64: 2048, 128>}]} {
    %get3A = arith.constant 0 : index
    %get3A_0 = arith.constant 0 : index
    %get3A_1 = vector.load %arg1[%get3A, %get3A_0] : memref<2048x128xf32, #tpu.memory_space<vmem>>, vector<2048x128xf32>
    %get3A_2 = arith.constant 0 : index
    %get3A_3 = arith.constant 0 : index
    %get3A_4 = vector.load %arg2[%get3A_2, %get3A_3] : memref<128x128xf32, #tpu.memory_space<vmem>>, vector<128x128xf32>
    %dot_general3A = arith.constant dense<0.000000e+00> : vector<2048x128xf32>
    %dot_general3A_5 = tpu.matmul %get3A_1, %get3A_4, %dot_general3A {dimension_numbers = #tpu.dot_dimension_numbers<[1], [0], [0], [1], [0, 0, 1, 1], [], []>, transpose_lhs_hint = false} : vector<2048x128xf32>, vector<128x128xf32>, vector<2048x128xf32> -> vector<2048x128xf32>
    %swap3A = arith.constant 0 : index
    %swap3A_6 = arith.constant 0 : index
    %swap3A_7 = vector.load %arg3[%swap3A, %swap3A_6] : memref<2048x128xf32, #tpu.memory_space<vmem>>, vector<2048x128xf32>
    tpu.vector_store %arg3[%swap3A, %swap3A_6], %dot_general3A_5 {strides = array<i32>} : memref<2048x128xf32, #tpu.memory_space<vmem>>, vector<2048x128xf32>,
    return
  }
  func.func @transform_0(%arg0: i32) -> (i32, i32) {
    %c0_i32 = arith.constant 0 : i32
    %c0_i32_0 = arith.constant 0 : i32
    return %arg0, %c0_i32 : i32, i32
  }
  func.func @transform_1(%arg0: i32) -> (i32, i32) {
    %c0_i32 = arith.constant 0 : i32
    %c0_i32_0 = arith.constant 0 : i32
    %c0_i32_1 = arith.constant 0 : i32
    return %c0_i32, %c0_i32_0 : i32, i32
  }
  func.func @transform_2(%arg0: i32) -> (i32, i32) {
    %c0_i32 = arith.constant 0 : i32
    %c0_i32_0 = arith.constant 0 : i32
    return %arg0, %c0_i32 : i32, i32
  }
}

module attributes {stable_mosaic.version = 14 : i64} {
  func.func @_tc_scale_body(%arg0: i32, %arg1: memref<2048x128xf32, #tpu.memory_space<vmem>>, %arg2: memref<2048x1xf32, #tpu.memory_space<vmem>>, %arg3: memref<2048x1xf32, #tpu.memory_space<vmem>>, %arg4: memref<2048x128xf32, #tpu.memory_space<vmem>>, %arg5: memref<2048x1xf32, #tpu.memory_space<vmem>>) attributes {dimension_semantics = [#tpu.dimension_semantics<arbitrary>], iteration_bounds = array<i64: 5>, scalar_prefetch = 0 : i64, scratch_operands = 0 : i64, tpu.core_type = #tpu.core_type<tc>, window_params = [{transform_indices = @transform_0, window_bounds = array<i64: 2048, 128>}, {transform_indices = @transform_1, window_bounds = array<i64: 2048, 1>}, {transform_indices = @transform_2, window_bounds = array<i64: 2048, 1>}, {transform_indices = @transform_3, window_bounds = array<i64: 2048, 128>}, {transform_indices = @transform_4, window_bounds = array<i64: 2048, 1>}]} {
    %get3A = arith.constant 0 : index
    %get3A_0 = arith.constant 0 : index
    %get3A_1 = vector.load %arg2[%get3A, %get3A_0] : memref<2048x1xf32, #tpu.memory_space<vmem>>, vector<2048x1xf32>
    %get3A_2 = arith.constant 0 : index
    %get3A_3 = arith.constant 0 : index
    %get3A_4 = vector.load %arg3[%get3A_2, %get3A_3] : memref<2048x1xf32, #tpu.memory_space<vmem>>, vector<2048x1xf32>
    %add3A = arith.addf %get3A_1, %get3A_4 : vector<2048x1xf32>
    %add3A_5 = arith.constant 1.000000e+00 : f32
    %add3A_6 = vector.broadcast %add3A_5 : f32 to vector<2048x1xf32>
    %add3A_7 = arith.addf %add3A, %add3A_6 : vector<2048x1xf32>
    %rsqrt3A = math.rsqrt %add3A_7 : vector<2048x1xf32>
    %swap3A = arith.constant 0 : index
    %swap3A_8 = arith.constant 0 : index
    %swap3A_9 = vector.load %arg5[%swap3A, %swap3A_8] : memref<2048x1xf32, #tpu.memory_space<vmem>>, vector<2048x1xf32>
    tpu.vector_store %arg5[%swap3A, %swap3A_8], %rsqrt3A {strides = array<i32>} : memref<2048x1xf32, #tpu.memory_space<vmem>>, vector<2048x1xf32>,
    %get3A_10 = arith.constant 0 : index
    %get3A_11 = arith.constant 0 : index
    %get3A_12 = vector.load %arg1[%get3A_10, %get3A_11] : memref<2048x128xf32, #tpu.memory_space<vmem>>, vector<2048x128xf32>
    %mul3A = vector.broadcast %rsqrt3A : vector<2048x1xf32> to vector<2048x128xf32>
    %mul3A_13 = arith.mulf %get3A_12, %mul3A : vector<2048x128xf32>
    %swap3A_14 = arith.constant 0 : index
    %swap3A_15 = arith.constant 0 : index
    %swap3A_16 = vector.load %arg4[%swap3A_14, %swap3A_15] : memref<2048x128xf32, #tpu.memory_space<vmem>>, vector<2048x128xf32>
    tpu.vector_store %arg4[%swap3A_14, %swap3A_15], %mul3A_13 {strides = array<i32>} : memref<2048x128xf32, #tpu.memory_space<vmem>>, vector<2048x128xf32>,
    return
  }
  func.func @transform_0(%arg0: i32) -> (i32, i32) {
    %c0_i32 = arith.constant 0 : i32
    %c0_i32_0 = arith.constant 0 : i32
    return %arg0, %c0_i32 : i32, i32
  }
  func.func @transform_1(%arg0: i32) -> (i32, i32) {
    %c0_i32 = arith.constant 0 : i32
    %c0_i32_0 = arith.constant 0 : i32
    return %arg0, %c0_i32 : i32, i32
  }
  func.func @transform_2(%arg0: i32) -> (i32, i32) {
    %add3A = arith.constant 5 : i32
    %add3A_0 = arith.addi %arg0, %add3A : i32
    %c0_i32 = arith.constant 0 : i32
    %c0_i32_1 = arith.constant 0 : i32
    return %add3A_0, %c0_i32 : i32, i32
  }
  func.func @transform_3(%arg0: i32) -> (i32, i32) {
    %c0_i32 = arith.constant 0 : i32
    %c0_i32_0 = arith.constant 0 : i32
    return %arg0, %c0_i32 : i32, i32
  }
  func.func @transform_4(%arg0: i32) -> (i32, i32) {
    %c0_i32 = arith.constant 0 : i32
    %c0_i32_0 = arith.constant 0 : i32
    return %arg0, %c0_i32 : i32, i32
  }
}

module attributes {stable_mosaic.version = 14 : i64} {
  func.func @_tc_mid_body(%arg0: i32, %arg1: memref<1x2048x128xf32, #tpu.memory_space<vmem>>, %arg2: memref<1x2048x128xf32, #tpu.memory_space<vmem>>, %arg3: memref<2048x128xf32, #tpu.memory_space<vmem>>, %arg4: memref<2048x1xf32, #tpu.memory_space<vmem>>, %arg5: memref<1x128xf32, #tpu.memory_space<vmem>>, %arg6: memref<128x128xf32, #tpu.memory_space<vmem>>, %arg7: memref<2048x128xf32, #tpu.memory_space<vmem>>) attributes {dimension_semantics = [#tpu.dimension_semantics<arbitrary>], iteration_bounds = array<i64: 5>, scalar_prefetch = 0 : i64, scratch_operands = 0 : i64, tpu.core_type = #tpu.core_type<tc>, window_params = [{transform_indices = @transform_0, window_bounds = array<i64: 1, 2048, 128>}, {transform_indices = @transform_1, window_bounds = array<i64: 1, 2048, 128>}, {transform_indices = @transform_2, window_bounds = array<i64: 2048, 128>}, {transform_indices = @transform_3, window_bounds = array<i64: 2048, 1>}, {pipeline_mode = #tpu.pipeline_mode<synchronous>, transform_indices = @transform_4, window_bounds = array<i64: 1, 128>}, {pipeline_mode = #tpu.pipeline_mode<synchronous>, transform_indices = @transform_5, window_bounds = array<i64: 128, 128>}, {transform_indices = @transform_6, window_bounds = array<i64: 2048, 128>}]} {
    %get3A = arith.constant 0 : index
    %get3A_0 = arith.constant 0 : index
    %get3A_1 = vector.load %arg4[%get3A, %get3A_0] : memref<2048x1xf32, #tpu.memory_space<vmem>>, vector<2048x1xf32>
    %get3A_2 = arith.constant 0 : index
    %get3A_3 = arith.constant 0 : index
    %get3A_4 = arith.constant 0 : index
    %get3A_5 = vector.load %arg1[%get3A_2, %get3A_3, %get3A_4] : memref<1x2048x128xf32, #tpu.memory_space<vmem>>, vector<1x2048x128xf32>
    %get3A_6 = vector.shape_cast %get3A_5 : vector<1x2048x128xf32> to vector<2048x128xf32>
    %get3A_7 = arith.constant 0 : index
    %get3A_8 = arith.constant 0 : index
    %get3A_9 = arith.constant 0 : index
    %get3A_10 = vector.load %arg2[%get3A_7, %get3A_8, %get3A_9] : memref<1x2048x128xf32, #tpu.memory_space<vmem>>, vector<1x2048x128xf32>
    %get3A_11 = vector.shape_cast %get3A_10 : vector<1x2048x128xf32> to vector<2048x128xf32>
    %add3A = arith.addf %get3A_6, %get3A_11 : vector<2048x128xf32>
    %get3A_12 = arith.constant 0 : index
    %get3A_13 = arith.constant 0 : index
    %get3A_14 = vector.load %arg3[%get3A_12, %get3A_13] : memref<2048x128xf32, #tpu.memory_space<vmem>>, vector<2048x128xf32>
    %add3A_15 = arith.addf %add3A, %get3A_14 : vector<2048x128xf32>
    %mul3A = vector.broadcast %get3A_1 : vector<2048x1xf32> to vector<2048x128xf32>
    %mul3A_16 = arith.mulf %mul3A, %add3A_15 : vector<2048x128xf32>
    %get3A_17 = arith.constant 0 : index
    %get3A_18 = arith.constant 0 : index
    %get3A_19 = vector.load %arg5[%get3A_17, %get3A_18] : memref<1x128xf32, #tpu.memory_space<vmem>>, vector<1x128xf32>
    %add3A_20 = vector.broadcast %get3A_19 : vector<1x128xf32> to vector<2048x128xf32>
    %add3A_21 = arith.addf %mul3A_16, %add3A_20 : vector<2048x128xf32>
    %max3A = arith.constant 0.000000e+00 : f32
    %max3A_22 = vector.broadcast %max3A : f32 to vector<2048x128xf32>
    %max3A_23 = arith.maximumf %add3A_21, %max3A_22 : vector<2048x128xf32>
    %get3A_24 = arith.constant 0 : index
    %get3A_25 = arith.constant 0 : index
    %get3A_26 = vector.load %arg6[%get3A_24, %get3A_25] : memref<128x128xf32, #tpu.memory_space<vmem>>, vector<128x128xf32>
    %dot_general3A = arith.constant dense<0.000000e+00> : vector<2048x128xf32>
    %dot_general3A_27 = tpu.matmul %max3A_23, %get3A_26, %dot_general3A {dimension_numbers = #tpu.dot_dimension_numbers<[1], [0], [0], [1], [0, 0, 1, 1], [], []>, transpose_lhs_hint = false} : vector<2048x128xf32>, vector<128x128xf32>, vector<2048x128xf32> -> vector<2048x128xf32>
    %mul3A_28 = vector.broadcast %get3A_1 : vector<2048x1xf32> to vector<2048x128xf32>
    %mul3A_29 = arith.mulf %dot_general3A_27, %mul3A_28 : vector<2048x128xf32>
    %swap3A = arith.constant 0 : index
    %swap3A_30 = arith.constant 0 : index
    %swap3A_31 = vector.load %arg7[%swap3A, %swap3A_30] : memref<2048x128xf32, #tpu.memory_space<vmem>>, vector<2048x128xf32>
    tpu.vector_store %arg7[%swap3A, %swap3A_30], %mul3A_29 {strides = array<i32>} : memref<2048x128xf32, #tpu.memory_space<vmem>>, vector<2048x128xf32>,
    return
  }
  func.func @transform_0(%arg0: i32) -> (i32, i32, i32) {
    %c0_i32 = arith.constant 0 : i32
    %c0_i32_0 = arith.constant 0 : i32
    %c0_i32_1 = arith.constant 0 : i32
    return %c0_i32, %arg0, %c0_i32_0 : i32, i32, i32
  }
  func.func @transform_1(%arg0: i32) -> (i32, i32, i32) {
    %c1_i32 = arith.constant 1 : i32
    %c0_i32 = arith.constant 0 : i32
    %c0_i32_0 = arith.constant 0 : i32
    return %c1_i32, %arg0, %c0_i32 : i32, i32, i32
  }
  func.func @transform_2(%arg0: i32) -> (i32, i32) {
    %c0_i32 = arith.constant 0 : i32
    %c0_i32_0 = arith.constant 0 : i32
    return %arg0, %c0_i32 : i32, i32
  }
  func.func @transform_3(%arg0: i32) -> (i32, i32) {
    %c0_i32 = arith.constant 0 : i32
    %c0_i32_0 = arith.constant 0 : i32
    return %arg0, %c0_i32 : i32, i32
  }
  func.func @transform_4(%arg0: i32) -> (i32, i32) {
    %c0_i32 = arith.constant 0 : i32
    %c0_i32_0 = arith.constant 0 : i32
    %c0_i32_1 = arith.constant 0 : i32
    return %c0_i32, %c0_i32_0 : i32, i32
  }
  func.func @transform_5(%arg0: i32) -> (i32, i32) {
    %c0_i32 = arith.constant 0 : i32
    %c0_i32_0 = arith.constant 0 : i32
    %c0_i32_1 = arith.constant 0 : i32
    return %c0_i32, %c0_i32_0 : i32, i32
  }
  func.func @transform_6(%arg0: i32) -> (i32, i32) {
    %c0_i32 = arith.constant 0 : i32
    %c0_i32_0 = arith.constant 0 : i32
    return %arg0, %c0_i32 : i32, i32
  }
}

module attributes {stable_mosaic.version = 14 : i64} {
  func.func @_tc_out_body(%arg0: i32, %arg1: memref<1x2048x128xf32, #tpu.memory_space<vmem>>, %arg2: memref<1x2048x128xf32, #tpu.memory_space<vmem>>, %arg3: memref<2048x128xf32, #tpu.memory_space<vmem>>, %arg4: memref<2048x1xf32, #tpu.memory_space<vmem>>, %arg5: memref<1x128xf32, #tpu.memory_space<vmem>>, %arg6: memref<2048x128xf32, #tpu.memory_space<vmem>>) attributes {dimension_semantics = [#tpu.dimension_semantics<arbitrary>], iteration_bounds = array<i64: 5>, scalar_prefetch = 0 : i64, scratch_operands = 0 : i64, tpu.core_type = #tpu.core_type<tc>, window_params = [{transform_indices = @transform_0, window_bounds = array<i64: 1, 2048, 128>}, {transform_indices = @transform_1, window_bounds = array<i64: 1, 2048, 128>}, {transform_indices = @transform_2, window_bounds = array<i64: 2048, 128>}, {transform_indices = @transform_3, window_bounds = array<i64: 2048, 1>}, {pipeline_mode = #tpu.pipeline_mode<synchronous>, transform_indices = @transform_4, window_bounds = array<i64: 1, 128>}, {transform_indices = @transform_5, window_bounds = array<i64: 2048, 128>}]} {
    %get3A = arith.constant 0 : index
    %get3A_0 = arith.constant 0 : index
    %get3A_1 = vector.load %arg4[%get3A, %get3A_0] : memref<2048x1xf32, #tpu.memory_space<vmem>>, vector<2048x1xf32>
    %get3A_2 = arith.constant 0 : index
    %get3A_3 = arith.constant 0 : index
    %get3A_4 = arith.constant 0 : index
    %get3A_5 = vector.load %arg1[%get3A_2, %get3A_3, %get3A_4] : memref<1x2048x128xf32, #tpu.memory_space<vmem>>, vector<1x2048x128xf32>
    %get3A_6 = vector.shape_cast %get3A_5 : vector<1x2048x128xf32> to vector<2048x128xf32>
    %get3A_7 = arith.constant 0 : index
    %get3A_8 = arith.constant 0 : index
    %get3A_9 = arith.constant 0 : index
    %get3A_10 = vector.load %arg2[%get3A_7, %get3A_8, %get3A_9] : memref<1x2048x128xf32, #tpu.memory_space<vmem>>, vector<1x2048x128xf32>
    %get3A_11 = vector.shape_cast %get3A_10 : vector<1x2048x128xf32> to vector<2048x128xf32>
    %add3A = arith.addf %get3A_6, %get3A_11 : vector<2048x128xf32>
    %get3A_12 = arith.constant 0 : index
    %get3A_13 = arith.constant 0 : index
    %get3A_14 = vector.load %arg3[%get3A_12, %get3A_13] : memref<2048x128xf32, #tpu.memory_space<vmem>>, vector<2048x128xf32>
    %add3A_15 = arith.addf %add3A, %get3A_14 : vector<2048x128xf32>
    %mul3A = vector.broadcast %get3A_1 : vector<2048x1xf32> to vector<2048x128xf32>
    %mul3A_16 = arith.mulf %mul3A, %add3A_15 : vector<2048x128xf32>
    %get3A_17 = arith.constant 0 : index
    %get3A_18 = arith.constant 0 : index
    %get3A_19 = vector.load %arg5[%get3A_17, %get3A_18] : memref<1x128xf32, #tpu.memory_space<vmem>>, vector<1x128xf32>
    %add3A_20 = vector.broadcast %get3A_19 : vector<1x128xf32> to vector<2048x128xf32>
    %add3A_21 = arith.addf %mul3A_16, %add3A_20 : vector<2048x128xf32>
    %max3A = arith.constant 0.000000e+00 : f32
    %max3A_22 = vector.broadcast %max3A : f32 to vector<2048x128xf32>
    %max3A_23 = arith.maximumf %add3A_21, %max3A_22 : vector<2048x128xf32>
    %swap3A = arith.constant 0 : index
    %swap3A_24 = arith.constant 0 : index
    %swap3A_25 = vector.load %arg6[%swap3A, %swap3A_24] : memref<2048x128xf32, #tpu.memory_space<vmem>>, vector<2048x128xf32>
    tpu.vector_store %arg6[%swap3A, %swap3A_24], %max3A_23 {strides = array<i32>} : memref<2048x128xf32, #tpu.memory_space<vmem>>, vector<2048x128xf32>,
    return
  }
  func.func @transform_0(%arg0: i32) -> (i32, i32, i32) {
    %c0_i32 = arith.constant 0 : i32
    %c0_i32_0 = arith.constant 0 : i32
    %c0_i32_1 = arith.constant 0 : i32
    return %c0_i32, %arg0, %c0_i32_0 : i32, i32, i32
  }
  func.func @transform_1(%arg0: i32) -> (i32, i32, i32) {
    %c1_i32 = arith.constant 1 : i32
    %c0_i32 = arith.constant 0 : i32
    %c0_i32_0 = arith.constant 0 : i32
    return %c1_i32, %arg0, %c0_i32 : i32, i32, i32
  }
  func.func @transform_2(%arg0: i32) -> (i32, i32) {
    %c0_i32 = arith.constant 0 : i32
    %c0_i32_0 = arith.constant 0 : i32
    return %arg0, %c0_i32 : i32, i32
  }
  func.func @transform_3(%arg0: i32) -> (i32, i32) {
    %c0_i32 = arith.constant 0 : i32
    %c0_i32_0 = arith.constant 0 : i32
    return %arg0, %c0_i32 : i32, i32
  }
  func.func @transform_4(%arg0: i32) -> (i32, i32) {
    %c0_i32 = arith.constant 0 : i32
    %c0_i32_0 = arith.constant 0 : i32
    %c0_i32_1 = arith.constant 0 : i32
    return %c0_i32, %c0_i32_0 : i32, i32
  }
  func.func @transform_5(%arg0: i32) -> (i32, i32) {
    %c0_i32 = arith.constant 0 : i32
    %c0_i32_0 = arith.constant 0 : i32
    return %arg0, %c0_i32 : i32, i32
  }
}

</mosaic_0001>

<sc_bundles>
// kernel: kernel.12.cloned.1.call-start
scs
__scs_entry_jumppad:
0x0: {  	(pc) =	sbr.rel $0x88, $3  }
0x1: {  	(tag) =	ssettag $0x0;
	lr =	simm.s32 $0x1  }
0x2: {  	[smem:$0x3F9B] =	sst lr;
	_ =	strace $0xD0000000  }
0x3: {  	_ = 	snop  }
0x4: {  	_ = 	snop  }
0x5: {  	_ = 	snop  }
0x6: {  	_ = 	snop  }
0x7: {  	_ = 	snop  }
__scs_overlays_trampoline_lowered:
0x8: {  	[smem:$0x3FAA] =	sst s0  }
0x9: {  	[smem:$0x3FAB] =	sst s1  }
0xa: {  	[smem:$0x3FAC] =	sst s2  }
0xb: {  	[smem:$0x3FAD] =	sst s3  }
0xc: {  	[smem:$0x3FAE] =	sst s4  }
0xd: {  	[smem:$0x3FAF] =	sst s5  }
0xe: {  	[smem:$0x3FB0] =	sst s6  }
0xf: {  	[smem:$0x3FB1] =	sst s7  }
0x10: {  	[smem:$0x3FB2] =	sst s8  }
0x11: {  	[smem:$0x3FB3] =	sst s9;
	s0 =	simm.s32 @!p0 $0x0  }
0x12: {  	s1 =	sld [smem:$0x3F99];
	s0 =	simm.s32 @p0 $0x1  }
0x13: {  	[smem:$0x3FB4] =	sst s0;
	s0 =	simm.s32 @!p1 $0x0  }
0x14: {  	s2 =	sld [smem:$0x3F98];
	s0 =	simm.s32 @p1 $0x1  }
0x15: {  	[smem:$0x3FB5] =	sst s0;
	s0 =	simm.s32 @!p2 $0x0  }
0x16: {  	s3 =	sld [smem:$0x3FDB];
	s0 =	simm.s32 @p2 $0x1  }
0x17: {  	s4 =	simm.s32 $0x1BF5;
	[smem:$0x3FB7] =	sst s0  }
0x18: {  	s0 =	sld [smem:$0x3F9A];
	_ =	swait.ge [sflag:s4], $0x0  }
0x19: {  	s7 =	sld [smem:$0x3F9B]  }
0x1a: {  	s8 =	sadd.s32 $0xFFFFE003, lr  }
0x1b: {  	s9 =	sadd.s32 $0xFFFFFEF7, lr;
	s5 =	simm.s32 $0xFFFFFFFF;
	p2 =	slt.u32 s8, $0xFFFFF086  }
0x1c: {  	p1 =	slt.u32 s9, $0xF7A;
	s5 =	simm.s32 @!p2 $0x0  }
0x1d: {  	s5 =	simm.s32 @p1 $0x1;
	p0 =	seq.s32 s7, s2  }
0x1e: {  	s7 =	smul.u32 @!p0 $0xF7A, s2;
	p2 =	seq.s32 @!p0 s5, $0x0  }
0x1f: {  	s9 =	smul.u32 $0xF7A, s1;
	s8 =	simm.s32 @!p0 $0x1BF5;
	p2 =	por !p2, p0  }
0x20: {  	[sflag:s8] =	ssyncset.s32 @!p0 $0xFFFFF086;
	s6 =	sadd.s32 @!p0 s3, s7;
	s7 =	simm.s32 @!p0 $0x108  }
0x21: {  	s3 =	sadd.s32 s3, s9;
	s6 =	sadd.s32 @!p0 $0x88, s6;
	s7 =	simm.s32 @p2 $0x1082  }
0x22: {  	[simem:s7], [sflag:s8] =	dma.local @!p0 [hbm:s6], $0xF7A  }
0x23: {  	s9 =	sor.u32 $0xD0000000, s2;
	s6 =	simm.s32 $0x108;
	_ =	swait.ge @!p0 [sflag:s8], $0x0  }
0x24: {  	s3 =	sadd.s32 $0x88, s3;
	s6 =	simm.s32 @!p1 $0x1082;
	[sflag:s4] =	ssyncset.s32 $0xFFFFF086  }
0x25: {  	[simem:s6], [sflag:s4] =	dma.local [hbm:s3], $0xF7A  }
0x26: {  	[smem:$0x3F9B] =	sst s1;
	(tag) =	ssettag s2;
	_ =	strace s9  }
0x27: {  	s1 =	sld [smem:$0x3FAB]  }
0x28: {  	s2 =	sld [smem:$0x3FAC]  }
0x29: {  	s4 =	sld [smem:$0x3FAE]  }
0x2a: {  	p0 =	seq.s32 s5, $0x0;
	s5 =	sld [smem:$0x3FAF]  }
0x2b: {  	s6 =	sld [smem:$0x3FB0]  }
0x2c: {  	s7 =	sld [smem:$0x3FB1]  }
0x2d: {  	s3 =	simm.s32 $0x108;
	s8 =	sld [smem:$0x3FB2]  }
0x2e: {  	s3 =	simm.s32 @!p0 $0x1082;
	s9 =	sld [smem:$0x3FB3]  }
0x2f: {  	lr =	sadd.s32 s0, s3;
	s0 =	sld [smem:$0x3FAA]  }
0x30: {  	s3 =	sld [smem:$0x3FAD]  }
0x31: {  	[smem:$0x3FB6] =	sst s10  }
0x32: {  	s10 =	sld [smem:$0x3FB4];
	_ =	sdelay $0x3  }
0x33: {  	p0 =	seq.s32 s10, $0x1;
	s10 =	sld [smem:$0x3FB6];
	_ =	sdelay $0x3  }
0x34: {  	[smem:$0x3FB6] =	sst s10  }
0x35: {  	s10 =	sld [smem:$0x3FB5];
	_ =	sdelay $0x3  }
0x36: {  	p1 =	seq.s32 s10, $0x1;
	s10 =	sld [smem:$0x3FB6];
	_ =	sdelay $0x3  }
0x37: {  	[smem:$0x3FB6] =	sst s10  }
0x38: {  	s10 =	sld [smem:$0x3FB7]  }
0x39: {  	_ = 	snop;
	(pc) =	sbr.ind lr, $3  }
0x3a: {  	_ = 	snop  }
0x3b: {  	_ = 	snop  }
0x3c: {  	p2 =	seq.s32 s10, $0x1;
	s10 =	sld [smem:$0x3FB6]  }
0x3d: {  	_ =	shalt  }
0x3e: {  	_ =	shalt  }
0x3f: {  	_ =	shalt  }
0x40: {  	_ =	shalt  }
0x41: {  	_ =	shalt  }
0x42: {  	_ =	shalt  }
0x43: {  	_ =	shalt  }
0x44: {  	_ =	shalt  }
0x45: {  	_ =	shalt  }
0x46: {  	_ =	shalt  }
0x47: {  	_ =	shalt  }
0x48: {  	_ =	shalt  }
0x49: {  	_ =	shalt  }
0x4a: {  	_ =	shalt  }
0x4b: {  	_ =	shalt  }
0x4c: {  	_ =	shalt  }
0x4d: {  	_ =	shalt  }
0x4e: {  	_ =	shalt  }
0x4f: {  	_ =	shalt  }
0x50: {  	_ =	shalt  }
0x51: {  	_ =	shalt  }
0x52: {  	_ =	shalt  }
0x53: {  	_ =	shalt  }
0x54: {  	_ =	shalt  }
0x55: {  	_ =	shalt  }
0x56: {  	_ =	shalt  }
0x57: {  	_ =	shalt  }
0x58: {  	_ =	shalt  }
0x59: {  	_ =	shalt  }
0x5a: {  	_ =	shalt  }
0x5b: {  	_ =	shalt  }
0x5c: {  	_ =	shalt  }
0x5d: {  	_ =	shalt  }
0x5e: {  	_ =	shalt  }
0x5f: {  	_ =	shalt  }
0x60: {  	_ =	shalt  }
0x61: {  	_ =	shalt  }
0x62: {  	_ =	shalt  }
0x63: {  	_ =	shalt  }
0x64: {  	_ =	shalt  }
0x65: {  	_ =	shalt  }
0x66: {  	_ =	shalt  }
0x67: {  	_ =	shalt  }
0x68: {  	_ =	shalt  }
0x69: {  	_ =	shalt  }
0x6a: {  	_ =	shalt  }
0x6b: {  	_ =	shalt  }
0x6c: {  	_ =	shalt  }
0x6d: {  	_ =	shalt  }
0x6e: {  	_ =	shalt  }
0x6f: {  	_ =	shalt  }
0x70: {  	_ =	shalt  }
0x71: {  	_ =	shalt  }
0x72: {  	_ =	shalt  }
0x73: {  	_ =	shalt  }
0x74: {  	_ =	shalt  }
0x75: {  	_ =	shalt  }
0x76: {  	_ =	shalt  }
0x77: {  	_ =	shalt  }
0x78: {  	_ =	shalt  }
0x79: {  	_ =	shalt  }
0x7a: {  	_ =	shalt  }
0x7b: {  	_ =	shalt  }
0x7c: {  	_ =	shalt  }
0x7d: {  	_ =	shalt  }
0x7e: {  	_ =	shalt  }
0x7f: {  	_ =	shalt  }
0x80: {  	_ =	shalt  }
0x81: {  	_ =	shalt  }
0x82: {  	_ =	shalt  }
0x83: {  	_ =	shalt  }
0x84: {  	_ =	shalt  }
0x85: {  	_ =	shalt  }
0x86: {  	_ =	shalt  }
0x87: {  	_ =	shalt  }
.Lfunc_end0:
.L_simem_size_0:
called_computation.1_lowered:
.L_overlay_start_0:
0x88: {  	s2 =	sld [smem:$0x3FD9]  }
0x89: {  	s3 =	sld [smem:$0x3FFE];
	_ =	sdelay $0x1  }
0x8a: {  	s1 =	srdreg.scid  }
0x8b: {  	s0 =	sand.u32 $0x1, s1  }
0x8c: {  	s17 =	sshll.u32 s0, $0xA;
	s2 =	sadd.s32 s3, s2  }
0x8d: {  	s2 =	sadd.s32 s2, s17  }
0x8e: {  	[smem:$0x3FC2] =	sst s2  }
0x8f: {  	_ = 	snop  }
0x90: {  	s2 =	sld [smem:$0x3FD0];
	(tm) =	ssettm $0x1  }
0x91: {  	s18 =	sld [smem:$0x3FFB];
	_ =	sdelay $0x3  }
0x92: {  	_ =	strace s18  }
0x93: {  	s3 =	sld [smem:$0x3FFC];
	_ =	sdelay $0x3  }
0x94: {  	_ =	strace s3  }
0x95: {  	s3 =	sld [smem:$0x3FFD];
	_ =	sdelay $0x3  }
0x96: {  	_ =	strace s3  }
0x97: {  	_ =	strace $0x8FFFFFFF  }
0x98: {  	s19 =	sld [smem:$0x3FDB];
	_ =	sdelay $0x1  }
0x99: {  	s4 =	simm.s32 $_scs_section_size  }
0x9a: {  	s5 =	simm.s32 $_size__tile_overlayer_lowered;
	s6 =	simm.s32 $_tile_overlayer_lowered  }
0x9b: {  	s22 =	simm.s32 $0x1BFF;
	s21 =	sshll.u32 s6, $0x1;
	s3 =	sadd.s32 s4, s19  }
0x9c: {  	s7 =	simm.s32 $0x0;
	s20 =	sshll.u32 s5, $0x1;
	s5 =	sadd.s32 s21, s3  }
0x9d: {  	[timem:s7], [sflag:s22] =	dma.local [hbm:s5], s20  }
0x9e: {  	_ =	swait.ge [sflag:s22], s20  }
0x9f: {  	s4 =	ssub.s32 $0x0, s20;
	[sflag:s22] =	ssyncset.done $0x0  }
0xa0: {  	[sflag:s22] =	ssyncadd.s32 s4;
	_ =	sdelay $0x1  }
0xa1: {  	s23 =	simm.s32 $0x1B8B  }
0xa2: {  	_ =	swait.ge [sflag:s23], $0x1  }
0xa3: {  	[sflag:s23] =	ssyncset.done $0x0  }
0xa4: {  	s25 =	simm.s32 $0x1B8E;
	s24 =	sld [smem:$0x3FFE];
	[sflag:s23] =	ssyncadd.s32 $0xFFFFFFFF  }
0xa5: {  	s26 =	simm.s32 $execute0_lowered;
	[smem:$0x3FD2] =	sst s25  }
0xa6: {  	s5 =	sshll.u32 s26, $0x1;
	_ =	strace $0x80000049;
	[dreg:$0x1] =	wrdreg $0xFFFFFFFF  }
0xa7: {  	s28 =	simm.s32 $_size_execute0_lowered;
	s3 =	sadd.s32 s3, s5;
	[dreg:$0x0] =	wrdreg $0x0  }
0xa8: {  	s5 =	sshll.u32 s28, $0x1;
	[dreg:$0x2] =	wrdreg s3  }
0xa9: {  	[dreg:$0x3] =	wrdreg s5  }
0xaa: {  	[dreg:$0x4] =	wrdreg $0xC0  }
0xab: {  	_ =	task [dreg:s7], $0x5FFFF  }
0xac: {  	[dreg:$0x1] =	wrdreg $0xFFFFFFFF  }
0xad: {  	[dreg:$0x0] =	wrdreg $0x60  }
0xae: {  	[dreg:$0x2] =	wrdreg s2  }
0xaf: {  	[dreg:$0x3] =	wrdreg s24  }
0xb0: {  	[dreg:$0x4] =	wrdreg $0x84000  }
0xb1: {  	[dreg:$0x5] =	wrdreg $0x9  }
0xb2: {  	_ =	task.clear_ibuf [dreg:s7], $0x6FFFF;
	_ =	strace $0x90000049  }
0xb3: {  	s29 =	simm.s32 $0x9;
	_ =	strace $0x8000004B  }
0xb4: {  	_ =	swait.ge [sflag:s29], $0x1  }
0xb5: {  	[sflag:s29] =	ssyncadd.s32 $0xFFFFFFFF  }
0xb6: {  	_ =	strace $0x9000004B  }
0xb7: {  	_ =	sfence  }
0xb8: {  	s30 =	sld [smem:$0x0];
	_ =	sdelay $0x2  }
0xb9: {  	s31 =	sshll.u32 s1, $0xD;
	s1 =	sshrl.u32 s1, $0x2  }
0xba: {  	s3 =	sand.u32 $0x4000, s31;
	s1 =	sadd.s32 s1, s30  }
0xbb: {  	s0 =	sor.u32 s3, s0;
	s1 =	sshll.u32 s1, $0x11  }
0xbc: {  	s0 =	sor.u32 s1, s0  }
0xbd: {  	s0 =	sadd.s32 $0x8F2B, s0  }
0xbe: {  	[sflag:s0] =	ssyncadd.remote.s32 $0x1  }
0xbf: {  	_ =	sfence.sel $0xFFFF  }
0xc0: {  	[dreg:$0x0] =	wrdreg $0xFFFFFFFF;
	(pc) =	sbr.abs _section_cstart, $3  }
0xc1: {  	[dreg:$0x1] =	wrdreg $0xFFFFFFFF  }
0xc2: {  	_ =	task.clear_ibuf [dreg:s7], $0x2FFFF;
	_ =	strace $0x9FFFFFFF  }
0xc3: {  	(tm) =	ssettm $0x7FFFFFFF  }
tec
execute0_lowered:
.L_overlay_start_1:
0x0: {  	(tag) =	ssettag $0x1  }
0x1: {  	s1 =	rddreg [dreg:$0x0]  }
0x2: {  	s0 =	rddreg [dreg:$0x1]  }
0x3: {  	s3 =	rddreg [dreg:$0x2]  }
0x4: {  	s28 =	simm.s32 $0x0;
	s4 =	stileid.u32;
	s2 =	srdreg.scid  }
0x5: {  	s31 =	simm.s32 $0x9;
	s30 =	simm.s32 $0x5;
	s13 =	simm.s32 $0x380  }
0x6: {  	s14 =	simm.s32 $0xC;
	[smem:$0x7FF] =	sst s28;
	s7 =	smul.u32 $0x13C00, s4  }
0x7: {  	s2 =	sand.u32 $0x1, s2;
	s5 =	sadd.s32 $0x16A00, s0;
	s6 =	sadd.s32 $0x2400, s0  }
0x8: {  	s15 =	sshll.u32 s4, $0x1;
	s11 =	smul.u32 $0x4F000, s4;
	s20 =	sshll.u32 s4, $0x6  }
0x9: {  	_ =	strace $0x8000004A;
	s8 =	smul.u32 $0x13C000, s2;
	s10 =	ssub.s32 $0x2, s2  }
0xa: {  	s2 =	sor.u32 s2, s15;
	s15 =	simm.s32 $0xE;
	s9 =	sshrl.u32 s7, $0x3  }
0xb: {  	s12 =	sshrl.u32 s10, $0x1;
	s18 =	sshrl.u32 s11, $0x2;
	s11 =	simm.s32 $0x4  }
0xc: {  	s9 =	sadd.s32 s9, s0;
	s7 =	sadd.s32 s7, s8;
	s17 =	ssub.s32 s10, s12  }
0xd: {  	s8 =	sadd.s32 s18, s3;
	s10 =	sor.u32 $0x1C11, s20;
	s12 =	simm.s32 $0x6400  }
0xe: {  	s20 =	simm.s32 $0x7;
	s18 =	simm.s32 $0x0;
	s16 =	sshrl.u32 s7, $0x3  }
0xf: {  	s7 =	smul.u32 $0x5000, s2;
	s9 =	sadd.s32 $0x2AA00, s9;
	[dreg:$0x6] =	wrdreg s10  }
0x10: {  	s29 =	smax.u32 s17, $0x1;
	s17 =	simm.s32 $0x11;
	[dreg:$0x4] =	wrdreg s9  }
0x11: {  	s0 =	sadd.s32 s16, s0;
	[dreg:$0xd] =	wrdreg s29;
	s9 =	sshrl.u32 s8, $0x3  }
0x12: {  	s19 =	sshrl.u32 s7, $0x3;
	s0 =	sadd.s32 $0x52200, s0;
	[dreg:$0xe] =	wrdreg s9  }
0x13: {  	s2 =	simm.s32 $0x4400;
	s21 =	sadd.s32 s5, s19;
	[dreg:$0xc] =	wrdreg s0  }
0x14: {  	s22 =	sor.u32 $0x10, s19;
	s25 =	sadd.s32 s6, s19;
	[dreg:$0x5] =	wrdreg s21  }
0x15: {  	s8 =	simm.s32 $0xA;
	s23 =	sadd.s32 s5, s22;
	[dreg:$0xa] =	wrdreg s25  }
0x16: {  	s16 =	simm.s32 $0x8;
	s24 =	sadd.s32 $0x20, s21;
	[dreg:$0x7] =	wrdreg s23  }
0x17: {  	s19 =	simm.s32 $0x180;
	s4 =	sadd.s32 $0x30, s21;
	[dreg:$0x8] =	wrdreg s24  }
0x18: {  	s0 =	simm.s32 $0x3;
	s26 =	sadd.s32 s6, s22;
	[dreg:$0x9] =	wrdreg s4  }
0x19: {  	s21 =	simm.s32 $0x200;
	s22 =	simm.s32 $0x400;
	[dreg:$0xb] =	wrdreg s26  }
0x1a: {  	s23 =	simm.s32 $0x100;
	s26 =	simm.s32 $0x40;
	s24 =	simm.s32 $0x300  }
.LBB2_1:
0x1b: {  	[dreg:$0xf] =	wrdreg s18  }
0x1c: {  	s4 =	rddreg [dreg:$0x4]  }
0x1d: {  	[spmem:s9], [sflag:s10] =	dma.local [hbm:s4], $0x2780  }
0x1e: {  	_ =	swait.ge [sflag:s17], $0x2780  }
0x1f: {  	[sflag:s17] =	ssyncset.done $0x0  }
0x20: {  	[sflag:s17] =	ssyncadd.s32 $0xFFFFD880  }
0x21: {  	[bflag:$0x0] =	sbarrier.arrive $0xFFFF  }
0x22: {  	s17 =	rddreg [dreg:$0x5]  }
0x23: {  	[tilespmem:s28], [sflag:$0x1] =	stream.linear.gather [hbm4b:s17+s28], $0x80, $0x38;
	[tilespmem:$0x1C000] =	vst v63  }
0x24: {  	s9 =	simm.s32 $0x80;
	s18 =	rddreg [dreg:$0x7]  }
0x25: {  	[tilespmem:s9], [sflag:$0x2] =	stream.linear.gather [hbm4b:s18+s28], $0x80, $0x38;
	[tilespmem:$0x1C000] =	vst v63  }
0x26: {  	s25 =	rddreg [dreg:$0x8]  }
0x27: {  	[tilespmem:s23], [sflag:$0x3] =	stream.linear.gather [hbm4b:s25+s28], $0x80, $0x38;
	[tilespmem:$0x1C000] =	vst v63  }
0x28: {  	s10 =	rddreg [dreg:$0x9]  }
0x29: {  	[tilespmem:s19], [sflag:$0x4] =	stream.linear.gather [hbm4b:s10+s28], $0x80, $0x38;
	[tilespmem:$0x1C000] =	vst v63  }
0x2a: {  	s17 =	rddreg [dreg:$0xa]  }
0x2b: {  	[tilespmem:s21], [sflag:$0x5] =	stream.linear.gather [hbm4b:s17+s28], $0x80, $0x38;
	[tilespmem:$0x1C000] =	vst v63  }
0x2c: {  	s18 =	rddreg [dreg:$0xb];
	s25 =	simm.s32 $0x280;
	s10 =	simm.s32 $0x1  }
0x2d: {  	[tilespmem:s25], [sflag:$0x6] =	stream.linear.gather [hbm4b:s18+s28], $0x80, $0x38;
	[tilespmem:$0x1C000] =	vst v63  }
0x2e: {  	_ =	swait.ge [sflag:s10], $0x80  }
0x2f: {  	[sflag:s10] =	ssyncset.done $0x0  }
0x30: {  	s17 =	simm.s32 $0x2;
	[sflag:s10] =	ssyncadd.s32 $0xFFFFFF80  }
0x31: {  	[tilespmem:s22], [sflag:$0x9] =	stream.indirect.gather [hbm4b:s1+s26], $0x80, s28, s26, $0xb8;
	[tilespmem:$0x1C000] =	vst v63  }
0x32: {  	_ =	swait.ge [sflag:s17], $0x80  }
0x33: {  	[sflag:s17] =	ssyncset.done $0x0  }
0x34: {  	s18 =	simm.s32 $0x2400;
	[sflag:s17] =	ssyncadd.s32 $0xFFFFFF80  }
0x35: {  	[tilespmem:s18], [sflag:$0xA] =	stream.indirect.gather [hbm4b:s1+s26], $0x80, s9, s26, $0xb8;
	[tilespmem:$0x1C000] =	vst v63  }
0x36: {  	_ =	swait.ge [sflag:s31], $0x2000  }
0x37: {  	p1 =	por $0x1, $0x1;
	[sflag:s31] =	ssyncset.done $0x0  }
0x38: {  	s25 =	simm.s32 $0x0;
	s9 =	simm.s32 @!p1 $0xF;
	[sflag:s31] =	ssyncadd.s32 $0xFFFFE000  }
0x39: {  	p0 =	por $0x0, $0x0;
	s4 =	sand.u32 $0x7C00, s25;
	_ =	swait.ge @!p1 [sflag:s9], $0x2000  }
0x3a: {  	s10 =	sand.u32 $0x200, s25;
	s17 =	sadd.s32 s7, s4;
	[sflag:s9] =	ssyncset.done @!p1 $0x0  }
0x3b: {  	s18 =	sor.u32 s10, s17;
	s10 =	simm.s32 @!p0 $0x200;
	[sflag:s9] =	ssyncadd.s32 @!p1 $0xFFFFE000  }
0x3c: {  	s17 =	sand.u32 @!p0 $0xFC00, s10;
	s10 =	sand.u32 @!p0 $0x200, s10;
	_ =	swait.ge [sflag:s0], $0x80  }
0x3d: {  	s17 =	sadd.s32 @!p0 s7, s17;
	s9 =	sshrl.u32 s18, $0x3;
	[sflag:s0] =	ssyncset.done $0x0  }
0x3e: {  	s10 =	sor.u32 @!p0 s10, s17;
	s25 =	sadd.s32 s9, s6;
	[sflag:s0] =	ssyncadd.s32 $0xFFFFFF80  }
0x3f: {  	[tilespmem:s2], [sflag:$0xB] =	stream.indirect.gather [hbm4b:s1+s26], $0x80, s23, s26, $0xb8;
	[tilespmem:$0x1C000] =	vst v63  }
0x40: {  	s10 =	sshrl.u32 @!p0 s10, $0x3;
	s9 =	sadd.s32 $0x20, s25  }
0x41: {  	[tilespmem:s24], [sflag:$0x7] =	stream.linear.gather [hbm4b:s9+s28], $0x80, $0x38;
	[tilespmem:$0x1C000] =	vst v63  }
0x42: {  	s18 =	sadd.s32 @!p0 s5, s10;
	s9 =	simm.s32 @!p0 $0x0  }
0x43: {  	[tilespmem:s9], [sflag:$0x1] =	stream.linear.gather @!p0 [hbm4b:s18+s9], $0x80, $0x38;
	[tilespmem:$0x1C000] =	vst v63  }
0x44: {  	_ =	swait.ge [sflag:s30], $0x80  }
0x45: {  	[sflag:s30] =	ssyncset.done $0x0  }
0x46: {  	[sflag:s30] =	ssyncadd.s32 $0xFFFFFF80  }
0x47: {  	[spmem:s3] =	stream.indirect.scatter.add.f32 [tilespmem:s22], [sflag:$0xD], $0x80, s21, s26, $0xb8;
	[tilespmem:$0x1C000] =	vst v63  }
0x48: {  	_ =	swait.ge [sflag:s8], $0x2000  }
0x49: {  	[sflag:s8] =	ssyncset.done $0x0  }
0x4a: {  	s18 =	simm.s32 @!p1 $0x10;
	[sflag:s8] =	ssyncadd.s32 $0xFFFFE000  }
0x4b: {  	_ =	swait.ge @!p1 [sflag:s18], $0x2000  }
0x4c: {  	[sflag:s18] =	ssyncset.done @!p1 $0x0  }
0x4d: {  	[sflag:s18] =	ssyncadd.s32 @!p1 $0xFFFFE000  }
0x4e: {  	_ =	swait.ge [sflag:s11], $0x80  }
0x4f: {  	[sflag:s11] =	ssyncset.done $0x0  }
0x50: {  	[sflag:s11] =	ssyncadd.s32 $0xFFFFFF80  }
0x51: {  	[tilespmem:s12], [sflag:$0xC] =	stream.indirect.gather [hbm4b:s1+s26], $0x80, s19, s26, $0xb8;
	[tilespmem:$0x1C000] =	vst v63  }
0x52: {  	s17 =	sadd.s32 $0x30, s25;
	s18 =	simm.s32 @p0 $0x6  }
0x53: {  	[tilespmem:s13], [sflag:$0x8] =	stream.linear.gather [hbm4b:s17+s28], $0x80, $0x38;
	[tilespmem:$0x1C000] =	vst v63  }
0x54: {  	s21 =	simm.s32 @p0 $0x280;
	_ =	swait.ge @p0 [sflag:s18], $0x80  }
0x55: {  	s22 =	simm.s32 @p0 $0xB;
	s19 =	simm.s32 @p0 $0x40;
	[sflag:s18] =	ssyncset.done @p0 $0x0  }
0x56: {  	s17 =	simm.s32 @!p0 $0x280;
	[sflag:s18] =	ssyncadd.s32 @p0 $0xFFFFFF80;
	s18 =	simm.s32 @p0 $0x2400  }
0x57: {  	[spmem:s3] =	stream.indirect.scatter.add.f32 @p0 [tilespmem:s18], [sflag:$0xE], $0x80, s21, s19, $0xb8;
	[tilespmem:$0x1C000] =	vst v63  }
0x58: {  	s18 =	sand.u32 @!p0 $0xFC00, s17;
	_ =	swait.ge @p0 [sflag:s22], $0x2000  }
0x59: {  	s17 =	sand.u32 @!p0 $0x280, s17;
	s18 =	sadd.s32 @!p0 s7, s18;
	[sflag:s22] =	ssyncset.done @p0 $0x0  }
0x5a: {  	s17 =	sor.u32 @!p0 s17, s18;
	s18 =	simm.s32 @p0 $0xD;
	[sflag:s22] =	ssyncadd.s32 @p0 $0xFFFFE000  }
0x5b: {  	_ =	swait.ge @p0 [sflag:s18], $0x2000  }
0x5c: {  	s21 =	simm.s32 @!p0 $0x80;
	s17 =	sshrl.u32 @!p0 s17, $0x3;
	[sflag:s18] =	ssyncset.done @p0 $0x0  }
0x5d: {  	s22 =	simm.s32 @!p0 $0x6;
	s19 =	sadd.s32 @!p0 s5, s17;
	[sflag:s18] =	ssyncadd.s32 @p0 $0xFFFFE000  }
0x5e: {  	[tilespmem:s21], [sflag:$0x2] =	stream.linear.gather @!p0 [hbm4b:s19+s9], $0x80, $0x38;
	[tilespmem:$0x1C000] =	vst v63  }
0x5f: {  	_ =	swait.ge @!p0 [sflag:s22], $0x80  }
0x60: {  	s25 =	simm.s32 @!p0 $0xB;
	s18 =	simm.s32 @!p0 $0x40;
	[sflag:s22] =	ssyncset.done @!p0 $0x0  }
0x61: {  	s19 =	simm.s32 @!p0 $0x280;
	[sflag:s22] =	ssyncadd.s32 @!p0 $0xFFFFFF80;
	s22 =	simm.s32 @!p0 $0x2400  }
0x62: {  	[spmem:s3] =	stream.indirect.scatter.add.f32 @!p0 [tilespmem:s22], [sflag:$0xE], $0x80, s19, s18, $0xb8;
	[tilespmem:$0x1C000] =	vst v63  }
0x63: {  	_ =	swait.ge @!p0 [sflag:s25], $0x2000  }
0x64: {  	[sflag:s25] =	ssyncset.done @!p0 $0x0  }
0x65: {  	[sflag:s25] =	ssyncadd.s32 @!p0 $0xFFFFE000;
	s25 =	simm.s32 @!p0 $0xD  }
0x66: {  	_ =	swait.ge @!p0 [sflag:s25], $0x2000  }
0x67: {  	[sflag:s25] =	ssyncset.done @!p0 $0x0  }
0x68: {  	[sflag:s25] =	ssyncadd.s32 @!p0 $0xFFFFE000;
	s25 =	simm.s32 @!p0 $0x1  }
0x69: {  	_ =	swait.ge @!p0 [sflag:s25], $0x80  }
0x6a: {  	[sflag:s25] =	ssyncset.done @!p0 $0x0  }
0x6b: {  	[sflag:s25] =	ssyncadd.s32 @!p0 $0xFFFFFF80;
	s25 =	simm.s32 @!p0 $0x400  }
0x6c: {  	[tilespmem:s25], [sflag:$0x9] =	stream.indirect.gather @!p0 [hbm4b:s1+s18], $0x80, s9, s18, $0xb8;
	[tilespmem:$0x1C000] =	vst v63  }
0x6d: {  	s10 =	sadd.s32 @!p0 s6, s10;
	s25 =	simm.s32 @!p0 $0x200  }
0x6e: {  	[tilespmem:s25], [sflag:$0x5] =	stream.linear.gather @!p0 [hbm4b:s10+s9], $0x80, $0x38;
	[tilespmem:$0x1C000] =	vst v63  }
0x6f: {  	s10 =	simm.s32 @!p0 $0x300  }
0x70: {  	s25 =	sand.u32 @!p0 $0xFC00, s10  }
0x71: {  	s10 =	sand.u32 @!p0 $0x300, s10;
	s25 =	sadd.s32 @!p0 s7, s25  }
0x72: {  	s10 =	sor.u32 @!p0 s10, s25  }
0x73: {  	s10 =	sshrl.u32 @!p0 s10, $0x3  }
0x74: {  	s25 =	simm.s32 @!p0 $0x100;
	s10 =	sadd.s32 @!p0 s5, s10  }
0x75: {  	[tilespmem:s25], [sflag:$0x3] =	stream.linear.gather @!p0 [hbm4b:s10+s9], $0x80, $0x38;
	[tilespmem:$0x1C000] =	vst v63  }
0x76: {  	_ =	swait.ge [sflag:s20], $0x80  }
0x77: {  	[sflag:s20] =	ssyncset.done $0x0  }
0x78: {  	[sflag:s20] =	ssyncadd.s32 $0xFFFFFF80  }
0x79: {  	[spmem:s3] =	stream.indirect.scatter.add.f32 [tilespmem:s2], [sflag:$0xF], $0x80, s24, s26, $0xb8;
	[tilespmem:$0x1C000] =	vst v63  }
0x7a: {  	_ =	swait.ge [sflag:s14], $0x2000  }
0x7b: {  	[sflag:s14] =	ssyncset.done $0x0  }
0x7c: {  	[sflag:s14] =	ssyncadd.s32 $0xFFFFE000  }
0x7d: {  	_ =	swait.ge [sflag:s15], $0x2000  }
0x7e: {  	[sflag:s15] =	ssyncset.done $0x0  }
0x7f: {  	s10 =	simm.s32 @!p0 $0x2;
	[sflag:s15] =	ssyncadd.s32 $0xFFFFE000  }
0x80: {  	_ =	swait.ge @!p0 [sflag:s10], $0x80  }
0x81: {  	[sflag:s10] =	ssyncset.done @!p0 $0x0  }
0x82: {  	[sflag:s10] =	ssyncadd.s32 @!p0 $0xFFFFFF80  }
0x83: {  	[tilespmem:s22], [sflag:$0xA] =	stream.indirect.gather @!p0 [hbm4b:s1+s18], $0x80, s21, s18, $0xb8;
	[tilespmem:$0x1C000] =	vst v63  }
0x84: {  	s10 =	sadd.s32 @!p0 s6, s17  }
0x85: {  	[tilespmem:s19], [sflag:$0x6] =	stream.linear.gather @!p0 [hbm4b:s10+s9], $0x80, $0x38;
	[tilespmem:$0x1C000] =	vst v63  }
0x86: {  	s10 =	sand.u32 @!p0 $0xFC00, s13  }
0x87: {  	s17 =	sand.u32 @!p0 $0x380, s13;
	s10 =	sadd.s32 @!p0 s7, s10  }
0x88: {  	s10 =	sor.u32 @!p0 s17, s10  }
0x89: {  	s10 =	sshrl.u32 @!p0 s10, $0x3  }
0x8a: {  	s29 =	simm.s32 $0x580;
	s17 =	simm.s32 @!p0 $0x180;
	s10 =	sadd.s32 @!p0 s5, s10  }
0x8b: {  	[tilespmem:s17], [sflag:$0x4] =	stream.linear.gather @!p0 [hbm4b:s10+s9], $0x80, $0x38;
	[tilespmem:$0x1C000] =	vst v63  }
.LBB2_2:
0x8c: {  	_ =	swait.ge [sflag:s16], $0x80;
	s18 =	smov.u32 s29;
	s29 =	sadd.s32 $0x200, s29  }
0x8d: {  	p0 =	sne.s32 s29, $0x5380;
	[sflag:s16] =	ssyncset.done $0x0  }
0x8e: {  	p2 =	seq.s32 s18, $0x380;
	[sflag:s16] =	ssyncadd.s32 $0xFFFFFF80  }
0x8f: {  	[spmem:s3] =	stream.indirect.scatter.add.f32 [tilespmem:s12], [sflag:$0x10], $0x80, s13, s26, $0xb8;
	[tilespmem:$0x1C000] =	vst v63  }
0x90: {  	s9 =	simm.s32 @!p2 $0xF;
	_ =	swait.ge [sflag:s31], $0x2000  }
0x91: {  	s4 =	simm.s32 $0x200;
	[sflag:s31] =	ssyncset.done $0x0  }
0x92: {  	s10 =	sadd.s32 $0xFFFFFC80, s18;
	p1 =	seq.s32 s18, $0x5180;
	[sflag:s31] =	ssyncadd.s32 $0xFFFFE000  }
0x93: {  	s17 =	sand.u32 $0x7C00, s10;
	s10 =	sand.u32 $0x200, s10;
	_ =	swait.ge @!p2 [sflag:s9], $0x2000  }
0x94: {  	s19 =	sadd.s32 @!p1 $0xFFFFFF00, s18;
	s17 =	sadd.s32 s7, s17;
	[sflag:s9] =	ssyncset.done @!p2 $0x0  }
0x95: {  	[sflag:s9] =	ssyncadd.s32 @!p2 $0xFFFFE000;
	s9 =	sor.u32 s10, s17;
	s10 =	sadd.s32 @!p1 $0xFFFFFE80, s18  }
0x96: {  	_ =	swait.ge [sflag:s0], $0x80;
	s9 =	sshrl.u32 s9, $0x3;
	s17 =	sand.u32 @!p1 $0xFC00, s10  }
0x97: {  	s10 =	sand.u32 @!p1 $0x200, s10;
	[sflag:s0] =	ssyncset.done $0x0;
	s17 =	sadd.s32 @!p1 s7, s17  }
0x98: {  	s21 =	sadd.s32 s9, s6;
	[sflag:s0] =	ssyncadd.s32 $0xFFFFFF80;
	s10 =	sor.u32 @!p1 s10, s17  }
0x99: {  	s17 =	sadd.s32 $0x20, s21;
	s9 =	sshrl.u32 @!p1 s10, $0x3;
	s10 =	sand.u32 @!p1 $0xFC00, s19  }
0x9a: {  	[tilespmem:s2], [sflag:$0xB] =	stream.indirect.gather [hbm4b:s1+s26], $0x80, s23, s26, $0xb8;
	[tilespmem:$0x1C000] =	vst v63  }
0x9b: {  	s19 =	sand.u32 @!p1 $0x280, s19;
	s22 =	sadd.s32 @!p1 s5, s9;
	s25 =	sadd.s32 @!p1 s7, s10  }
0x9c: {  	[tilespmem:s24], [sflag:$0x7] =	stream.linear.gather [hbm4b:s17+s28], $0x80, $0x38;
	[tilespmem:$0x1C000] =	vst v63  }
0x9d: {  	s10 =	sadd.s32 @!p1 s6, s9;
	s23 =	simm.s32 $0x400;
	s17 =	simm.s32 @!p1 $0x0  }
0x9e: {  	[tilespmem:s17], [sflag:$0x1] =	stream.linear.gather @!p1 [hbm4b:s22+s17], $0x80, $0x38;
	[tilespmem:$0x1C000] =	vst v63  }
0x9f: {  	s9 =	sor.u32 @!p1 s19, s25;
	s19 =	sadd.s32 @!p1 $0xFFFFFF80, s18;
	_ =	swait.ge [sflag:s30], $0x80  }
0xa0: {  	s9 =	sshrl.u32 @!p1 s9, $0x3;
	s22 =	sand.u32 @!p1 $0xFC00, s19;
	[sflag:s30] =	ssyncset.done $0x0  }
0xa1: {  	s19 =	sand.u32 @!p1 $0x300, s19;
	s22 =	sadd.s32 @!p1 s7, s22;
	[sflag:s30] =	ssyncadd.s32 $0xFFFFFF80  }
0xa2: {  	[spmem:s3] =	stream.indirect.scatter.add.f32 [tilespmem:s23], [sflag:$0xD], $0x80, s4, s26, $0xb8;
	[tilespmem:$0x1C000] =	vst v63  }
0xa3: {  	s25 =	simm.s32 @!p2 $0x10;
	s19 =	sor.u32 @!p1 s19, s22;
	_ =	swait.ge [sflag:s8], $0x2000  }
0xa4: {  	s22 =	sadd.s32 @!p1 s5, s9;
	s19 =	sshrl.u32 @!p1 s19, $0x3;
	[sflag:s8] =	ssyncset.done $0x0  }
0xa5: {  	s9 =	sadd.s32 @!p1 s6, s9;
	s19 =	sadd.s32 @!p1 s5, s19;
	[sflag:s8] =	ssyncadd.s32 $0xFFFFE000  }
0xa6: {  	s23 =	sand.u32 @!p1 $0xFC00, s18;
	_ =	swait.ge @!p2 [sflag:s25], $0x2000  }
0xa7: {  	s18 =	sand.u32 @!p1 $0x380, s18;
	s23 =	sadd.s32 @!p1 s7, s23;
	[sflag:s25] =	ssyncset.done @!p2 $0x0  }
0xa8: {  	s18 =	sor.u32 @!p1 s18, s23;
	[sflag:s25] =	ssyncadd.s32 @!p2 $0xFFFFE000  }
0xa9: {  	s18 =	sshrl.u32 @!p1 s18, $0x3;
	_ =	swait.ge [sflag:s11], $0x80  }
0xaa: {  	s18 =	sadd.s32 @!p1 s5, s18;
	[sflag:s11] =	ssyncset.done $0x0  }
0xab: {  	s4 =	simm.s32 $0x180;
	[sflag:s11] =	ssyncadd.s32 $0xFFFFFF80  }
0xac: {  	[tilespmem:s12], [sflag:$0xC] =	stream.indirect.gather [hbm4b:s1+s26], $0x80, s4, s26, $0xb8;
	[tilespmem:$0x1C000] =	vst v63  }
0xad: {  	s21 =	sadd.s32 $0x30, s21;
	s23 =	simm.s32 @p1 $0x6  }
0xae: {  	[tilespmem:s13], [sflag:$0x8] =	stream.linear.gather [hbm4b:s21+s28], $0x80, $0x38;
	[tilespmem:$0x1C000] =	vst v63  }
0xaf: {  	s25 =	simm.s32 @p1 $0x280;
	s21 =	simm.s32 @p1 $0x40;
	_ =	swait.ge @p1 [sflag:s23], $0x80  }
0xb0: {  	s28 =	simm.s32 @p1 $0xB;
	[sflag:s23] =	ssyncset.done @p1 $0x0  }
0xb1: {  	[sflag:s23] =	ssyncadd.s32 @p1 $0xFFFFFF80;
	s23 =	simm.s32 @p1 $0x2400  }
0xb2: {  	[spmem:s3] =	stream.indirect.scatter.add.f32 @p1 [tilespmem:s23], [sflag:$0xE], $0x80, s25, s21, $0xb8;
	[tilespmem:$0x1C000] =	vst v63  }
0xb3: {  	s21 =	simm.s32 @p1 $0xD;
	_ =	swait.ge @p1 [sflag:s28], $0x2000  }
0xb4: {  	[sflag:s28] =	ssyncset.done @p1 $0x0  }
0xb5: {  	[sflag:s28] =	ssyncadd.s32 @p1 $0xFFFFE000  }
0xb6: {  	s25 =	simm.s32 @!p1 $0x80;
	_ =	swait.ge @p1 [sflag:s21], $0x2000  }
0xb7: {  	s23 =	simm.s32 @!p1 $0x6;
	[sflag:s21] =	ssyncset.done @p1 $0x0  }
0xb8: {  	[sflag:s21] =	ssyncadd.s32 @p1 $0xFFFFE000  }
0xb9: {  	[tilespmem:s25], [sflag:$0x2] =	stream.linear.gather @!p1 [hbm4b:s22+s17], $0x80, $0x38;
	[tilespmem:$0x1C000] =	vst v63  }
0xba: {  	s21 =	simm.s32 @!p1 $0x280;
	s22 =	simm.s32 @!p1 $0x40;
	_ =	swait.ge @!p1 [sflag:s23], $0x80  }
0xbb: {  	s28 =	simm.s32 @!p1 $0xB;
	[sflag:s23] =	ssyncset.done @!p1 $0x0  }
0xbc: {  	[sflag:s23] =	ssyncadd.s32 @!p1 $0xFFFFFF80;
	s23 =	simm.s32 @!p1 $0x2400  }
0xbd: {  	[spmem:s3] =	stream.indirect.scatter.add.f32 @!p1 [tilespmem:s23], [sflag:$0xE], $0x80, s21, s22, $0xb8;
	[tilespmem:$0x1C000] =	vst v63  }
0xbe: {  	s4 =	simm.s32 @!p1 $0xD;
	_ =	swait.ge @!p1 [sflag:s28], $0x2000  }
0xbf: {  	[sflag:s28] =	ssyncset.done @!p1 $0x0  }
0xc0: {  	[sflag:s28] =	ssyncadd.s32 @!p1 $0xFFFFE000  }
0xc1: {  	s28 =	simm.s32 @!p1 $0x1;
	_ =	swait.ge @!p1 [sflag:s4], $0x2000  }
0xc2: {  	[sflag:s4] =	ssyncset.done @!p1 $0x0  }
0xc3: {  	[sflag:s4] =	ssyncadd.s32 @!p1 $0xFFFFE000  }
0xc4: {  	s4 =	simm.s32 @!p1 $0x400;
	_ =	swait.ge @!p1 [sflag:s28], $0x80  }
0xc5: {  	[sflag:s28] =	ssyncset.done @!p1 $0x0  }
0xc6: {  	[sflag:s28] =	ssyncadd.s32 @!p1 $0xFFFFFF80;
	s28 =	simm.s32 @!p1 $0x200  }
0xc7: {  	[tilespmem:s4], [sflag:$0x9] =	stream.indirect.gather @!p1 [hbm4b:s1+s22], $0x80, s17, s22, $0xb8;
	[tilespmem:$0x1C000] =	vst v63  }
0xc8: {  	s4 =	simm.s32 @!p1 $0x100  }
0xc9: {  	[tilespmem:s28], [sflag:$0x5] =	stream.linear.gather @!p1 [hbm4b:s10+s17], $0x80, $0x38;
	[tilespmem:$0x1C000] =	vst v63  }
0xca: {  	s28 =	simm.s32 $0x0;
	_ =	sdelay $0x1  }
0xcb: {  	[tilespmem:s4], [sflag:$0x3] =	stream.linear.gather @!p1 [hbm4b:s19+s17], $0x80, $0x38;
	[tilespmem:$0x1C000] =	vst v63  }
0xcc: {  	_ =	swait.ge [sflag:s20], $0x80  }
0xcd: {  	[sflag:s20] =	ssyncset.done $0x0  }
0xce: {  	[sflag:s20] =	ssyncadd.s32 $0xFFFFFF80  }
0xcf: {  	[spmem:s3] =	stream.indirect.scatter.add.f32 [tilespmem:s2], [sflag:$0xF], $0x80, s24, s26, $0xb8;
	[tilespmem:$0x1C000] =	vst v63  }
0xd0: {  	_ =	swait.ge [sflag:s14], $0x2000  }
0xd1: {  	[sflag:s14] =	ssyncset.done $0x0  }
0xd2: {  	[sflag:s14] =	ssyncadd.s32 $0xFFFFE000  }
0xd3: {  	_ =	swait.ge [sflag:s15], $0x2000  }
0xd4: {  	s4 =	simm.s32 @!p1 $0x2;
	[sflag:s15] =	ssyncset.done $0x0  }
0xd5: {  	[sflag:s15] =	ssyncadd.s32 $0xFFFFE000  }
0xd6: {  	_ =	swait.ge @!p1 [sflag:s4], $0x80  }
0xd7: {  	[sflag:s4] =	ssyncset.done @!p1 $0x0  }
0xd8: {  	[sflag:s4] =	ssyncadd.s32 @!p1 $0xFFFFFF80  }
0xd9: {  	[tilespmem:s23], [sflag:$0xA] =	stream.indirect.gather @!p1 [hbm4b:s1+s22], $0x80, s25, s22, $0xb8;
	[tilespmem:$0x1C000] =	vst v63  }
.Ltmp0:
0xda: {  	s23 =	simm.s32 $0x100;
	(pc) =	sbr.rel @p0 .LBB2_2-.Ltmp0, $4  }
0xdb: {  	s4 =	simm.s32 @!p1 $0x180  }
0xdc: {  	[tilespmem:s21], [sflag:$0x6] =	stream.linear.gather @!p1 [hbm4b:s9+s17], $0x80, $0x38;
	[tilespmem:$0x1C000] =	vst v63  }
0xdd: {  	_ = 	snop  }
0xde: {  	[tilespmem:s4], [sflag:$0x4] =	stream.linear.gather @!p1 [hbm4b:s18+s17], $0x80, $0x38;
	[tilespmem:$0x1C000] =	vst v63  }
0xdf: {  	_ =	swait.ge [sflag:s16], $0x80  }
0xe0: {  	[sflag:s16] =	ssyncset.done $0x0  }
0xe1: {  	s4 =	simm.s32 $0xF;
	[sflag:s16] =	ssyncadd.s32 $0xFFFFFF80  }
0xe2: {  	[spmem:s3] =	stream.indirect.scatter.add.f32 [tilespmem:s12], [sflag:$0x10], $0x80, s13, s26, $0xb8;
	[tilespmem:$0x1C000] =	vst v63  }
0xe3: {  	_ =	swait.ge [sflag:s4], $0x2000  }
0xe4: {  	[sflag:s4] =	ssyncset.done $0x0  }
0xe5: {  	s22 =	simm.s32 $0x10;
	[sflag:s4] =	ssyncadd.s32 $0xFFFFE000  }
0xe6: {  	_ =	swait.ge [sflag:s22], $0x2000  }
0xe7: {  	[sflag:s22] =	ssyncset.done $0x0  }
0xe8: {  	[sflag:s22] =	ssyncadd.s32 $0xFFFFE000  }
0xe9: {  	[bflag:$0x0] =	sbarrier.arrive $0xFFFF  }
0xea: {  	s10 =	rddreg [dreg:$0x6]  }
0xeb: {  	s25 =	rddreg [dreg:$0xc]  }
0xec: {  	s17 =	simm.s32 $0x11;
	s9 =	rddreg [dreg:$0xe]  }
0xed: {  	[hbm:s25], [sflag:s10] =	dma.local [spmem:s9], $0x2780  }
0xee: {  	_ =	swait.ge [sflag:s17], $0x2780  }
0xef: {  	s18 =	rddreg [dreg:$0xf]  }
0xf0: {  	s29 =	rddreg [dreg:$0xd];
	s18 =	sadd.s32 $0x1, s18  }
0xf1: {  	p0 =	sne.s32 s18, s29  }
.Ltmp1:
0xf2: {  	_ = 	snop;
	(pc) =	sbr.rel @p0 .LBB2_1-.Ltmp1, $3  }
0xf3: {  	_ =	sdelay $0x1  }
0xf4: {  	s19 =	simm.s32 $0x180;
	[sflag:s17] =	ssyncset.done $0x0  }
0xf5: {  	s21 =	simm.s32 $0x200;
	s22 =	simm.s32 $0x400;
	[sflag:s17] =	ssyncadd.s32 $0xFFFFD880  }
0xf6: {  	_ =	sfence.sel $0x180000  }
0xf7: {  	[bflag:$0x0] =	sbarrier.arrive $0xFFFF  }
0xf8: {  	_ =	strace $0x9000004A  }
0xf9: {  	s0 =	stileid.u32;
	[bflag:$0x2] =	sbarrier.arrive $0xFFFF  }
0xfa: {  	p0 =	sne.s32 s0, $0x0;
	s0 =	rddreg [dreg:$0x3]  }
0xfb: {  	s0 =	sadd.s32 @!p0 $0x100000, s0  }
0xfc: {  	[sflag:s0] =	ssyncadd.tile.s32 @!p0 $0x1;
	_ =	shalt  }
.Lfunc_end2:
_tile_overlayer_lowered:
.L_overlay_start_2:
0xfd: {  	(tag) =	ssettag $0x2  }
0xfe: {  	s0 =	rddreg [dreg:$0x0];
	s2 =	stileid.u32  }
0xff: {  	s1 =	rddreg [dreg:$0x1];
	p0 =	sne.s32 s2, $0x0  }
0x100: {  	s3 =	rddreg [dreg:$0x2];
	[bflag:$0x3] =	sbarrier.arrive $0xFFFF;
	s2 =	simm.s32 @!p0 $0x1C11  }
0x101: {  	[timem:s3], [sflag:s2] =	dma.local @!p0 [hbm:s0], s1  }
0x102: {  	s0 =	simm.s32 @!p0 $0x11  }
0x103: {  	_ =	swait.ge @!p0 [sflag:s0], s1  }
0x104: {  	s1 =	ssub.s32 @!p0 $0x0, s1;
	[sflag:s0] =	ssyncset.done @!p0 $0x0  }
0x105: {  	[sflag:s0] =	ssyncadd.s32 @!p0 s1  }
0x106: {  	[bflag:$0x3] =	sbarrier.arrive $0xFFFF  }
0x107: {  	_ =	shalt  }

// kernel: kernel.15.cloned.1.call-start
scs
__scs_entry_jumppad:
0x0: {  	(pc) =	sbr.rel $0x88, $3  }
0x1: {  	(tag) =	ssettag $0x0;
	lr =	simm.s32 $0x1  }
0x2: {  	[smem:$0x3F9B] =	sst lr;
	_ =	strace $0xD0000000  }
0x3: {  	_ = 	snop  }
0x4: {  	_ = 	snop  }
0x5: {  	_ = 	snop  }
0x6: {  	_ = 	snop  }
0x7: {  	_ = 	snop  }
__scs_overlays_trampoline_lowered:
0x8: {  	[smem:$0x3FAA] =	sst s0  }
0x9: {  	[smem:$0x3FAB] =	sst s1  }
0xa: {  	[smem:$0x3FAC] =	sst s2  }
0xb: {  	[smem:$0x3FAD] =	sst s3  }
0xc: {  	[smem:$0x3FAE] =	sst s4  }
0xd: {  	[smem:$0x3FAF] =	sst s5  }
0xe: {  	[smem:$0x3FB0] =	sst s6  }
0xf: {  	[smem:$0x3FB1] =	sst s7  }
0x10: {  	[smem:$0x3FB2] =	sst s8  }
0x11: {  	[smem:$0x3FB3] =	sst s9;
	s0 =	simm.s32 @!p0 $0x0  }
0x12: {  	s1 =	sld [smem:$0x3F99];
	s0 =	simm.s32 @p0 $0x1  }
0x13: {  	[smem:$0x3FB4] =	sst s0;
	s0 =	simm.s32 @!p1 $0x0  }
0x14: {  	s2 =	sld [smem:$0x3F98];
	s0 =	simm.s32 @p1 $0x1  }
0x15: {  	[smem:$0x3FB5] =	sst s0;
	s0 =	simm.s32 @!p2 $0x0  }
0x16: {  	s3 =	sld [smem:$0x3FDB];
	s0 =	simm.s32 @p2 $0x1  }
0x17: {  	s4 =	simm.s32 $0x1BF5;
	[smem:$0x3FB7] =	sst s0  }
0x18: {  	s0 =	sld [smem:$0x3F9A];
	_ =	swait.ge [sflag:s4], $0x0  }
0x19: {  	s7 =	sld [smem:$0x3F9B]  }
0x1a: {  	s8 =	sadd.s32 $0xFFFFE003, lr  }
0x1b: {  	s9 =	sadd.s32 $0xFFFFFEF7, lr;
	s5 =	simm.s32 $0xFFFFFFFF;
	p2 =	slt.u32 s8, $0xFFFFF086  }
0x1c: {  	p1 =	slt.u32 s9, $0xF7A;
	s5 =	simm.s32 @!p2 $0x0  }
0x1d: {  	s5 =	simm.s32 @p1 $0x1;
	p0 =	seq.s32 s7, s2  }
0x1e: {  	s7 =	smul.u32 @!p0 $0xF7A, s2;
	p2 =	seq.s32 @!p0 s5, $0x0  }
0x1f: {  	s9 =	smul.u32 $0xF7A, s1;
	s8 =	simm.s32 @!p0 $0x1BF5;
	p2 =	por !p2, p0  }
0x20: {  	[sflag:s8] =	ssyncset.s32 @!p0 $0xFFFFF086;
	s6 =	sadd.s32 @!p0 s3, s7;
	s7 =	simm.s32 @!p0 $0x108  }
0x21: {  	s3 =	sadd.s32 s3, s9;
	s6 =	sadd.s32 @!p0 $0x88, s6;
	s7 =	simm.s32 @p2 $0x1082  }
0x22: {  	[simem:s7], [sflag:s8] =	dma.local @!p0 [hbm:s6], $0xF7A  }
0x23: {  	s9 =	sor.u32 $0xD0000000, s2;
	s6 =	simm.s32 $0x108;
	_ =	swait.ge @!p0 [sflag:s8], $0x0  }
0x24: {  	s3 =	sadd.s32 $0x88, s3;
	s6 =	simm.s32 @!p1 $0x1082;
	[sflag:s4] =	ssyncset.s32 $0xFFFFF086  }
0x25: {  	[simem:s6], [sflag:s4] =	dma.local [hbm:s3], $0xF7A  }
0x26: {  	[smem:$0x3F9B] =	sst s1;
	(tag) =	ssettag s2;
	_ =	strace s9  }
0x27: {  	s1 =	sld [smem:$0x3FAB]  }
0x28: {  	s2 =	sld [smem:$0x3FAC]  }
0x29: {  	s4 =	sld [smem:$0x3FAE]  }
0x2a: {  	p0 =	seq.s32 s5, $0x0;
	s5 =	sld [smem:$0x3FAF]  }
0x2b: {  	s6 =	sld [smem:$0x3FB0]  }
0x2c: {  	s7 =	sld [smem:$0x3FB1]  }
0x2d: {  	s3 =	simm.s32 $0x108;
	s8 =	sld [smem:$0x3FB2]  }
0x2e: {  	s3 =	simm.s32 @!p0 $0x1082;
	s9 =	sld [smem:$0x3FB3]  }
0x2f: {  	lr =	sadd.s32 s0, s3;
	s0 =	sld [smem:$0x3FAA]  }
0x30: {  	s3 =	sld [smem:$0x3FAD]  }
0x31: {  	[smem:$0x3FB6] =	sst s10  }
0x32: {  	s10 =	sld [smem:$0x3FB4];
	_ =	sdelay $0x3  }
0x33: {  	p0 =	seq.s32 s10, $0x1;
	s10 =	sld [smem:$0x3FB6];
	_ =	sdelay $0x3  }
0x34: {  	[smem:$0x3FB6] =	sst s10  }
0x35: {  	s10 =	sld [smem:$0x3FB5];
	_ =	sdelay $0x3  }
0x36: {  	p1 =	seq.s32 s10, $0x1;
	s10 =	sld [smem:$0x3FB6];
	_ =	sdelay $0x3  }
0x37: {  	[smem:$0x3FB6] =	sst s10  }
0x38: {  	s10 =	sld [smem:$0x3FB7]  }
0x39: {  	_ = 	snop;
	(pc) =	sbr.ind lr, $3  }
0x3a: {  	_ = 	snop  }
0x3b: {  	_ = 	snop  }
0x3c: {  	p2 =	seq.s32 s10, $0x1;
	s10 =	sld [smem:$0x3FB6]  }
0x3d: {  	_ =	shalt  }
0x3e: {  	_ =	shalt  }
0x3f: {  	_ =	shalt  }
0x40: {  	_ =	shalt  }
0x41: {  	_ =	shalt  }
0x42: {  	_ =	shalt  }
0x43: {  	_ =	shalt  }
0x44: {  	_ =	shalt  }
0x45: {  	_ =	shalt  }
0x46: {  	_ =	shalt  }
0x47: {  	_ =	shalt  }
0x48: {  	_ =	shalt  }
0x49: {  	_ =	shalt  }
0x4a: {  	_ =	shalt  }
0x4b: {  	_ =	shalt  }
0x4c: {  	_ =	shalt  }
0x4d: {  	_ =	shalt  }
0x4e: {  	_ =	shalt  }
0x4f: {  	_ =	shalt  }
0x50: {  	_ =	shalt  }
0x51: {  	_ =	shalt  }
0x52: {  	_ =	shalt  }
0x53: {  	_ =	shalt  }
0x54: {  	_ =	shalt  }
0x55: {  	_ =	shalt  }
0x56: {  	_ =	shalt  }
0x57: {  	_ =	shalt  }
0x58: {  	_ =	shalt  }
0x59: {  	_ =	shalt  }
0x5a: {  	_ =	shalt  }
0x5b: {  	_ =	shalt  }
0x5c: {  	_ =	shalt  }
0x5d: {  	_ =	shalt  }
0x5e: {  	_ =	shalt  }
0x5f: {  	_ =	shalt  }
0x60: {  	_ =	shalt  }
0x61: {  	_ =	shalt  }
0x62: {  	_ =	shalt  }
0x63: {  	_ =	shalt  }
0x64: {  	_ =	shalt  }
0x65: {  	_ =	shalt  }
0x66: {  	_ =	shalt  }
0x67: {  	_ =	shalt  }
0x68: {  	_ =	shalt  }
0x69: {  	_ =	shalt  }
0x6a: {  	_ =	shalt  }
0x6b: {  	_ =	shalt  }
0x6c: {  	_ =	shalt  }
0x6d: {  	_ =	shalt  }
0x6e: {  	_ =	shalt  }
0x6f: {  	_ =	shalt  }
0x70: {  	_ =	shalt  }
0x71: {  	_ =	shalt  }
0x72: {  	_ =	shalt  }
0x73: {  	_ =	shalt  }
0x74: {  	_ =	shalt  }
0x75: {  	_ =	shalt  }
0x76: {  	_ =	shalt  }
0x77: {  	_ =	shalt  }
0x78: {  	_ =	shalt  }
0x79: {  	_ =	shalt  }
0x7a: {  	_ =	shalt  }
0x7b: {  	_ =	shalt  }
0x7c: {  	_ =	shalt  }
0x7d: {  	_ =	shalt  }
0x7e: {  	_ =	shalt  }
0x7f: {  	_ =	shalt  }
0x80: {  	_ =	shalt  }
0x81: {  	_ =	shalt  }
0x82: {  	_ =	shalt  }
0x83: {  	_ =	shalt  }
0x84: {  	_ =	shalt  }
0x85: {  	_ =	shalt  }
0x86: {  	_ =	shalt  }
0x87: {  	_ =	shalt  }
.Lfunc_end0:
.L_simem_size_0:
called_computation.2_lowered:
.L_overlay_start_0:
0x88: {  	s2 =	sld [smem:$0x3FD9]  }
0x89: {  	s3 =	sld [smem:$0x3FFE];
	_ =	sdelay $0x1  }
0x8a: {  	s1 =	srdreg.scid  }
0x8b: {  	s0 =	sand.u32 $0x1, s1  }
0x8c: {  	s17 =	sshll.u32 s0, $0xA;
	s2 =	sadd.s32 s3, s2  }
0x8d: {  	s2 =	sadd.s32 s2, s17  }
0x8e: {  	[smem:$0x3FC2] =	sst s2  }
0x8f: {  	_ = 	snop  }
0x90: {  	s2 =	sld [smem:$0x3FD0];
	(tm) =	ssettm $0x1  }
0x91: {  	s18 =	sld [smem:$0x3FFB];
	_ =	sdelay $0x3  }
0x92: {  	_ =	strace s18  }
0x93: {  	s3 =	sld [smem:$0x3FFC];
	_ =	sdelay $0x3  }
0x94: {  	_ =	strace s3  }
0x95: {  	s3 =	sld [smem:$0x3FFD];
	_ =	sdelay $0x3  }
0x96: {  	_ =	strace s3  }
0x97: {  	_ =	strace $0x8FFFFFFF  }
0x98: {  	s19 =	sld [smem:$0x3FDB];
	_ =	sdelay $0x1  }
0x99: {  	s4 =	simm.s32 $_scs_section_size  }
0x9a: {  	s5 =	simm.s32 $_size__tile_overlayer_lowered;
	s6 =	simm.s32 $_tile_overlayer_lowered  }
0x9b: {  	s22 =	simm.s32 $0x1BFF;
	s21 =	sshll.u32 s6, $0x1;
	s3 =	sadd.s32 s4, s19  }
0x9c: {  	s7 =	simm.s32 $0x0;
	s20 =	sshll.u32 s5, $0x1;
	s5 =	sadd.s32 s21, s3  }
0x9d: {  	[timem:s7], [sflag:s22] =	dma.local [hbm:s5], s20  }
0x9e: {  	_ =	swait.ge [sflag:s22], s20  }
0x9f: {  	s4 =	ssub.s32 $0x0, s20;
	[sflag:s22] =	ssyncset.done $0x0  }
0xa0: {  	[sflag:s22] =	ssyncadd.s32 s4;
	_ =	sdelay $0x1  }
0xa1: {  	s23 =	simm.s32 $0x1B8B  }
0xa2: {  	_ =	swait.ge [sflag:s23], $0x1  }
0xa3: {  	[sflag:s23] =	ssyncset.done $0x0  }
0xa4: {  	s25 =	simm.s32 $0x1B8E;
	s24 =	sld [smem:$0x3FFE];
	[sflag:s23] =	ssyncadd.s32 $0xFFFFFFFF  }
0xa5: {  	s26 =	simm.s32 $execute0_lowered;
	[smem:$0x3FD2] =	sst s25  }
0xa6: {  	s5 =	sshll.u32 s26, $0x1;
	_ =	strace $0x8000004C;
	[dreg:$0x1] =	wrdreg $0xFFFFFFFF  }
0xa7: {  	s28 =	simm.s32 $_size_execute0_lowered;
	s3 =	sadd.s32 s3, s5;
	[dreg:$0x0] =	wrdreg $0x0  }
0xa8: {  	s5 =	sshll.u32 s28, $0x1;
	[dreg:$0x2] =	wrdreg s3  }
0xa9: {  	[dreg:$0x3] =	wrdreg s5  }
0xaa: {  	[dreg:$0x4] =	wrdreg $0xC0  }
0xab: {  	_ =	task [dreg:s7], $0x5FFFF  }
0xac: {  	[dreg:$0x1] =	wrdreg $0xFFFFFFFF  }
0xad: {  	[dreg:$0x0] =	wrdreg $0x60  }
0xae: {  	[dreg:$0x2] =	wrdreg s2  }
0xaf: {  	[dreg:$0x3] =	wrdreg s24  }
0xb0: {  	[dreg:$0x4] =	wrdreg $0x84000  }
0xb1: {  	[dreg:$0x5] =	wrdreg $0x9  }
0xb2: {  	_ =	task.clear_ibuf [dreg:s7], $0x6FFFF;
	_ =	strace $0x9000004C  }
0xb3: {  	s29 =	simm.s32 $0x9;
	_ =	strace $0x8000004E  }
0xb4: {  	_ =	swait.ge [sflag:s29], $0x1  }
0xb5: {  	[sflag:s29] =	ssyncadd.s32 $0xFFFFFFFF  }
0xb6: {  	_ =	strace $0x9000004E  }
0xb7: {  	_ =	sfence  }
0xb8: {  	s30 =	sld [smem:$0x0];
	_ =	sdelay $0x2  }
0xb9: {  	s31 =	sshll.u32 s1, $0xD;
	s1 =	sshrl.u32 s1, $0x2  }
0xba: {  	s3 =	sand.u32 $0x4000, s31;
	s1 =	sadd.s32 s1, s30  }
0xbb: {  	s0 =	sor.u32 s3, s0;
	s1 =	sshll.u32 s1, $0x11  }
0xbc: {  	s0 =	sor.u32 s1, s0  }
0xbd: {  	s0 =	sadd.s32 $0x8F2B, s0  }
0xbe: {  	[sflag:s0] =	ssyncadd.remote.s32 $0x1  }
0xbf: {  	_ =	sfence.sel $0xFFFF  }
0xc0: {  	[dreg:$0x0] =	wrdreg $0xFFFFFFFF;
	(pc) =	sbr.abs _section_cstart, $3  }
0xc1: {  	[dreg:$0x1] =	wrdreg $0xFFFFFFFF  }
0xc2: {  	_ =	task.clear_ibuf [dreg:s7], $0x2FFFF;
	_ =	strace $0x9FFFFFFF  }
0xc3: {  	(tm) =	ssettm $0x7FFFFFFF  }
tec
execute0_lowered:
.L_overlay_start_1:
0x0: {  	(tag) =	ssettag $0x1  }
0x1: {  	s1 =	rddreg [dreg:$0x0]  }
0x2: {  	s0 =	rddreg [dreg:$0x1]  }
0x3: {  	s3 =	rddreg [dreg:$0x2]  }
0x4: {  	s28 =	simm.s32 $0x0;
	s4 =	stileid.u32;
	s2 =	srdreg.scid  }
0x5: {  	s31 =	simm.s32 $0x9;
	s30 =	simm.s32 $0x5;
	s13 =	simm.s32 $0x380  }
0x6: {  	s14 =	simm.s32 $0xC;
	[smem:$0x7FF] =	sst s28;
	s7 =	smul.u32 $0x13C00, s4  }
0x7: {  	s2 =	sand.u32 $0x1, s2;
	s5 =	sadd.s32 $0x16A00, s0;
	s6 =	sadd.s32 $0x2400, s0  }
0x8: {  	s15 =	sshll.u32 s4, $0x1;
	s11 =	smul.u32 $0x4F000, s4;
	s20 =	sshll.u32 s4, $0x6  }
0x9: {  	_ =	strace $0x8000004D;
	s8 =	smul.u32 $0x13C000, s2;
	s10 =	ssub.s32 $0x2, s2  }
0xa: {  	s2 =	sor.u32 s2, s15;
	s15 =	simm.s32 $0xE;
	s9 =	sshrl.u32 s7, $0x3  }
0xb: {  	s12 =	sshrl.u32 s10, $0x1;
	s18 =	sshrl.u32 s11, $0x2;
	s11 =	simm.s32 $0x4  }
0xc: {  	s9 =	sadd.s32 s9, s0;
	s7 =	sadd.s32 s7, s8;
	s17 =	ssub.s32 s10, s12  }
0xd: {  	s8 =	sadd.s32 s18, s3;
	s10 =	sor.u32 $0x1C11, s20;
	s12 =	simm.s32 $0x6400  }
0xe: {  	s20 =	simm.s32 $0x7;
	s18 =	simm.s32 $0x0;
	s16 =	sshrl.u32 s7, $0x3  }
0xf: {  	s7 =	smul.u32 $0x5000, s2;
	s9 =	sadd.s32 $0x2AA00, s9;
	[dreg:$0x6] =	wrdreg s10  }
0x10: {  	s29 =	smax.u32 s17, $0x1;
	s17 =	simm.s32 $0x11;
	[dreg:$0x4] =	wrdreg s9  }
0x11: {  	s0 =	sadd.s32 s16, s0;
	[dreg:$0xd] =	wrdreg s29;
	s9 =	sshrl.u32 s8, $0x3  }
0x12: {  	s19 =	sshrl.u32 s7, $0x3;
	s0 =	sadd.s32 $0x52200, s0;
	[dreg:$0xe] =	wrdreg s9  }
0x13: {  	s2 =	simm.s32 $0x4400;
	s21 =	sadd.s32 s5, s19;
	[dreg:$0xc] =	wrdreg s0  }
0x14: {  	s22 =	sor.u32 $0x10, s19;
	s25 =	sadd.s32 s6, s19;
	[dreg:$0x5] =	wrdreg s21  }
0x15: {  	s8 =	simm.s32 $0xA;
	s23 =	sadd.s32 s5, s22;
	[dreg:$0xa] =	wrdreg s25  }
0x16: {  	s16 =	simm.s32 $0x8;
	s24 =	sadd.s32 $0x20, s21;
	[dreg:$0x7] =	wrdreg s23  }
0x17: {  	s19 =	simm.s32 $0x180;
	s4 =	sadd.s32 $0x30, s21;
	[dreg:$0x8] =	wrdreg s24  }
0x18: {  	s0 =	simm.s32 $0x3;
	s26 =	sadd.s32 s6, s22;
	[dreg:$0x9] =	wrdreg s4  }
0x19: {  	s21 =	simm.s32 $0x200;
	s22 =	simm.s32 $0x400;
	[dreg:$0xb] =	wrdreg s26  }
0x1a: {  	s23 =	simm.s32 $0x100;
	s26 =	simm.s32 $0x40;
	s24 =	simm.s32 $0x300  }
.LBB2_1:
0x1b: {  	[dreg:$0xf] =	wrdreg s18  }
0x1c: {  	s4 =	rddreg [dreg:$0x4]  }
0x1d: {  	[spmem:s9], [sflag:s10] =	dma.local [hbm:s4], $0x2780  }
0x1e: {  	_ =	swait.ge [sflag:s17], $0x2780  }
0x1f: {  	[sflag:s17] =	ssyncset.done $0x0  }
0x20: {  	[sflag:s17] =	ssyncadd.s32 $0xFFFFD880  }
0x21: {  	[bflag:$0x0] =	sbarrier.arrive $0xFFFF  }
0x22: {  	s17 =	rddreg [dreg:$0x5]  }
0x23: {  	[tilespmem:s28], [sflag:$0x1] =	stream.linear.gather [hbm4b:s17+s28], $0x80, $0x38;
	[tilespmem:$0x1C000] =	vst v63  }
0x24: {  	s9 =	simm.s32 $0x80;
	s18 =	rddreg [dreg:$0x7]  }
0x25: {  	[tilespmem:s9], [sflag:$0x2] =	stream.linear.gather [hbm4b:s18+s28], $0x80, $0x38;
	[tilespmem:$0x1C000] =	vst v63  }
0x26: {  	s25 =	rddreg [dreg:$0x8]  }
0x27: {  	[tilespmem:s23], [sflag:$0x3] =	stream.linear.gather [hbm4b:s25+s28], $0x80, $0x38;
	[tilespmem:$0x1C000] =	vst v63  }
0x28: {  	s10 =	rddreg [dreg:$0x9]  }
0x29: {  	[tilespmem:s19], [sflag:$0x4] =	stream.linear.gather [hbm4b:s10+s28], $0x80, $0x38;
	[tilespmem:$0x1C000] =	vst v63  }
0x2a: {  	s17 =	rddreg [dreg:$0xa]  }
0x2b: {  	[tilespmem:s21], [sflag:$0x5] =	stream.linear.gather [hbm4b:s17+s28], $0x80, $0x38;
	[tilespmem:$0x1C000] =	vst v63  }
0x2c: {  	s18 =	rddreg [dreg:$0xb];
	s25 =	simm.s32 $0x280;
	s10 =	simm.s32 $0x1  }
0x2d: {  	[tilespmem:s25], [sflag:$0x6] =	stream.linear.gather [hbm4b:s18+s28], $0x80, $0x38;
	[tilespmem:$0x1C000] =	vst v63  }
0x2e: {  	_ =	swait.ge [sflag:s10], $0x80  }
0x2f: {  	[sflag:s10] =	ssyncset.done $0x0  }
0x30: {  	s17 =	simm.s32 $0x2;
	[sflag:s10] =	ssyncadd.s32 $0xFFFFFF80  }
0x31: {  	[tilespmem:s22], [sflag:$0x9] =	stream.indirect.gather [hbm4b:s1+s26], $0x80, s28, s26, $0xb8;
	[tilespmem:$0x1C000] =	vst v63  }
0x32: {  	_ =	swait.ge [sflag:s17], $0x80  }
0x33: {  	[sflag:s17] =	ssyncset.done $0x0  }
0x34: {  	s18 =	simm.s32 $0x2400;
	[sflag:s17] =	ssyncadd.s32 $0xFFFFFF80  }
0x35: {  	[tilespmem:s18], [sflag:$0xA] =	stream.indirect.gather [hbm4b:s1+s26], $0x80, s9, s26, $0xb8;
	[tilespmem:$0x1C000] =	vst v63  }
0x36: {  	_ =	swait.ge [sflag:s31], $0x2000  }
0x37: {  	p1 =	por $0x1, $0x1;
	[sflag:s31] =	ssyncset.done $0x0  }
0x38: {  	s25 =	simm.s32 $0x0;
	s9 =	simm.s32 @!p1 $0xF;
	[sflag:s31] =	ssyncadd.s32 $0xFFFFE000  }
0x39: {  	p0 =	por $0x0, $0x0;
	s4 =	sand.u32 $0x7C00, s25;
	_ =	swait.ge @!p1 [sflag:s9], $0x2000  }
0x3a: {  	s10 =	sand.u32 $0x200, s25;
	s17 =	sadd.s32 s7, s4;
	[sflag:s9] =	ssyncset.done @!p1 $0x0  }
0x3b: {  	s18 =	sor.u32 s10, s17;
	s10 =	simm.s32 @!p0 $0x200;
	[sflag:s9] =	ssyncadd.s32 @!p1 $0xFFFFE000  }
0x3c: {  	s17 =	sand.u32 @!p0 $0xFC00, s10;
	s10 =	sand.u32 @!p0 $0x200, s10;
	_ =	swait.ge [sflag:s0], $0x80  }
0x3d: {  	s17 =	sadd.s32 @!p0 s7, s17;
	s9 =	sshrl.u32 s18, $0x3;
	[sflag:s0] =	ssyncset.done $0x0  }
0x3e: {  	s10 =	sor.u32 @!p0 s10, s17;
	s25 =	sadd.s32 s9, s6;
	[sflag:s0] =	ssyncadd.s32 $0xFFFFFF80  }
0x3f: {  	[tilespmem:s2], [sflag:$0xB] =	stream.indirect.gather [hbm4b:s1+s26], $0x80, s23, s26, $0xb8;
	[tilespmem:$0x1C000] =	vst v63  }
0x40: {  	s10 =	sshrl.u32 @!p0 s10, $0x3;
	s9 =	sadd.s32 $0x20, s25  }
0x41: {  	[tilespmem:s24], [sflag:$0x7] =	stream.linear.gather [hbm4b:s9+s28], $0x80, $0x38;
	[tilespmem:$0x1C000] =	vst v63  }
0x42: {  	s18 =	sadd.s32 @!p0 s5, s10;
	s9 =	simm.s32 @!p0 $0x0  }
0x43: {  	[tilespmem:s9], [sflag:$0x1] =	stream.linear.gather @!p0 [hbm4b:s18+s9], $0x80, $0x38;
	[tilespmem:$0x1C000] =	vst v63  }
0x44: {  	_ =	swait.ge [sflag:s30], $0x80  }
0x45: {  	[sflag:s30] =	ssyncset.done $0x0  }
0x46: {  	[sflag:s30] =	ssyncadd.s32 $0xFFFFFF80  }
0x47: {  	[spmem:s3] =	stream.indirect.scatter.add.f32 [tilespmem:s22], [sflag:$0xD], $0x80, s21, s26, $0xb8;
	[tilespmem:$0x1C000] =	vst v63  }
0x48: {  	_ =	swait.ge [sflag:s8], $0x2000  }
0x49: {  	[sflag:s8] =	ssyncset.done $0x0  }
0x4a: {  	s18 =	simm.s32 @!p1 $0x10;
	[sflag:s8] =	ssyncadd.s32 $0xFFFFE000  }
0x4b: {  	_ =	swait.ge @!p1 [sflag:s18], $0x2000  }
0x4c: {  	[sflag:s18] =	ssyncset.done @!p1 $0x0  }
0x4d: {  	[sflag:s18] =	ssyncadd.s32 @!p1 $0xFFFFE000  }
0x4e: {  	_ =	swait.ge [sflag:s11], $0x80  }
0x4f: {  	[sflag:s11] =	ssyncset.done $0x0  }
0x50: {  	[sflag:s11] =	ssyncadd.s32 $0xFFFFFF80  }
0x51: {  	[tilespmem:s12], [sflag:$0xC] =	stream.indirect.gather [hbm4b:s1+s26], $0x80, s19, s26, $0xb8;
	[tilespmem:$0x1C000] =	vst v63  }
0x52: {  	s17 =	sadd.s32 $0x30, s25;
	s18 =	simm.s32 @p0 $0x6  }
0x53: {  	[tilespmem:s13], [sflag:$0x8] =	stream.linear.gather [hbm4b:s17+s28], $0x80, $0x38;
	[tilespmem:$0x1C000] =	vst v63  }
0x54: {  	s21 =	simm.s32 @p0 $0x280;
	_ =	swait.ge @p0 [sflag:s18], $0x80  }
0x55: {  	s22 =	simm.s32 @p0 $0xB;
	s19 =	simm.s32 @p0 $0x40;
	[sflag:s18] =	ssyncset.done @p0 $0x0  }
0x56: {  	s17 =	simm.s32 @!p0 $0x280;
	[sflag:s18] =	ssyncadd.s32 @p0 $0xFFFFFF80;
	s18 =	simm.s32 @p0 $0x2400  }
0x57: {  	[spmem:s3] =	stream.indirect.scatter.add.f32 @p0 [tilespmem:s18], [sflag:$0xE], $0x80, s21, s19, $0xb8;
	[tilespmem:$0x1C000] =	vst v63  }
0x58: {  	s18 =	sand.u32 @!p0 $0xFC00, s17;
	_ =	swait.ge @p0 [sflag:s22], $0x2000  }
0x59: {  	s17 =	sand.u32 @!p0 $0x280, s17;
	s18 =	sadd.s32 @!p0 s7, s18;
	[sflag:s22] =	ssyncset.done @p0 $0x0  }
0x5a: {  	s17 =	sor.u32 @!p0 s17, s18;
	s18 =	simm.s32 @p0 $0xD;
	[sflag:s22] =	ssyncadd.s32 @p0 $0xFFFFE000  }
0x5b: {  	_ =	swait.ge @p0 [sflag:s18], $0x2000  }
0x5c: {  	s21 =	simm.s32 @!p0 $0x80;
	s17 =	sshrl.u32 @!p0 s17, $0x3;
	[sflag:s18] =	ssyncset.done @p0 $0x0  }
0x5d: {  	s22 =	simm.s32 @!p0 $0x6;
	s19 =	sadd.s32 @!p0 s5, s17;
	[sflag:s18] =	ssyncadd.s32 @p0 $0xFFFFE000  }
0x5e: {  	[tilespmem:s21], [sflag:$0x2] =	stream.linear.gather @!p0 [hbm4b:s19+s9], $0x80, $0x38;
	[tilespmem:$0x1C000] =	vst v63  }
0x5f: {  	_ =	swait.ge @!p0 [sflag:s22], $0x80  }
0x60: {  	s25 =	simm.s32 @!p0 $0xB;
	s18 =	simm.s32 @!p0 $0x40;
	[sflag:s22] =	ssyncset.done @!p0 $0x0  }
0x61: {  	s19 =	simm.s32 @!p0 $0x280;
	[sflag:s22] =	ssyncadd.s32 @!p0 $0xFFFFFF80;
	s22 =	simm.s32 @!p0 $0x2400  }
0x62: {  	[spmem:s3] =	stream.indirect.scatter.add.f32 @!p0 [tilespmem:s22], [sflag:$0xE], $0x80, s19, s18, $0xb8;
	[tilespmem:$0x1C000] =	vst v63  }
0x63: {  	_ =	swait.ge @!p0 [sflag:s25], $0x2000  }
0x64: {  	[sflag:s25] =	ssyncset.done @!p0 $0x0  }
0x65: {  	[sflag:s25] =	ssyncadd.s32 @!p0 $0xFFFFE000;
	s25 =	simm.s32 @!p0 $0xD  }
0x66: {  	_ =	swait.ge @!p0 [sflag:s25], $0x2000  }
0x67: {  	[sflag:s25] =	ssyncset.done @!p0 $0x0  }
0x68: {  	[sflag:s25] =	ssyncadd.s32 @!p0 $0xFFFFE000;
	s25 =	simm.s32 @!p0 $0x1  }
0x69: {  	_ =	swait.ge @!p0 [sflag:s25], $0x80  }
0x6a: {  	[sflag:s25] =	ssyncset.done @!p0 $0x0  }
0x6b: {  	[sflag:s25] =	ssyncadd.s32 @!p0 $0xFFFFFF80;
	s25 =	simm.s32 @!p0 $0x400  }
0x6c: {  	[tilespmem:s25], [sflag:$0x9] =	stream.indirect.gather @!p0 [hbm4b:s1+s18], $0x80, s9, s18, $0xb8;
	[tilespmem:$0x1C000] =	vst v63  }
0x6d: {  	s10 =	sadd.s32 @!p0 s6, s10;
	s25 =	simm.s32 @!p0 $0x200  }
0x6e: {  	[tilespmem:s25], [sflag:$0x5] =	stream.linear.gather @!p0 [hbm4b:s10+s9], $0x80, $0x38;
	[tilespmem:$0x1C000] =	vst v63  }
0x6f: {  	s10 =	simm.s32 @!p0 $0x300  }
0x70: {  	s25 =	sand.u32 @!p0 $0xFC00, s10  }
0x71: {  	s10 =	sand.u32 @!p0 $0x300, s10;
	s25 =	sadd.s32 @!p0 s7, s25  }
0x72: {  	s10 =	sor.u32 @!p0 s10, s25  }
0x73: {  	s10 =	sshrl.u32 @!p0 s10, $0x3  }
0x74: {  	s25 =	simm.s32 @!p0 $0x100;
	s10 =	sadd.s32 @!p0 s5, s10  }
0x75: {  	[tilespmem:s25], [sflag:$0x3] =	stream.linear.gather @!p0 [hbm4b:s10+s9], $0x80, $0x38;
	[tilespmem:$0x1C000] =	vst v63  }
0x76: {  	_ =	swait.ge [sflag:s20], $0x80  }
0x77: {  	[sflag:s20] =	ssyncset.done $0x0  }
0x78: {  	[sflag:s20] =	ssyncadd.s32 $0xFFFFFF80  }
0x79: {  	[spmem:s3] =	stream.indirect.scatter.add.f32 [tilespmem:s2], [sflag:$0xF], $0x80, s24, s26, $0xb8;
	[tilespmem:$0x1C000] =	vst v63  }
0x7a: {  	_ =	swait.ge [sflag:s14], $0x2000  }
0x7b: {  	[sflag:s14] =	ssyncset.done $0x0  }
0x7c: {  	[sflag:s14] =	ssyncadd.s32 $0xFFFFE000  }
0x7d: {  	_ =	swait.ge [sflag:s15], $0x2000  }
0x7e: {  	[sflag:s15] =	ssyncset.done $0x0  }
0x7f: {  	s10 =	simm.s32 @!p0 $0x2;
	[sflag:s15] =	ssyncadd.s32 $0xFFFFE000  }
0x80: {  	_ =	swait.ge @!p0 [sflag:s10], $0x80  }
0x81: {  	[sflag:s10] =	ssyncset.done @!p0 $0x0  }
0x82: {  	[sflag:s10] =	ssyncadd.s32 @!p0 $0xFFFFFF80  }
0x83: {  	[tilespmem:s22], [sflag:$0xA] =	stream.indirect.gather @!p0 [hbm4b:s1+s18], $0x80, s21, s18, $0xb8;
	[tilespmem:$0x1C000] =	vst v63  }
0x84: {  	s10 =	sadd.s32 @!p0 s6, s17  }
0x85: {  	[tilespmem:s19], [sflag:$0x6] =	stream.linear.gather @!p0 [hbm4b:s10+s9], $0x80, $0x38;
	[tilespmem:$0x1C000] =	vst v63  }
0x86: {  	s10 =	sand.u32 @!p0 $0xFC00, s13  }
0x87: {  	s17 =	sand.u32 @!p0 $0x380, s13;
	s10 =	sadd.s32 @!p0 s7, s10  }
0x88: {  	s10 =	sor.u32 @!p0 s17, s10  }
0x89: {  	s10 =	sshrl.u32 @!p0 s10, $0x3  }
0x8a: {  	s29 =	simm.s32 $0x580;
	s17 =	simm.s32 @!p0 $0x180;
	s10 =	sadd.s32 @!p0 s5, s10  }
0x8b: {  	[tilespmem:s17], [sflag:$0x4] =	stream.linear.gather @!p0 [hbm4b:s10+s9], $0x80, $0x38;
	[tilespmem:$0x1C000] =	vst v63  }
.LBB2_2:
0x8c: {  	_ =	swait.ge [sflag:s16], $0x80;
	s18 =	smov.u32 s29;
	s29 =	sadd.s32 $0x200, s29  }
0x8d: {  	p0 =	sne.s32 s29, $0x5380;
	[sflag:s16] =	ssyncset.done $0x0  }
0x8e: {  	p2 =	seq.s32 s18, $0x380;
	[sflag:s16] =	ssyncadd.s32 $0xFFFFFF80  }
0x8f: {  	[spmem:s3] =	stream.indirect.scatter.add.f32 [tilespmem:s12], [sflag:$0x10], $0x80, s13, s26, $0xb8;
	[tilespmem:$0x1C000] =	vst v63  }
0x90: {  	s9 =	simm.s32 @!p2 $0xF;
	_ =	swait.ge [sflag:s31], $0x2000  }
0x91: {  	s4 =	simm.s32 $0x200;
	[sflag:s31] =	ssyncset.done $0x0  }
0x92: {  	s10 =	sadd.s32 $0xFFFFFC80, s18;
	p1 =	seq.s32 s18, $0x5180;
	[sflag:s31] =	ssyncadd.s32 $0xFFFFE000  }
0x93: {  	s17 =	sand.u32 $0x7C00, s10;
	s10 =	sand.u32 $0x200, s10;
	_ =	swait.ge @!p2 [sflag:s9], $0x2000  }
0x94: {  	s19 =	sadd.s32 @!p1 $0xFFFFFF00, s18;
	s17 =	sadd.s32 s7, s17;
	[sflag:s9] =	ssyncset.done @!p2 $0x0  }
0x95: {  	[sflag:s9] =	ssyncadd.s32 @!p2 $0xFFFFE000;
	s9 =	sor.u32 s10, s17;
	s10 =	sadd.s32 @!p1 $0xFFFFFE80, s18  }
0x96: {  	_ =	swait.ge [sflag:s0], $0x80;
	s9 =	sshrl.u32 s9, $0x3;
	s17 =	sand.u32 @!p1 $0xFC00, s10  }
0x97: {  	s10 =	sand.u32 @!p1 $0x200, s10;
	[sflag:s0] =	ssyncset.done $0x0;
	s17 =	sadd.s32 @!p1 s7, s17  }
0x98: {  	s21 =	sadd.s32 s9, s6;
	[sflag:s0] =	ssyncadd.s32 $0xFFFFFF80;
	s10 =	sor.u32 @!p1 s10, s17  }
0x99: {  	s17 =	sadd.s32 $0x20, s21;
	s9 =	sshrl.u32 @!p1 s10, $0x3;
	s10 =	sand.u32 @!p1 $0xFC00, s19  }
0x9a: {  	[tilespmem:s2], [sflag:$0xB] =	stream.indirect.gather [hbm4b:s1+s26], $0x80, s23, s26, $0xb8;
	[tilespmem:$0x1C000] =	vst v63  }
0x9b: {  	s19 =	sand.u32 @!p1 $0x280, s19;
	s22 =	sadd.s32 @!p1 s5, s9;
	s25 =	sadd.s32 @!p1 s7, s10  }
0x9c: {  	[tilespmem:s24], [sflag:$0x7] =	stream.linear.gather [hbm4b:s17+s28], $0x80, $0x38;
	[tilespmem:$0x1C000] =	vst v63  }
0x9d: {  	s10 =	sadd.s32 @!p1 s6, s9;
	s23 =	simm.s32 $0x400;
	s17 =	simm.s32 @!p1 $0x0  }
0x9e: {  	[tilespmem:s17], [sflag:$0x1] =	stream.linear.gather @!p1 [hbm4b:s22+s17], $0x80, $0x38;
	[tilespmem:$0x1C000] =	vst v63  }
0x9f: {  	s9 =	sor.u32 @!p1 s19, s25;
	s19 =	sadd.s32 @!p1 $0xFFFFFF80, s18;
	_ =	swait.ge [sflag:s30], $0x80  }
0xa0: {  	s9 =	sshrl.u32 @!p1 s9, $0x3;
	s22 =	sand.u32 @!p1 $0xFC00, s19;
	[sflag:s30] =	ssyncset.done $0x0  }
0xa1: {  	s19 =	sand.u32 @!p1 $0x300, s19;
	s22 =	sadd.s32 @!p1 s7, s22;
	[sflag:s30] =	ssyncadd.s32 $0xFFFFFF80  }
0xa2: {  	[spmem:s3] =	stream.indirect.scatter.add.f32 [tilespmem:s23], [sflag:$0xD], $0x80, s4, s26, $0xb8;
	[tilespmem:$0x1C000] =	vst v63  }
0xa3: {  	s25 =	simm.s32 @!p2 $0x10;
	s19 =	sor.u32 @!p1 s19, s22;
	_ =	swait.ge [sflag:s8], $0x2000  }
0xa4: {  	s22 =	sadd.s32 @!p1 s5, s9;
	s19 =	sshrl.u32 @!p1 s19, $0x3;
	[sflag:s8] =	ssyncset.done $0x0  }
0xa5: {  	s9 =	sadd.s32 @!p1 s6, s9;
	s19 =	sadd.s32 @!p1 s5, s19;
	[sflag:s8] =	ssyncadd.s32 $0xFFFFE000  }
0xa6: {  	s23 =	sand.u32 @!p1 $0xFC00, s18;
	_ =	swait.ge @!p2 [sflag:s25], $0x2000  }
0xa7: {  	s18 =	sand.u32 @!p1 $0x380, s18;
	s23 =	sadd.s32 @!p1 s7, s23;
	[sflag:s25] =	ssyncset.done @!p2 $0x0  }
0xa8: {  	s18 =	sor.u32 @!p1 s18, s23;
	[sflag:s25] =	ssyncadd.s32 @!p2 $0xFFFFE000  }
0xa9: {  	s18 =	sshrl.u32 @!p1 s18, $0x3;
	_ =	swait.ge [sflag:s11], $0x80  }
0xaa: {  	s18 =	sadd.s32 @!p1 s5, s18;
	[sflag:s11] =	ssyncset.done $0x0  }
0xab: {  	s4 =	simm.s32 $0x180;
	[sflag:s11] =	ssyncadd.s32 $0xFFFFFF80  }
0xac: {  	[tilespmem:s12], [sflag:$0xC] =	stream.indirect.gather [hbm4b:s1+s26], $0x80, s4, s26, $0xb8;
	[tilespmem:$0x1C000] =	vst v63  }
0xad: {  	s21 =	sadd.s32 $0x30, s21;
	s23 =	simm.s32 @p1 $0x6  }
0xae: {  	[tilespmem:s13], [sflag:$0x8] =	stream.linear.gather [hbm4b:s21+s28], $0x80, $0x38;
	[tilespmem:$0x1C000] =	vst v63  }
0xaf: {  	s25 =	simm.s32 @p1 $0x280;
	s21 =	simm.s32 @p1 $0x40;
	_ =	swait.ge @p1 [sflag:s23], $0x80  }
0xb0: {  	s28 =	simm.s32 @p1 $0xB;
	[sflag:s23] =	ssyncset.done @p1 $0x0  }
0xb1: {  	[sflag:s23] =	ssyncadd.s32 @p1 $0xFFFFFF80;
	s23 =	simm.s32 @p1 $0x2400  }
0xb2: {  	[spmem:s3] =	stream.indirect.scatter.add.f32 @p1 [tilespmem:s23], [sflag:$0xE], $0x80, s25, s21, $0xb8;
	[tilespmem:$0x1C000] =	vst v63  }
0xb3: {  	s21 =	simm.s32 @p1 $0xD;
	_ =	swait.ge @p1 [sflag:s28], $0x2000  }
0xb4: {  	[sflag:s28] =	ssyncset.done @p1 $0x0  }
0xb5: {  	[sflag:s28] =	ssyncadd.s32 @p1 $0xFFFFE000  }
0xb6: {  	s25 =	simm.s32 @!p1 $0x80;
	_ =	swait.ge @p1 [sflag:s21], $0x2000  }
0xb7: {  	s23 =	simm.s32 @!p1 $0x6;
	[sflag:s21] =	ssyncset.done @p1 $0x0  }
0xb8: {  	[sflag:s21] =	ssyncadd.s32 @p1 $0xFFFFE000  }
0xb9: {  	[tilespmem:s25], [sflag:$0x2] =	stream.linear.gather @!p1 [hbm4b:s22+s17], $0x80, $0x38;
	[tilespmem:$0x1C000] =	vst v63  }
0xba: {  	s21 =	simm.s32 @!p1 $0x280;
	s22 =	simm.s32 @!p1 $0x40;
	_ =	swait.ge @!p1 [sflag:s23], $0x80  }
0xbb: {  	s28 =	simm.s32 @!p1 $0xB;
	[sflag:s23] =	ssyncset.done @!p1 $0x0  }
0xbc: {  	[sflag:s23] =	ssyncadd.s32 @!p1 $0xFFFFFF80;
	s23 =	simm.s32 @!p1 $0x2400  }
0xbd: {  	[spmem:s3] =	stream.indirect.scatter.add.f32 @!p1 [tilespmem:s23], [sflag:$0xE], $0x80, s21, s22, $0xb8;
	[tilespmem:$0x1C000] =	vst v63  }
0xbe: {  	s4 =	simm.s32 @!p1 $0xD;
	_ =	swait.ge @!p1 [sflag:s28], $0x2000  }
0xbf: {  	[sflag:s28] =	ssyncset.done @!p1 $0x0  }
0xc0: {  	[sflag:s28] =	ssyncadd.s32 @!p1 $0xFFFFE000  }
0xc1: {  	s28 =	simm.s32 @!p1 $0x1;
	_ =	swait.ge @!p1 [sflag:s4], $0x2000  }
0xc2: {  	[sflag:s4] =	ssyncset.done @!p1 $0x0  }
0xc3: {  	[sflag:s4] =	ssyncadd.s32 @!p1 $0xFFFFE000  }
0xc4: {  	s4 =	simm.s32 @!p1 $0x400;
	_ =	swait.ge @!p1 [sflag:s28], $0x80  }
0xc5: {  	[sflag:s28] =	ssyncset.done @!p1 $0x0  }
0xc6: {  	[sflag:s28] =	ssyncadd.s32 @!p1 $0xFFFFFF80;
	s28 =	simm.s32 @!p1 $0x200  }
0xc7: {  	[tilespmem:s4], [sflag:$0x9] =	stream.indirect.gather @!p1 [hbm4b:s1+s22], $0x80, s17, s22, $0xb8;
	[tilespmem:$0x1C000] =	vst v63  }
0xc8: {  	s4 =	simm.s32 @!p1 $0x100  }
0xc9: {  	[tilespmem:s28], [sflag:$0x5] =	stream.linear.gather @!p1 [hbm4b:s10+s17], $0x80, $0x38;
	[tilespmem:$0x1C000] =	vst v63  }
0xca: {  	s28 =	simm.s32 $0x0;
	_ =	sdelay $0x1  }
0xcb: {  	[tilespmem:s4], [sflag:$0x3] =	stream.linear.gather @!p1 [hbm4b:s19+s17], $0x80, $0x38;
	[tilespmem:$0x1C000] =	vst v63  }
0xcc: {  	_ =	swait.ge [sflag:s20], $0x80  }
0xcd: {  	[sflag:s20] =	ssyncset.done $0x0  }
0xce: {  	[sflag:s20] =	ssyncadd.s32 $0xFFFFFF80  }
0xcf: {  	[spmem:s3] =	stream.indirect.scatter.add.f32 [tilespmem:s2], [sflag:$0xF], $0x80, s24, s26, $0xb8;
	[tilespmem:$0x1C000] =	vst v63  }
0xd0: {  	_ =	swait.ge [sflag:s14], $0x2000  }
0xd1: {  	[sflag:s14] =	ssyncset.done $0x0  }
0xd2: {  	[sflag:s14] =	ssyncadd.s32 $0xFFFFE000  }
0xd3: {  	_ =	swait.ge [sflag:s15], $0x2000  }
0xd4: {  	s4 =	simm.s32 @!p1 $0x2;
	[sflag:s15] =	ssyncset.done $0x0  }
0xd5: {  	[sflag:s15] =	ssyncadd.s32 $0xFFFFE000  }
0xd6: {  	_ =	swait.ge @!p1 [sflag:s4], $0x80  }
0xd7: {  	[sflag:s4] =	ssyncset.done @!p1 $0x0  }
0xd8: {  	[sflag:s4] =	ssyncadd.s32 @!p1 $0xFFFFFF80  }
0xd9: {  	[tilespmem:s23], [sflag:$0xA] =	stream.indirect.gather @!p1 [hbm4b:s1+s22], $0x80, s25, s22, $0xb8;
	[tilespmem:$0x1C000] =	vst v63  }
.Ltmp0:
0xda: {  	s23 =	simm.s32 $0x100;
	(pc) =	sbr.rel @p0 .LBB2_2-.Ltmp0, $4  }
0xdb: {  	s4 =	simm.s32 @!p1 $0x180  }
0xdc: {  	[tilespmem:s21], [sflag:$0x6] =	stream.linear.gather @!p1 [hbm4b:s9+s17], $0x80, $0x38;
	[tilespmem:$0x1C000] =	vst v63  }
0xdd: {  	_ = 	snop  }
0xde: {  	[tilespmem:s4], [sflag:$0x4] =	stream.linear.gather @!p1 [hbm4b:s18+s17], $0x80, $0x38;
	[tilespmem:$0x1C000] =	vst v63  }
0xdf: {  	_ =	swait.ge [sflag:s16], $0x80  }
0xe0: {  	[sflag:s16] =	ssyncset.done $0x0  }
0xe1: {  	s4 =	simm.s32 $0xF;
	[sflag:s16] =	ssyncadd.s32 $0xFFFFFF80  }
0xe2: {  	[spmem:s3] =	stream.indirect.scatter.add.f32 [tilespmem:s12], [sflag:$0x10], $0x80, s13, s26, $0xb8;
	[tilespmem:$0x1C000] =	vst v63  }
0xe3: {  	_ =	swait.ge [sflag:s4], $0x2000  }
0xe4: {  	[sflag:s4] =	ssyncset.done $0x0  }
0xe5: {  	s22 =	simm.s32 $0x10;
	[sflag:s4] =	ssyncadd.s32 $0xFFFFE000  }
0xe6: {  	_ =	swait.ge [sflag:s22], $0x2000  }
0xe7: {  	[sflag:s22] =	ssyncset.done $0x0  }
0xe8: {  	[sflag:s22] =	ssyncadd.s32 $0xFFFFE000  }
0xe9: {  	[bflag:$0x0] =	sbarrier.arrive $0xFFFF  }
0xea: {  	s10 =	rddreg [dreg:$0x6]  }
0xeb: {  	s25 =	rddreg [dreg:$0xc]  }
0xec: {  	s17 =	simm.s32 $0x11;
	s9 =	rddreg [dreg:$0xe]  }
0xed: {  	[hbm:s25], [sflag:s10] =	dma.local [spmem:s9], $0x2780  }
0xee: {  	_ =	swait.ge [sflag:s17], $0x2780  }
0xef: {  	s18 =	rddreg [dreg:$0xf]  }
0xf0: {  	s29 =	rddreg [dreg:$0xd];
	s18 =	sadd.s32 $0x1, s18  }
0xf1: {  	p0 =	sne.s32 s18, s29  }
.Ltmp1:
0xf2: {  	_ = 	snop;
	(pc) =	sbr.rel @p0 .LBB2_1-.Ltmp1, $3  }
0xf3: {  	_ =	sdelay $0x1  }
0xf4: {  	s19 =	simm.s32 $0x180;
	[sflag:s17] =	ssyncset.done $0x0  }
0xf5: {  	s21 =	simm.s32 $0x200;
	s22 =	simm.s32 $0x400;
	[sflag:s17] =	ssyncadd.s32 $0xFFFFD880  }
0xf6: {  	_ =	sfence.sel $0x180000  }
0xf7: {  	[bflag:$0x0] =	sbarrier.arrive $0xFFFF  }
0xf8: {  	_ =	strace $0x9000004D  }
0xf9: {  	s0 =	stileid.u32;
	[bflag:$0x2] =	sbarrier.arrive $0xFFFF  }
0xfa: {  	p0 =	sne.s32 s0, $0x0;
	s0 =	rddreg [dreg:$0x3]  }
0xfb: {  	s0 =	sadd.s32 @!p0 $0x100000, s0  }
0xfc: {  	[sflag:s0] =	ssyncadd.tile.s32 @!p0 $0x1;
	_ =	shalt  }
.Lfunc_end2:
_tile_overlayer_lowered:
.L_overlay_start_2:
0xfd: {  	(tag) =	ssettag $0x2  }
0xfe: {  	s0 =	rddreg [dreg:$0x0];
	s2 =	stileid.u32  }
0xff: {  	s1 =	rddreg [dreg:$0x1];
	p0 =	sne.s32 s2, $0x0  }
0x100: {  	s3 =	rddreg [dreg:$0x2];
	[bflag:$0x3] =	sbarrier.arrive $0xFFFF;
	s2 =	simm.s32 @!p0 $0x1C11  }
0x101: {  	[timem:s3], [sflag:s2] =	dma.local @!p0 [hbm:s0], s1  }
0x102: {  	s0 =	simm.s32 @!p0 $0x11  }
0x103: {  	_ =	swait.ge @!p0 [sflag:s0], s1  }
0x104: {  	s1 =	ssub.s32 @!p0 $0x0, s1;
	[sflag:s0] =	ssyncset.done @!p0 $0x0  }
0x105: {  	[sflag:s0] =	ssyncadd.s32 @!p0 s1  }
0x106: {  	[bflag:$0x3] =	sbarrier.arrive $0xFFFF  }
0x107: {  	_ =	shalt  }

// kernel: kernel.9.cloned.1.call-start
scs
__scs_entry_jumppad:
0x0: {  	(pc) =	sbr.rel $0x88, $3  }
0x1: {  	(tag) =	ssettag $0x0;
	lr =	simm.s32 $0x1  }
0x2: {  	[smem:$0x3F9B] =	sst lr;
	_ =	strace $0xD0000000  }
0x3: {  	_ = 	snop  }
0x4: {  	_ = 	snop  }
0x5: {  	_ = 	snop  }
0x6: {  	_ = 	snop  }
0x7: {  	_ = 	snop  }
__scs_overlays_trampoline_lowered:
0x8: {  	[smem:$0x3FAA] =	sst s0  }
0x9: {  	[smem:$0x3FAB] =	sst s1  }
0xa: {  	[smem:$0x3FAC] =	sst s2  }
0xb: {  	[smem:$0x3FAD] =	sst s3  }
0xc: {  	[smem:$0x3FAE] =	sst s4  }
0xd: {  	[smem:$0x3FAF] =	sst s5  }
0xe: {  	[smem:$0x3FB0] =	sst s6  }
0xf: {  	[smem:$0x3FB1] =	sst s7  }
0x10: {  	[smem:$0x3FB2] =	sst s8  }
0x11: {  	[smem:$0x3FB3] =	sst s9;
	s0 =	simm.s32 @!p0 $0x0  }
0x12: {  	s1 =	sld [smem:$0x3F99];
	s0 =	simm.s32 @p0 $0x1  }
0x13: {  	[smem:$0x3FB4] =	sst s0;
	s0 =	simm.s32 @!p1 $0x0  }
0x14: {  	s2 =	sld [smem:$0x3F98];
	s0 =	simm.s32 @p1 $0x1  }
0x15: {  	[smem:$0x3FB5] =	sst s0;
	s0 =	simm.s32 @!p2 $0x0  }
0x16: {  	s3 =	sld [smem:$0x3FDB];
	s0 =	simm.s32 @p2 $0x1  }
0x17: {  	s4 =	simm.s32 $0x1BF5;
	[smem:$0x3FB7] =	sst s0  }
0x18: {  	s0 =	sld [smem:$0x3F9A];
	_ =	swait.ge [sflag:s4], $0x0  }
0x19: {  	s7 =	sld [smem:$0x3F9B]  }
0x1a: {  	s8 =	sadd.s32 $0xFFFFE003, lr  }
0x1b: {  	s9 =	sadd.s32 $0xFFFFFEF7, lr;
	s5 =	simm.s32 $0xFFFFFFFF;
	p2 =	slt.u32 s8, $0xFFFFF086  }
0x1c: {  	p1 =	slt.u32 s9, $0xF7A;
	s5 =	simm.s32 @!p2 $0x0  }
0x1d: {  	s5 =	simm.s32 @p1 $0x1;
	p0 =	seq.s32 s7, s2  }
0x1e: {  	s7 =	smul.u32 @!p0 $0xF7A, s2;
	p2 =	seq.s32 @!p0 s5, $0x0  }
0x1f: {  	s9 =	smul.u32 $0xF7A, s1;
	s8 =	simm.s32 @!p0 $0x1BF5;
	p2 =	por !p2, p0  }
0x20: {  	[sflag:s8] =	ssyncset.s32 @!p0 $0xFFFFF086;
	s6 =	sadd.s32 @!p0 s3, s7;
	s7 =	simm.s32 @!p0 $0x108  }
0x21: {  	s3 =	sadd.s32 s3, s9;
	s6 =	sadd.s32 @!p0 $0x88, s6;
	s7 =	simm.s32 @p2 $0x1082  }
0x22: {  	[simem:s7], [sflag:s8] =	dma.local @!p0 [hbm:s6], $0xF7A  }
0x23: {  	s9 =	sor.u32 $0xD0000000, s2;
	s6 =	simm.s32 $0x108;
	_ =	swait.ge @!p0 [sflag:s8], $0x0  }
0x24: {  	s3 =	sadd.s32 $0x88, s3;
	s6 =	simm.s32 @!p1 $0x1082;
	[sflag:s4] =	ssyncset.s32 $0xFFFFF086  }
0x25: {  	[simem:s6], [sflag:s4] =	dma.local [hbm:s3], $0xF7A  }
0x26: {  	[smem:$0x3F9B] =	sst s1;
	(tag) =	ssettag s2;
	_ =	strace s9  }
0x27: {  	s1 =	sld [smem:$0x3FAB]  }
0x28: {  	s2 =	sld [smem:$0x3FAC]  }
0x29: {  	s4 =	sld [smem:$0x3FAE]  }
0x2a: {  	p0 =	seq.s32 s5, $0x0;
	s5 =	sld [smem:$0x3FAF]  }
0x2b: {  	s6 =	sld [smem:$0x3FB0]  }
0x2c: {  	s7 =	sld [smem:$0x3FB1]  }
0x2d: {  	s3 =	simm.s32 $0x108;
	s8 =	sld [smem:$0x3FB2]  }
0x2e: {  	s3 =	simm.s32 @!p0 $0x1082;
	s9 =	sld [smem:$0x3FB3]  }
0x2f: {  	lr =	sadd.s32 s0, s3;
	s0 =	sld [smem:$0x3FAA]  }
0x30: {  	s3 =	sld [smem:$0x3FAD]  }
0x31: {  	[smem:$0x3FB6] =	sst s10  }
0x32: {  	s10 =	sld [smem:$0x3FB4];
	_ =	sdelay $0x3  }
0x33: {  	p0 =	seq.s32 s10, $0x1;
	s10 =	sld [smem:$0x3FB6];
	_ =	sdelay $0x3  }
0x34: {  	[smem:$0x3FB6] =	sst s10  }
0x35: {  	s10 =	sld [smem:$0x3FB5];
	_ =	sdelay $0x3  }
0x36: {  	p1 =	seq.s32 s10, $0x1;
	s10 =	sld [smem:$0x3FB6];
	_ =	sdelay $0x3  }
0x37: {  	[smem:$0x3FB6] =	sst s10  }
0x38: {  	s10 =	sld [smem:$0x3FB7]  }
0x39: {  	_ = 	snop;
	(pc) =	sbr.ind lr, $3  }
0x3a: {  	_ = 	snop  }
0x3b: {  	_ = 	snop  }
0x3c: {  	p2 =	seq.s32 s10, $0x1;
	s10 =	sld [smem:$0x3FB6]  }
0x3d: {  	_ =	shalt  }
0x3e: {  	_ =	shalt  }
0x3f: {  	_ =	shalt  }
0x40: {  	_ =	shalt  }
0x41: {  	_ =	shalt  }
0x42: {  	_ =	shalt  }
0x43: {  	_ =	shalt  }
0x44: {  	_ =	shalt  }
0x45: {  	_ =	shalt  }
0x46: {  	_ =	shalt  }
0x47: {  	_ =	shalt  }
0x48: {  	_ =	shalt  }
0x49: {  	_ =	shalt  }
0x4a: {  	_ =	shalt  }
0x4b: {  	_ =	shalt  }
0x4c: {  	_ =	shalt  }
0x4d: {  	_ =	shalt  }
0x4e: {  	_ =	shalt  }
0x4f: {  	_ =	shalt  }
0x50: {  	_ =	shalt  }
0x51: {  	_ =	shalt  }
0x52: {  	_ =	shalt  }
0x53: {  	_ =	shalt  }
0x54: {  	_ =	shalt  }
0x55: {  	_ =	shalt  }
0x56: {  	_ =	shalt  }
0x57: {  	_ =	shalt  }
0x58: {  	_ =	shalt  }
0x59: {  	_ =	shalt  }
0x5a: {  	_ =	shalt  }
0x5b: {  	_ =	shalt  }
0x5c: {  	_ =	shalt  }
0x5d: {  	_ =	shalt  }
0x5e: {  	_ =	shalt  }
0x5f: {  	_ =	shalt  }
0x60: {  	_ =	shalt  }
0x61: {  	_ =	shalt  }
0x62: {  	_ =	shalt  }
0x63: {  	_ =	shalt  }
0x64: {  	_ =	shalt  }
0x65: {  	_ =	shalt  }
0x66: {  	_ =	shalt  }
0x67: {  	_ =	shalt  }
0x68: {  	_ =	shalt  }
0x69: {  	_ =	shalt  }
0x6a: {  	_ =	shalt  }
0x6b: {  	_ =	shalt  }
0x6c: {  	_ =	shalt  }
0x6d: {  	_ =	shalt  }
0x6e: {  	_ =	shalt  }
0x6f: {  	_ =	shalt  }
0x70: {  	_ =	shalt  }
0x71: {  	_ =	shalt  }
0x72: {  	_ =	shalt  }
0x73: {  	_ =	shalt  }
0x74: {  	_ =	shalt  }
0x75: {  	_ =	shalt  }
0x76: {  	_ =	shalt  }
0x77: {  	_ =	shalt  }
0x78: {  	_ =	shalt  }
0x79: {  	_ =	shalt  }
0x7a: {  	_ =	shalt  }
0x7b: {  	_ =	shalt  }
0x7c: {  	_ =	shalt  }
0x7d: {  	_ =	shalt  }
0x7e: {  	_ =	shalt  }
0x7f: {  	_ =	shalt  }
0x80: {  	_ =	shalt  }
0x81: {  	_ =	shalt  }
0x82: {  	_ =	shalt  }
0x83: {  	_ =	shalt  }
0x84: {  	_ =	shalt  }
0x85: {  	_ =	shalt  }
0x86: {  	_ =	shalt  }
0x87: {  	_ =	shalt  }
.Lfunc_end0:
.L_simem_size_0:
called_computation_lowered:
.L_overlay_start_0:
0x88: {  	s2 =	sld [smem:$0x3FD9]  }
0x89: {  	s3 =	sld [smem:$0x3FFE];
	_ =	sdelay $0x1  }
0x8a: {  	s1 =	srdreg.scid  }
0x8b: {  	s0 =	sand.u32 $0x1, s1  }
0x8c: {  	s17 =	sshll.u32 s0, $0xA;
	s2 =	sadd.s32 s3, s2  }
0x8d: {  	s2 =	sadd.s32 s2, s17  }
0x8e: {  	[smem:$0x3FC2] =	sst s2  }
0x8f: {  	_ = 	snop  }
0x90: {  	s2 =	sld [smem:$0x3FD0];
	(tm) =	ssettm $0x1  }
0x91: {  	s18 =	sld [smem:$0x3FFB];
	_ =	sdelay $0x3  }
0x92: {  	_ =	strace s18  }
0x93: {  	s3 =	sld [smem:$0x3FFC];
	_ =	sdelay $0x3  }
0x94: {  	_ =	strace s3  }
0x95: {  	s3 =	sld [smem:$0x3FFD];
	_ =	sdelay $0x3  }
0x96: {  	_ =	strace s3  }
0x97: {  	_ =	strace $0x8FFFFFFF  }
0x98: {  	s19 =	sld [smem:$0x3FDB];
	_ =	sdelay $0x1  }
0x99: {  	s4 =	simm.s32 $_scs_section_size  }
0x9a: {  	s5 =	simm.s32 $_size__tile_overlayer_lowered;
	s6 =	simm.s32 $_tile_overlayer_lowered  }
0x9b: {  	s22 =	simm.s32 $0x1BFF;
	s21 =	sshll.u32 s6, $0x1;
	s3 =	sadd.s32 s4, s19  }
0x9c: {  	s7 =	simm.s32 $0x0;
	s20 =	sshll.u32 s5, $0x1;
	s5 =	sadd.s32 s21, s3  }
0x9d: {  	[timem:s7], [sflag:s22] =	dma.local [hbm:s5], s20  }
0x9e: {  	_ =	swait.ge [sflag:s22], s20  }
0x9f: {  	s4 =	ssub.s32 $0x0, s20;
	[sflag:s22] =	ssyncset.done $0x0  }
0xa0: {  	[sflag:s22] =	ssyncadd.s32 s4;
	_ =	sdelay $0x1  }
0xa1: {  	s23 =	simm.s32 $0x1B8B  }
0xa2: {  	_ =	swait.ge [sflag:s23], $0x1  }
0xa3: {  	[sflag:s23] =	ssyncset.done $0x0  }
0xa4: {  	s25 =	simm.s32 $0x1B8E;
	s24 =	sld [smem:$0x3FFE];
	[sflag:s23] =	ssyncadd.s32 $0xFFFFFFFF  }
0xa5: {  	s26 =	simm.s32 $execute0_lowered;
	[smem:$0x3FD2] =	sst s25  }
0xa6: {  	s5 =	sshll.u32 s26, $0x1;
	_ =	strace $0x80000046;
	[dreg:$0x1] =	wrdreg $0xFFFFFFFF  }
0xa7: {  	s28 =	simm.s32 $_size_execute0_lowered;
	s3 =	sadd.s32 s3, s5;
	[dreg:$0x0] =	wrdreg $0x0  }
0xa8: {  	s5 =	sshll.u32 s28, $0x1;
	[dreg:$0x2] =	wrdreg s3  }
0xa9: {  	[dreg:$0x3] =	wrdreg s5  }
0xaa: {  	[dreg:$0x4] =	wrdreg $0xC0  }
0xab: {  	_ =	task [dreg:s7], $0x5FFFF  }
0xac: {  	[dreg:$0x1] =	wrdreg $0xFFFFFFFF  }
0xad: {  	[dreg:$0x0] =	wrdreg $0x60  }
0xae: {  	[dreg:$0x2] =	wrdreg s24  }
0xaf: {  	[dreg:$0x3] =	wrdreg s2  }
0xb0: {  	[dreg:$0x4] =	wrdreg $0x50800  }
0xb1: {  	[dreg:$0x5] =	wrdreg $0x9  }
0xb2: {  	_ =	task.clear_ibuf [dreg:s7], $0x6FFFF;
	_ =	strace $0x90000046  }
0xb3: {  	s29 =	simm.s32 $0x9;
	_ =	strace $0x80000048  }
0xb4: {  	_ =	swait.ge [sflag:s29], $0x1  }
0xb5: {  	[sflag:s29] =	ssyncadd.s32 $0xFFFFFFFF  }
0xb6: {  	_ =	strace $0x90000048  }
0xb7: {  	_ =	sfence  }
0xb8: {  	s30 =	sld [smem:$0x0];
	_ =	sdelay $0x2  }
0xb9: {  	s31 =	sshll.u32 s1, $0xD;
	s1 =	sshrl.u32 s1, $0x2  }
0xba: {  	s3 =	sand.u32 $0x4000, s31;
	s1 =	sadd.s32 s1, s30  }
0xbb: {  	s0 =	sor.u32 s3, s0;
	s1 =	sshll.u32 s1, $0x11  }
0xbc: {  	s0 =	sor.u32 s1, s0  }
0xbd: {  	s0 =	sadd.s32 $0x8F2B, s0  }
0xbe: {  	[sflag:s0] =	ssyncadd.remote.s32 $0x1  }
0xbf: {  	_ =	sfence.sel $0xFFFF  }
0xc0: {  	[dreg:$0x0] =	wrdreg $0xFFFFFFFF;
	(pc) =	sbr.abs _section_cstart, $3  }
0xc1: {  	[dreg:$0x1] =	wrdreg $0xFFFFFFFF  }
0xc2: {  	_ =	task.clear_ibuf [dreg:s7], $0x2FFFF;
	_ =	strace $0x9FFFFFFF  }
0xc3: {  	(tm) =	ssettm $0x7FFFFFFF  }
tec
execute0_lowered:
.L_overlay_start_1:
0x0: {  	(tag) =	ssettag $0x1  }
0x1: {  	s4 =	rddreg [dreg:$0x0]  }
0x2: {  	s7 =	rddreg [dreg:$0x1]  }
0x3: {  	s2 =	rddreg [dreg:$0x2]  }
0x4: {  	s0 =	rddreg [dreg:$0x3];
	s5 =	srdreg.scid  }
0x5: {  	s1 =	stileid.u32;
	s3 =	simm.s32 $0x0;
	s12 =	simm.s32 $0x5000  }
0x6: {  	s13 =	simm.s32 $0x0;
	s5 =	sand.u32 $0x1, s5;
	s6 =	sshll.u32 s1, $0x1  }
0x7: {  	[smem:$0x7FF] =	sst s3;
	s8 =	smul.u32 $0x280, s1;
	s31 =	sshll.u32 s1, $0x6  }
0x8: {  	s6 =	sor.u32 s5, s6;
	s10 =	ssub.s32 $0x2, s5;
	s5 =	smul.u32 $0x2800, s5  }
0x9: {  	_ =	strace $0x80000047;
	s6 =	smul.u32 $0xA00, s6;
	s9 =	sshrl.u32 s8, $0x3  }
0xa: {  	s29 =	sshrl.u32 s10, $0x1;
	s30 =	sadd.s32 s8, s2;
	s5 =	sadd.s32 s8, s5  }
0xb: {  	s6 =	sadd.s32 s6, s4;
	s4 =	sadd.s32 s9, s4;
	s9 =	ssub.s32 s10, s29  }
0xc: {  	s11 =	sshrl.u32 s5, $0x3;
	s5 =	sor.u32 $0x1C01, s31;
	s10 =	simm.s32 $0x1  }
0xd: {  	s4 =	sadd.s32 $0x16400, s4;
	s6 =	sadd.s32 $0x2400, s6;
	s7 =	sadd.s32 s7, s11  }
0xe: {  	v0 =	vimm.f32 $1.000000000e+00;
	s8 =	smax.u32 s9, $0x1;
	s9 =	sshrl.u32 s30, $0x3;
	s11 =	simm.s32 $0x40  }
.LBB2_1:
0xf: {  	[spmem:s9], [sflag:s5] =	dma.local [hbm:s4], $0x50  }
0x10: {  	_ =	swait.ge [sflag:s10], $0x50  }
0x11: {  	[sflag:s10] =	ssyncset.done $0x0  }
0x12: {  	[sflag:s10] =	ssyncadd.s32 $0xFFFFFFB0  }
0x13: {  	[tilespmem:s3], [sflag:$0x1] =	stream.linear.gather [hbm4b:s6+s3], $0x5000, $0x38;
	[tilespmem:$0x5300] =	vst v63  }
0x14: {  	_ =	swait.ge [sflag:s10], $0x5000  }
0x15: {  	[sflag:s10] =	ssyncset.done $0x0  }
0x16: {  	[sflag:s10] =	ssyncadd.s32 $0xFFFFB000  }
0x17: {  	[tilespmem:$0x5000] =	vst v0  }
0x18: {  	[tilespmem:$0x5010] =	vst v0  }
0x19: {  	[tilespmem:$0x5020] =	vst v0  }
0x1a: {  	[tilespmem:$0x5030] =	vst v0  }
0x1b: {  	s14 =	simm.s32 $0x0;
	[bflag:$0x0] =	sbarrier.arrive $0xFFFF  }
0x1c: {  	[spmem:s2] =	stream.indirect.scatter.add.f32 [tilespmem:s12], [sflag:$0x1], $0x1, s14, s11, $0xb8;
	[tilespmem:$0x5300] =	vst v63  }
0x1d: {  	_ =	swait.ge [sflag:s10], $0x40  }
0x1e: {  	s14 =	simm.s32 $0x200;
	[sflag:s10] =	ssyncset.done $0x0  }
.LBB2_2:
0x1f: {  	s15 =	sshra.s32 s14, $0x2;
	[sflag:s10] =	ssyncadd.s32 $0xFFFFFFC0;
	p0 =	sne.s32 s14, $0x13E00  }
0x20: {  	[spmem:s2] =	stream.indirect.scatter.add.f32 [tilespmem:s12], [sflag:$0x1], $0x1, s15, s11, $0xb8;
	[tilespmem:$0x5300] =	vst v63  }
.Ltmp0:
0x21: {  	_ = 	snop;
	(pc) =	sbr.rel @p0 .LBB2_2-.Ltmp0, $4  }
0x22: {  	_ = 	snop  }
0x23: {  	s14 =	sadd.s32 $0x200, s14  }
0x24: {  	_ =	swait.ge [sflag:s10], $0x40  }
0x25: {  	[sflag:s10] =	ssyncset.done $0x0  }
0x26: {  	s13 =	sadd.s32 $0x1, s13  }
0x27: {  	[sflag:s10] =	ssyncadd.s32 $0xFFFFFFC0;
	p0 =	sne.s32 s13, s8  }
.Ltmp1:
0x28: {  	[bflag:$0x0] =	sbarrier.arrive $0xFFFF;
	(pc) =	sbr.rel @p0 .LBB2_1-.Ltmp1, $4  }
0x29: {  	[hbm:s7], [sflag:s5] =	dma.local [spmem:s9], $0x50  }
0x2a: {  	_ =	swait.ge [sflag:s10], $0x50  }
0x2b: {  	[sflag:s10] =	ssyncset.done $0x0  }
0x2c: {  	[sflag:s10] =	ssyncadd.s32 $0xFFFFFFB0  }
0x2d: {  	_ =	sfence.sel $0x180000  }
0x2e: {  	[bflag:$0x0] =	sbarrier.arrive $0xFFFF  }
0x2f: {  	p0 =	sne.s32 s1, $0x0;
	_ =	strace $0x90000047  }
0x30: {  	s0 =	sadd.s32 @!p0 $0x100000, s0;
	[bflag:$0x2] =	sbarrier.arrive $0xFFFF  }
0x31: {  	[sflag:s0] =	ssyncadd.tile.s32 @!p0 $0x1;
	_ =	shalt  }
.Lfunc_end2:
_tile_overlayer_lowered:
.L_overlay_start_2:
0x32: {  	(tag) =	ssettag $0x2  }
0x33: {  	s0 =	rddreg [dreg:$0x0];
	s2 =	stileid.u32  }
0x34: {  	s1 =	rddreg [dreg:$0x1];
	p0 =	sne.s32 s2, $0x0  }
0x35: {  	s3 =	rddreg [dreg:$0x2];
	[bflag:$0x3] =	sbarrier.arrive $0xFFFF;
	s2 =	simm.s32 @!p0 $0x1C01  }
0x36: {  	[timem:s3], [sflag:s2] =	dma.local @!p0 [hbm:s0], s1  }
0x37: {  	s0 =	simm.s32 @!p0 $0x1  }
0x38: {  	_ =	swait.ge @!p0 [sflag:s0], s1  }
0x39: {  	s1 =	ssub.s32 @!p0 $0x0, s1;
	[sflag:s0] =	ssyncset.done @!p0 $0x0  }
0x3a: {  	[sflag:s0] =	ssyncadd.s32 @!p0 s1  }
0x3b: {  	[bflag:$0x3] =	sbarrier.arrive $0xFFFF  }
0x3c: {  	_ =	shalt  }

</sc_bundles>
